<compile_context>
chip_gen: v7x
topology: tpu7x:2x2x1
jax: 0.10.2.dev20260603
libtpu: 0.0.44.dev20260713+nightly
codegen_flags: <defaults>
</compile_context>

<pallas_src>
import functools
import jax
import jax.numpy as jnp
from jax import lax
from jax.experimental import pallas as pl
from jax.experimental.pallas import tpu as pltpu
from jax.experimental.pallas import tpu_sc as plsc

_NC = 2
_NS = 16
_LANES = 16
_C = 4


def kernel(x, weight):
    batch, seq_len, dim = x.shape
    nw = _NC * _NS
    rows = seq_len // nw
    n_chunks = rows // _C
    cols = dim // _LANES

    mesh = plsc.VectorSubcoreMesh(core_axis_name="c", subcore_axis_name="s")

    @functools.partial(
        pl.kernel,
        mesh=mesh,
        out_type=jax.ShapeDtypeStruct(x.shape, x.dtype),
        scratch_types=[
            pltpu.VMEM((2, batch, _C, dim), jnp.float32),
            pltpu.VMEM((2, batch, _C, dim), jnp.float32),
            pltpu.VMEM((2, _C, dim), jnp.float32),
            pltpu.SemaphoreType.DMA,
            pltpu.SemaphoreType.DMA,
            pltpu.SemaphoreType.DMA,
            pltpu.SemaphoreType.DMA,
        ],
    )
    def _sc_add(x_hbm, w_hbm, out_hbm, vx, vo, vw, sl0, sl1, ss0, ss1):
        wid = lax.axis_index("s") * _NC + lax.axis_index("c")
        s0 = wid * rows
        sls = (sl0, sl1)
        sss = (ss0, ss1)

        def issue_loads(g, p):
            s = s0 + g * _C
            for b in range(batch):
                pltpu.async_copy(x_hbm.at[b, pl.ds(s, _C), :], vx.at[p, b], sls[p])
            pltpu.async_copy(w_hbm.at[pl.ds(s, _C), :], vw.at[p], sls[p])

        def wait_loads(g, p):
            s = s0 + g * _C
            for b in range(batch):
                pltpu.make_async_copy(
                    x_hbm.at[b, pl.ds(s, _C), :], vx.at[p, b], sls[p]
                ).wait()
            pltpu.make_async_copy(w_hbm.at[pl.ds(s, _C), :], vw.at[p], sls[p]).wait()

        def issue_stores(g, p):
            s = s0 + g * _C
            for b in range(batch):
                pltpu.async_copy(vo.at[p, b], out_hbm.at[b, pl.ds(s, _C), :], sss[p])

        def wait_stores(g, p):
            s = s0 + g * _C
            for b in range(batch):
                pltpu.make_async_copy(
                    vo.at[p, b], out_hbm.at[b, pl.ds(s, _C), :], sss[p]
                ).wait()

        issue_loads(0, 0)
        issue_loads(1, 1)

        def pair(i, carry):
            for p in range(2):
                g = 2 * i + p
                wait_loads(g, p)

                @pl.when(g >= 2)
                def _():
                    wait_stores(g - 2, p)

                def add_col(j, c2):
                    col = pl.ds(j * _LANES, _LANES)
                    for r in range(_C):
                        wv = vw[p, r, col]
                        for b in range(batch):
                            vo[p, b, r, col] = vx[p, b, r, col] + wv
                    return c2

                lax.fori_loop(0, cols, add_col, 0)
                issue_stores(g, p)

                @pl.when(g + 2 < n_chunks)
                def _():
                    issue_loads(g + 2, p)

            return carry

        lax.fori_loop(0, n_chunks // 2, pair, 0)
        wait_stores(n_chunks - 2, 0)
        wait_stores(n_chunks - 1, 1)

    return _sc_add(x, weight[:seq_len])

# --- scband reference (transcript-rebuilt; emitter-appended) ---
"""Pipeline reference for scband-position-embedding-10565619548239 (READ-ONLY COPY).

The authoritative reference and input builder live on the scoring server;
editing this copy changes nothing except your own understanding.
"""

import jax, jax.numpy as jnp
import numpy as np

NUM_EMBEDDINGS = 8192
EMBEDDING_DIM = 1024
BATCH = 4
SEQ_LEN = 8192


def _xavier_normal(key, shape):
    fan_in, fan_out = shape[1], shape[0]
    std = (2.0 / (fan_in + fan_out)) ** 0.5
    return jax.random.normal(key, shape, dtype=jnp.float32) * std


def setup_inputs(seed: int = 0) -> dict:
    key = jax.random.key(seed)
    kx, kw = jax.random.split(key)
    x = jax.random.normal(kx, (BATCH, SEQ_LEN, EMBEDDING_DIM), dtype=jnp.float32)
    weight = _xavier_normal(kw, (NUM_EMBEDDINGS, EMBEDDING_DIM))
    return {"x": x, "weight": weight}


def reference(x, weight):
    # MODE_ADD: x + weight[:seq_len].view(1, seq_len, dim)
    seq_len = x.shape[1]
    embeddings = weight[:seq_len, :].reshape(1, seq_len, EMBEDDING_DIM)
    return x + embeddings

if __name__ == "__main__":
    import jax
    _d = setup_inputs()
    print(jax.jit(kernel)(*tuple(_d.values())))

</pallas_src>

<mosaic_0001>
#map = affine_map<(d0, d1) -> (0, 0, 0)>
#map1 = affine_map<(d0, d1) -> (0, 0)>
module attributes {stable_mosaic.version = 14 : i64} {
  func.func @_sc_add(%arg0: i32, %arg1: i32, %arg2: memref<4x8192x1024xf32, #tpu.memory_space<hbm>>, %arg3: memref<8192x1024xf32, #tpu.memory_space<hbm>>, %arg4: memref<4x8192x1024xf32, #tpu.memory_space<hbm>>, %arg5: memref<2x4x4x1024xf32, #tpu.memory_space<vmem>>, %arg6: memref<2x4x4x1024xf32, #tpu.memory_space<vmem>>, %arg7: memref<2x4x1024xf32, #tpu.memory_space<vmem>>, %arg8: memref<!tpu.dma_semaphore, #tpu.memory_space<semaphore_mem>>, %arg9: memref<!tpu.dma_semaphore, #tpu.memory_space<semaphore_mem>>, %arg10: memref<!tpu.dma_semaphore, #tpu.memory_space<semaphore_mem>>, %arg11: memref<!tpu.dma_semaphore, #tpu.memory_space<semaphore_mem>>) attributes {dimension_semantics = [#tpu.dimension_semantics<core_parallel>, #tpu.dimension_semantics<subcore_parallel>], iteration_bounds = array<i64: 2, 16>, scalar_prefetch = 0 : i64, scratch_operands = 7 : i64, tpu.core_type = #tpu.core_type<sc_vector_subcore>, window_params = [{transform_indices = #map}, {transform_indices = #map1}, {transform_indices = #map}]} {
    %mul3A = arith.constant 2 : i32
    %mul3A_0 = arith.muli %arg1, %mul3A : i32
    %add3A = arith.addi %mul3A_0, %arg0 : i32
    %mul3A_1 = arith.constant 256 : i32
    %mul3A_2 = arith.muli %add3A, %mul3A_1 : i32
    %add3A_3 = arith.constant 0 : i32
    %add3A_4 = arith.addi %mul3A_2, %add3A_3 : i32
    %dma_start3A = arith.constant 0 : i32
    %dma_start3A_5 = arith.constant 0 : i32
    %dma_start3A_6 = arith.constant 0 : i32
    %dma_start3A_7 = arith.constant 0 : i32
    %dma_start3A_8 = arith.constant 0 : i32
    %dma_start3A_9 = tpu.memref_slice %arg5[%dma_start3A_5, %dma_start3A_6, %dma_start3A_7, %dma_start3A_8] : memref<2x4x4x1024xf32, #tpu.memory_space<vmem>> -> memref<1x1x4x1024xf32, #tpu.memory_space<vmem>>
    %dma_start3A_10 = tpu.memref_squeeze %dma_start3A_9 : memref<1x1x4x1024xf32, #tpu.memory_space<vmem>> -> memref<4x1024xf32, #tpu.memory_space<vmem>>
    %dma_start3A_11 = arith.constant 0 : i32
    %dma_start3A_12 = tpu.memref_slice %arg2[%dma_start3A, %add3A_4, %dma_start3A_11] : memref<4x8192x1024xf32, #tpu.memory_space<hbm>> -> memref<1x4x1024xf32, #tpu.memory_space<hbm>>
    %dma_start3A_13 = tpu.memref_squeeze %dma_start3A_12 : memref<1x4x1024xf32, #tpu.memory_space<hbm>> -> memref<4x1024xf32, #tpu.memory_space<hbm>>
    %dma_start3A_14 = arith.constant 0 : i32
    %dma_start3A_15 = arith.constant 0 : i32
    %dma_start3A_16 = tpu.memref_slice %arg5[%dma_start3A_5, %dma_start3A_6, %dma_start3A_14, %dma_start3A_15] : memref<2x4x4x1024xf32, #tpu.memory_space<vmem>> -> memref<1x1x4x1024xf32, #tpu.memory_space<vmem>>
    %dma_start3A_17 = tpu.memref_squeeze %dma_start3A_16 : memref<1x1x4x1024xf32, #tpu.memory_space<vmem>> -> memref<4x1024xf32, #tpu.memory_space<vmem>>
    %dma_start3A_18 = arith.constant 0 : i32
    %dma_start3A_19 = tpu.memref_slice %arg2[%dma_start3A, %add3A_4, %dma_start3A_18] : memref<4x8192x1024xf32, #tpu.memory_space<hbm>> -> memref<1x4x1024xf32, #tpu.memory_space<hbm>>
    %dma_start3A_20 = tpu.memref_squeeze %dma_start3A_19 : memref<1x4x1024xf32, #tpu.memory_space<hbm>> -> memref<4x1024xf32, #tpu.memory_space<hbm>>
    tpu.enqueue_dma source(%dma_start3A_20 : memref<4x1024xf32, #tpu.memory_space<hbm>>) target(%dma_start3A_17 : memref<4x1024xf32, #tpu.memory_space<vmem>>) target_semaphore(%arg8 : memref<!tpu.dma_semaphore, #tpu.memory_space<semaphore_mem>>)
    %dma_start3A_21 = arith.constant 1 : i32
    %dma_start3A_22 = arith.constant 0 : i32
    %dma_start3A_23 = arith.constant 1 : i32
    %dma_start3A_24 = arith.constant 0 : i32
    %dma_start3A_25 = arith.constant 0 : i32
    %dma_start3A_26 = tpu.memref_slice %arg5[%dma_start3A_22, %dma_start3A_23, %dma_start3A_24, %dma_start3A_25] : memref<2x4x4x1024xf32, #tpu.memory_space<vmem>> -> memref<1x1x4x1024xf32, #tpu.memory_space<vmem>>
    %dma_start3A_27 = tpu.memref_squeeze %dma_start3A_26 : memref<1x1x4x1024xf32, #tpu.memory_space<vmem>> -> memref<4x1024xf32, #tpu.memory_space<vmem>>
    %dma_start3A_28 = arith.constant 0 : i32
    %dma_start3A_29 = tpu.memref_slice %arg2[%dma_start3A_21, %add3A_4, %dma_start3A_28] : memref<4x8192x1024xf32, #tpu.memory_space<hbm>> -> memref<1x4x1024xf32, #tpu.memory_space<hbm>>
    %dma_start3A_30 = tpu.memref_squeeze %dma_start3A_29 : memref<1x4x1024xf32, #tpu.memory_space<hbm>> -> memref<4x1024xf32, #tpu.memory_space<hbm>>
    %dma_start3A_31 = arith.constant 0 : i32
    %dma_start3A_32 = arith.constant 0 : i32
    %dma_start3A_33 = tpu.memref_slice %arg5[%dma_start3A_22, %dma_start3A_23, %dma_start3A_31, %dma_start3A_32] : memref<2x4x4x1024xf32, #tpu.memory_space<vmem>> -> memref<1x1x4x1024xf32, #tpu.memory_space<vmem>>
    %dma_start3A_34 = tpu.memref_squeeze %dma_start3A_33 : memref<1x1x4x1024xf32, #tpu.memory_space<vmem>> -> memref<4x1024xf32, #tpu.memory_space<vmem>>
    %dma_start3A_35 = arith.constant 0 : i32
    %dma_start3A_36 = tpu.memref_slice %arg2[%dma_start3A_21, %add3A_4, %dma_start3A_35] : memref<4x8192x1024xf32, #tpu.memory_space<hbm>> -> memref<1x4x1024xf32, #tpu.memory_space<hbm>>
    %dma_start3A_37 = tpu.memref_squeeze %dma_start3A_36 : memref<1x4x1024xf32, #tpu.memory_space<hbm>> -> memref<4x1024xf32, #tpu.memory_space<hbm>>
    tpu.enqueue_dma source(%dma_start3A_37 : memref<4x1024xf32, #tpu.memory_space<hbm>>) target(%dma_start3A_34 : memref<4x1024xf32, #tpu.memory_space<vmem>>) target_semaphore(%arg8 : memref<!tpu.dma_semaphore, #tpu.memory_space<semaphore_mem>>)
    %dma_start3A_38 = arith.constant 2 : i32
    %dma_start3A_39 = arith.constant 0 : i32
    %dma_start3A_40 = arith.constant 2 : i32
    %dma_start3A_41 = arith.constant 0 : i32
    %dma_start3A_42 = arith.constant 0 : i32
    %dma_start3A_43 = tpu.memref_slice %arg5[%dma_start3A_39, %dma_start3A_40, %dma_start3A_41, %dma_start3A_42] : memref<2x4x4x1024xf32, #tpu.memory_space<vmem>> -> memref<1x1x4x1024xf32, #tpu.memory_space<vmem>>
    %dma_start3A_44 = tpu.memref_squeeze %dma_start3A_43 : memref<1x1x4x1024xf32, #tpu.memory_space<vmem>> -> memref<4x1024xf32, #tpu.memory_space<vmem>>
    %dma_start3A_45 = arith.constant 0 : i32
    %dma_start3A_46 = tpu.memref_slice %arg2[%dma_start3A_38, %add3A_4, %dma_start3A_45] : memref<4x8192x1024xf32, #tpu.memory_space<hbm>> -> memref<1x4x1024xf32, #tpu.memory_space<hbm>>
    %dma_start3A_47 = tpu.memref_squeeze %dma_start3A_46 : memref<1x4x1024xf32, #tpu.memory_space<hbm>> -> memref<4x1024xf32, #tpu.memory_space<hbm>>
    %dma_start3A_48 = arith.constant 0 : i32
    %dma_start3A_49 = arith.constant 0 : i32
    %dma_start3A_50 = tpu.memref_slice %arg5[%dma_start3A_39, %dma_start3A_40, %dma_start3A_48, %dma_start3A_49] : memref<2x4x4x1024xf32, #tpu.memory_space<vmem>> -> memref<1x1x4x1024xf32, #tpu.memory_space<vmem>>
    %dma_start3A_51 = tpu.memref_squeeze %dma_start3A_50 : memref<1x1x4x1024xf32, #tpu.memory_space<vmem>> -> memref<4x1024xf32, #tpu.memory_space<vmem>>
    %dma_start3A_52 = arith.constant 0 : i32
    %dma_start3A_53 = tpu.memref_slice %arg2[%dma_start3A_38, %add3A_4, %dma_start3A_52] : memref<4x8192x1024xf32, #tpu.memory_space<hbm>> -> memref<1x4x1024xf32, #tpu.memory_space<hbm>>
    %dma_start3A_54 = tpu.memref_squeeze %dma_start3A_53 : memref<1x4x1024xf32, #tpu.memory_space<hbm>> -> memref<4x1024xf32, #tpu.memory_space<hbm>>
    tpu.enqueue_dma source(%dma_start3A_54 : memref<4x1024xf32, #tpu.memory_space<hbm>>) target(%dma_start3A_51 : memref<4x1024xf32, #tpu.memory_space<vmem>>) target_semaphore(%arg8 : memref<!tpu.dma_semaphore, #tpu.memory_space<semaphore_mem>>)
    %dma_start3A_55 = arith.constant 3 : i32
    %dma_start3A_56 = arith.constant 0 : i32
    %dma_start3A_57 = arith.constant 3 : i32
    %dma_start3A_58 = arith.constant 0 : i32
    %dma_start3A_59 = arith.constant 0 : i32
    %dma_start3A_60 = tpu.memref_slice %arg5[%dma_start3A_56, %dma_start3A_57, %dma_start3A_58, %dma_start3A_59] : memref<2x4x4x1024xf32, #tpu.memory_space<vmem>> -> memref<1x1x4x1024xf32, #tpu.memory_space<vmem>>
    %dma_start3A_61 = tpu.memref_squeeze %dma_start3A_60 : memref<1x1x4x1024xf32, #tpu.memory_space<vmem>> -> memref<4x1024xf32, #tpu.memory_space<vmem>>
    %dma_start3A_62 = arith.constant 0 : i32
    %dma_start3A_63 = tpu.memref_slice %arg2[%dma_start3A_55, %add3A_4, %dma_start3A_62] : memref<4x8192x1024xf32, #tpu.memory_space<hbm>> -> memref<1x4x1024xf32, #tpu.memory_space<hbm>>
    %dma_start3A_64 = tpu.memref_squeeze %dma_start3A_63 : memref<1x4x1024xf32, #tpu.memory_space<hbm>> -> memref<4x1024xf32, #tpu.memory_space<hbm>>
    %dma_start3A_65 = arith.constant 0 : i32
    %dma_start3A_66 = arith.constant 0 : i32
    %dma_start3A_67 = tpu.memref_slice %arg5[%dma_start3A_56, %dma_start3A_57, %dma_start3A_65, %dma_start3A_66] : memref<2x4x4x1024xf32, #tpu.memory_space<vmem>> -> memref<1x1x4x1024xf32, #tpu.memory_space<vmem>>
    %dma_start3A_68 = tpu.memref_squeeze %dma_start3A_67 : memref<1x1x4x1024xf32, #tpu.memory_space<vmem>> -> memref<4x1024xf32, #tpu.memory_space<vmem>>
    %dma_start3A_69 = arith.constant 0 : i32
    %dma_start3A_70 = tpu.memref_slice %arg2[%dma_start3A_55, %add3A_4, %dma_start3A_69] : memref<4x8192x1024xf32, #tpu.memory_space<hbm>> -> memref<1x4x1024xf32, #tpu.memory_space<hbm>>
    %dma_start3A_71 = tpu.memref_squeeze %dma_start3A_70 : memref<1x4x1024xf32, #tpu.memory_space<hbm>> -> memref<4x1024xf32, #tpu.memory_space<hbm>>
    tpu.enqueue_dma source(%dma_start3A_71 : memref<4x1024xf32, #tpu.memory_space<hbm>>) target(%dma_start3A_68 : memref<4x1024xf32, #tpu.memory_space<vmem>>) target_semaphore(%arg8 : memref<!tpu.dma_semaphore, #tpu.memory_space<semaphore_mem>>)
    %dma_start3A_72 = arith.constant 0 : i32
    %dma_start3A_73 = arith.constant 0 : i32
    %dma_start3A_74 = arith.constant 0 : i32
    %dma_start3A_75 = tpu.memref_slice %arg7[%dma_start3A_72, %dma_start3A_73, %dma_start3A_74] : memref<2x4x1024xf32, #tpu.memory_space<vmem>> -> memref<1x4x1024xf32, #tpu.memory_space<vmem>>
    %dma_start3A_76 = tpu.memref_squeeze %dma_start3A_75 : memref<1x4x1024xf32, #tpu.memory_space<vmem>> -> memref<4x1024xf32, #tpu.memory_space<vmem>>
    %dma_start3A_77 = arith.constant 0 : i32
    %dma_start3A_78 = tpu.memref_slice %arg3[%add3A_4, %dma_start3A_77] : memref<8192x1024xf32, #tpu.memory_space<hbm>> -> memref<4x1024xf32, #tpu.memory_space<hbm>>
    %dma_start3A_79 = arith.constant 0 : i32
    %dma_start3A_80 = arith.constant 0 : i32
    %dma_start3A_81 = tpu.memref_slice %arg7[%dma_start3A_72, %dma_start3A_79, %dma_start3A_80] : memref<2x4x1024xf32, #tpu.memory_space<vmem>> -> memref<1x4x1024xf32, #tpu.memory_space<vmem>>
    %dma_start3A_82 = tpu.memref_squeeze %dma_start3A_81 : memref<1x4x1024xf32, #tpu.memory_space<vmem>> -> memref<4x1024xf32, #tpu.memory_space<vmem>>
    %dma_start3A_83 = arith.constant 0 : i32
    %dma_start3A_84 = tpu.memref_slice %arg3[%add3A_4, %dma_start3A_83] : memref<8192x1024xf32, #tpu.memory_space<hbm>> -> memref<4x1024xf32, #tpu.memory_space<hbm>>
    tpu.enqueue_dma source(%dma_start3A_84 : memref<4x1024xf32, #tpu.memory_space<hbm>>) target(%dma_start3A_82 : memref<4x1024xf32, #tpu.memory_space<vmem>>) target_semaphore(%arg8 : memref<!tpu.dma_semaphore, #tpu.memory_space<semaphore_mem>>)
    %add3A_85 = arith.constant 4 : i32
    %add3A_86 = arith.addi %mul3A_2, %add3A_85 : i32
    %dma_start3A_87 = arith.constant 0 : i32
    %dma_start3A_88 = arith.constant 1 : i32
    %dma_start3A_89 = arith.constant 0 : i32
    %dma_start3A_90 = arith.constant 0 : i32
    %dma_start3A_91 = arith.constant 0 : i32
    %dma_start3A_92 = tpu.memref_slice %arg5[%dma_start3A_88, %dma_start3A_89, %dma_start3A_90, %dma_start3A_91] : memref<2x4x4x1024xf32, #tpu.memory_space<vmem>> -> memref<1x1x4x1024xf32, #tpu.memory_space<vmem>>
    %dma_start3A_93 = tpu.memref_squeeze %dma_start3A_92 : memref<1x1x4x1024xf32, #tpu.memory_space<vmem>> -> memref<4x1024xf32, #tpu.memory_space<vmem>>
    %dma_start3A_94 = arith.constant 0 : i32
    %dma_start3A_95 = tpu.memref_slice %arg2[%dma_start3A_87, %add3A_86, %dma_start3A_94] : memref<4x8192x1024xf32, #tpu.memory_space<hbm>> -> memref<1x4x1024xf32, #tpu.memory_space<hbm>>
    %dma_start3A_96 = tpu.memref_squeeze %dma_start3A_95 : memref<1x4x1024xf32, #tpu.memory_space<hbm>> -> memref<4x1024xf32, #tpu.memory_space<hbm>>
    %dma_start3A_97 = arith.constant 0 : i32
    %dma_start3A_98 = arith.constant 0 : i32
    %dma_start3A_99 = tpu.memref_slice %arg5[%dma_start3A_88, %dma_start3A_89, %dma_start3A_97, %dma_start3A_98] : memref<2x4x4x1024xf32, #tpu.memory_space<vmem>> -> memref<1x1x4x1024xf32, #tpu.memory_space<vmem>>
    %dma_start3A_100 = tpu.memref_squeeze %dma_start3A_99 : memref<1x1x4x1024xf32, #tpu.memory_space<vmem>> -> memref<4x1024xf32, #tpu.memory_space<vmem>>
    %dma_start3A_101 = arith.constant 0 : i32
    %dma_start3A_102 = tpu.memref_slice %arg2[%dma_start3A_87, %add3A_86, %dma_start3A_101] : memref<4x8192x1024xf32, #tpu.memory_space<hbm>> -> memref<1x4x1024xf32, #tpu.memory_space<hbm>>
    %dma_start3A_103 = tpu.memref_squeeze %dma_start3A_102 : memref<1x4x1024xf32, #tpu.memory_space<hbm>> -> memref<4x1024xf32, #tpu.memory_space<hbm>>
    tpu.enqueue_dma source(%dma_start3A_103 : memref<4x1024xf32, #tpu.memory_space<hbm>>) target(%dma_start3A_100 : memref<4x1024xf32, #tpu.memory_space<vmem>>) target_semaphore(%arg9 : memref<!tpu.dma_semaphore, #tpu.memory_space<semaphore_mem>>)
    %dma_start3A_104 = arith.constant 1 : i32
    %dma_start3A_105 = arith.constant 1 : i32
    %dma_start3A_106 = arith.constant 1 : i32
    %dma_start3A_107 = arith.constant 0 : i32
    %dma_start3A_108 = arith.constant 0 : i32
    %dma_start3A_109 = tpu.memref_slice %arg5[%dma_start3A_105, %dma_start3A_106, %dma_start3A_107, %dma_start3A_108] : memref<2x4x4x1024xf32, #tpu.memory_space<vmem>> -> memref<1x1x4x1024xf32, #tpu.memory_space<vmem>>
    %dma_start3A_110 = tpu.memref_squeeze %dma_start3A_109 : memref<1x1x4x1024xf32, #tpu.memory_space<vmem>> -> memref<4x1024xf32, #tpu.memory_space<vmem>>
    %dma_start3A_111 = arith.constant 0 : i32
    %dma_start3A_112 = tpu.memref_slice %arg2[%dma_start3A_104, %add3A_86, %dma_start3A_111] : memref<4x8192x1024xf32, #tpu.memory_space<hbm>> -> memref<1x4x1024xf32, #tpu.memory_space<hbm>>
    %dma_start3A_113 = tpu.memref_squeeze %dma_start3A_112 : memref<1x4x1024xf32, #tpu.memory_space<hbm>> -> memref<4x1024xf32, #tpu.memory_space<hbm>>
    %dma_start3A_114 = arith.constant 0 : i32
    %dma_start3A_115 = arith.constant 0 : i32
    %dma_start3A_116 = tpu.memref_slice %arg5[%dma_start3A_105, %dma_start3A_106, %dma_start3A_114, %dma_start3A_115] : memref<2x4x4x1024xf32, #tpu.memory_space<vmem>> -> memref<1x1x4x1024xf32, #tpu.memory_space<vmem>>
    %dma_start3A_117 = tpu.memref_squeeze %dma_start3A_116 : memref<1x1x4x1024xf32, #tpu.memory_space<vmem>> -> memref<4x1024xf32, #tpu.memory_space<vmem>>
    %dma_start3A_118 = arith.constant 0 : i32
    %dma_start3A_119 = tpu.memref_slice %arg2[%dma_start3A_104, %add3A_86, %dma_start3A_118] : memref<4x8192x1024xf32, #tpu.memory_space<hbm>> -> memref<1x4x1024xf32, #tpu.memory_space<hbm>>
    %dma_start3A_120 = tpu.memref_squeeze %dma_start3A_119 : memref<1x4x1024xf32, #tpu.memory_space<hbm>> -> memref<4x1024xf32, #tpu.memory_space<hbm>>
    tpu.enqueue_dma source(%dma_start3A_120 : memref<4x1024xf32, #tpu.memory_space<hbm>>) target(%dma_start3A_117 : memref<4x1024xf32, #tpu.memory_space<vmem>>) target_semaphore(%arg9 : memref<!tpu.dma_semaphore, #tpu.memory_space<semaphore_mem>>)
    %dma_start3A_121 = arith.constant 2 : i32
    %dma_start3A_122 = arith.constant 1 : i32
    %dma_start3A_123 = arith.constant 2 : i32
    %dma_start3A_124 = arith.constant 0 : i32
    %dma_start3A_125 = arith.constant 0 : i32
    %dma_start3A_126 = tpu.memref_slice %arg5[%dma_start3A_122, %dma_start3A_123, %dma_start3A_124, %dma_start3A_125] : memref<2x4x4x1024xf32, #tpu.memory_space<vmem>> -> memref<1x1x4x1024xf32, #tpu.memory_space<vmem>>
    %dma_start3A_127 = tpu.memref_squeeze %dma_start3A_126 : memref<1x1x4x1024xf32, #tpu.memory_space<vmem>> -> memref<4x1024xf32, #tpu.memory_space<vmem>>
    %dma_start3A_128 = arith.constant 0 : i32
    %dma_start3A_129 = tpu.memref_slice %arg2[%dma_start3A_121, %add3A_86, %dma_start3A_128] : memref<4x8192x1024xf32, #tpu.memory_space<hbm>> -> memref<1x4x1024xf32, #tpu.memory_space<hbm>>
    %dma_start3A_130 = tpu.memref_squeeze %dma_start3A_129 : memref<1x4x1024xf32, #tpu.memory_space<hbm>> -> memref<4x1024xf32, #tpu.memory_space<hbm>>
    %dma_start3A_131 = arith.constant 0 : i32
    %dma_start3A_132 = arith.constant 0 : i32
    %dma_start3A_133 = tpu.memref_slice %arg5[%dma_start3A_122, %dma_start3A_123, %dma_start3A_131, %dma_start3A_132] : memref<2x4x4x1024xf32, #tpu.memory_space<vmem>> -> memref<1x1x4x1024xf32, #tpu.memory_space<vmem>>
    %dma_start3A_134 = tpu.memref_squeeze %dma_start3A_133 : memref<1x1x4x1024xf32, #tpu.memory_space<vmem>> -> memref<4x1024xf32, #tpu.memory_space<vmem>>
    %dma_start3A_135 = arith.constant 0 : i32
    %dma_start3A_136 = tpu.memref_slice %arg2[%dma_start3A_121, %add3A_86, %dma_start3A_135] : memref<4x8192x1024xf32, #tpu.memory_space<hbm>> -> memref<1x4x1024xf32, #tpu.memory_space<hbm>>
    %dma_start3A_137 = tpu.memref_squeeze %dma_start3A_136 : memref<1x4x1024xf32, #tpu.memory_space<hbm>> -> memref<4x1024xf32, #tpu.memory_space<hbm>>
    tpu.enqueue_dma source(%dma_start3A_137 : memref<4x1024xf32, #tpu.memory_space<hbm>>) target(%dma_start3A_134 : memref<4x1024xf32, #tpu.memory_space<vmem>>) target_semaphore(%arg9 : memref<!tpu.dma_semaphore, #tpu.memory_space<semaphore_mem>>)
    %dma_start3A_138 = arith.constant 3 : i32
    %dma_start3A_139 = arith.constant 1 : i32
    %dma_start3A_140 = arith.constant 3 : i32
    %dma_start3A_141 = arith.constant 0 : i32
    %dma_start3A_142 = arith.constant 0 : i32
    %dma_start3A_143 = tpu.memref_slice %arg5[%dma_start3A_139, %dma_start3A_140, %dma_start3A_141, %dma_start3A_142] : memref<2x4x4x1024xf32, #tpu.memory_space<vmem>> -> memref<1x1x4x1024xf32, #tpu.memory_space<vmem>>
    %dma_start3A_144 = tpu.memref_squeeze %dma_start3A_143 : memref<1x1x4x1024xf32, #tpu.memory_space<vmem>> -> memref<4x1024xf32, #tpu.memory_space<vmem>>
    %dma_start3A_145 = arith.constant 0 : i32
    %dma_start3A_146 = tpu.memref_slice %arg2[%dma_start3A_138, %add3A_86, %dma_start3A_145] : memref<4x8192x1024xf32, #tpu.memory_space<hbm>> -> memref<1x4x1024xf32, #tpu.memory_space<hbm>>
    %dma_start3A_147 = tpu.memref_squeeze %dma_start3A_146 : memref<1x4x1024xf32, #tpu.memory_space<hbm>> -> memref<4x1024xf32, #tpu.memory_space<hbm>>
    %dma_start3A_148 = arith.constant 0 : i32
    %dma_start3A_149 = arith.constant 0 : i32
    %dma_start3A_150 = tpu.memref_slice %arg5[%dma_start3A_139, %dma_start3A_140, %dma_start3A_148, %dma_start3A_149] : memref<2x4x4x1024xf32, #tpu.memory_space<vmem>> -> memref<1x1x4x1024xf32, #tpu.memory_space<vmem>>
    %dma_start3A_151 = tpu.memref_squeeze %dma_start3A_150 : memref<1x1x4x1024xf32, #tpu.memory_space<vmem>> -> memref<4x1024xf32, #tpu.memory_space<vmem>>
    %dma_start3A_152 = arith.constant 0 : i32
    %dma_start3A_153 = tpu.memref_slice %arg2[%dma_start3A_138, %add3A_86, %dma_start3A_152] : memref<4x8192x1024xf32, #tpu.memory_space<hbm>> -> memref<1x4x1024xf32, #tpu.memory_space<hbm>>
    %dma_start3A_154 = tpu.memref_squeeze %dma_start3A_153 : memref<1x4x1024xf32, #tpu.memory_space<hbm>> -> memref<4x1024xf32, #tpu.memory_space<hbm>>
    tpu.enqueue_dma source(%dma_start3A_154 : memref<4x1024xf32, #tpu.memory_space<hbm>>) target(%dma_start3A_151 : memref<4x1024xf32, #tpu.memory_space<vmem>>) target_semaphore(%arg9 : memref<!tpu.dma_semaphore, #tpu.memory_space<semaphore_mem>>)
    %dma_start3A_155 = arith.constant 1 : i32
    %dma_start3A_156 = arith.constant 0 : i32
    %dma_start3A_157 = arith.constant 0 : i32
    %dma_start3A_158 = tpu.memref_slice %arg7[%dma_start3A_155, %dma_start3A_156, %dma_start3A_157] : memref<2x4x1024xf32, #tpu.memory_space<vmem>> -> memref<1x4x1024xf32, #tpu.memory_space<vmem>>
    %dma_start3A_159 = tpu.memref_squeeze %dma_start3A_158 : memref<1x4x1024xf32, #tpu.memory_space<vmem>> -> memref<4x1024xf32, #tpu.memory_space<vmem>>
    %dma_start3A_160 = arith.constant 0 : i32
    %dma_start3A_161 = tpu.memref_slice %arg3[%add3A_86, %dma_start3A_160] : memref<8192x1024xf32, #tpu.memory_space<hbm>> -> memref<4x1024xf32, #tpu.memory_space<hbm>>
    %dma_start3A_162 = arith.constant 0 : i32
    %dma_start3A_163 = arith.constant 0 : i32
    %dma_start3A_164 = tpu.memref_slice %arg7[%dma_start3A_155, %dma_start3A_162, %dma_start3A_163] : memref<2x4x1024xf32, #tpu.memory_space<vmem>> -> memref<1x4x1024xf32, #tpu.memory_space<vmem>>
    %dma_start3A_165 = tpu.memref_squeeze %dma_start3A_164 : memref<1x4x1024xf32, #tpu.memory_space<vmem>> -> memref<4x1024xf32, #tpu.memory_space<vmem>>
    %dma_start3A_166 = arith.constant 0 : i32
    %dma_start3A_167 = tpu.memref_slice %arg3[%add3A_86, %dma_start3A_166] : memref<8192x1024xf32, #tpu.memory_space<hbm>> -> memref<4x1024xf32, #tpu.memory_space<hbm>>
    tpu.enqueue_dma source(%dma_start3A_167 : memref<4x1024xf32, #tpu.memory_space<hbm>>) target(%dma_start3A_165 : memref<4x1024xf32, #tpu.memory_space<vmem>>) target_semaphore(%arg9 : memref<!tpu.dma_semaphore, #tpu.memory_space<semaphore_mem>>)
    %scan3A = arith.constant 0 : i32
    %scan3A_168 = arith.constant 0 : i32
    %scan3A_169 = arith.constant 32 : i32
    %scan3A_170 = arith.addi %scan3A_168, %scan3A_169 : i32
    %scan3A_171 = arith.constant 1 : i32
    scf.for %scan3A_312 = %scan3A_168 to %scan3A_170 step %scan3A_171  : i32 {
      %mul3A_313 = arith.constant 2 : i32
      %mul3A_314 = arith.muli %mul3A_313, %scan3A_312 : i32
      %add3A_315 = arith.constant 0 : i32
      %add3A_316 = arith.addi %mul3A_314, %add3A_315 : i32
      %mul3A_317 = arith.constant 4 : i32
      %mul3A_318 = arith.muli %add3A_316, %mul3A_317 : i32
      %add3A_319 = arith.addi %mul3A_2, %mul3A_318 : i32
      %dma_wait3A_320 = arith.constant 0 : i32
      %dma_wait3A_321 = arith.constant 0 : i32
      %dma_wait3A_322 = arith.constant 0 : i32
      %dma_wait3A_323 = arith.constant 0 : i32
      %dma_wait3A_324 = arith.constant 0 : i32
      %dma_wait3A_325 = tpu.memref_slice %arg5[%dma_wait3A_321, %dma_wait3A_322, %dma_wait3A_323, %dma_wait3A_324] : memref<2x4x4x1024xf32, #tpu.memory_space<vmem>> -> memref<1x1x4x1024xf32, #tpu.memory_space<vmem>>
      %dma_wait3A_326 = tpu.memref_squeeze %dma_wait3A_325 : memref<1x1x4x1024xf32, #tpu.memory_space<vmem>> -> memref<4x1024xf32, #tpu.memory_space<vmem>>
      %dma_wait3A_327 = arith.constant 0 : i32
      %dma_wait3A_328 = tpu.memref_slice %arg2[%dma_wait3A_320, %add3A_319, %dma_wait3A_327] : memref<4x8192x1024xf32, #tpu.memory_space<hbm>> -> memref<1x4x1024xf32, #tpu.memory_space<hbm>>
      %dma_wait3A_329 = tpu.memref_squeeze %dma_wait3A_328 : memref<1x4x1024xf32, #tpu.memory_space<hbm>> -> memref<4x1024xf32, #tpu.memory_space<hbm>>
      %dma_wait3A_330 = arith.constant 0 : i32
      %dma_wait3A_331 = arith.constant 0 : i32
      %dma_wait3A_332 = tpu.memref_slice %arg5[%dma_wait3A_321, %dma_wait3A_322, %dma_wait3A_330, %dma_wait3A_331] : memref<2x4x4x1024xf32, #tpu.memory_space<vmem>> -> memref<1x1x4x1024xf32, #tpu.memory_space<vmem>>
      %dma_wait3A_333 = tpu.memref_squeeze %dma_wait3A_332 : memref<1x1x4x1024xf32, #tpu.memory_space<vmem>> -> memref<4x1024xf32, #tpu.memory_space<vmem>>
      %dma_wait3A_334 = arith.constant 0 : i32
      %dma_wait3A_335 = tpu.memref_slice %arg2[%dma_wait3A_320, %add3A_319, %dma_wait3A_334] : memref<4x8192x1024xf32, #tpu.memory_space<hbm>> -> memref<1x4x1024xf32, #tpu.memory_space<hbm>>
      %dma_wait3A_336 = tpu.memref_squeeze %dma_wait3A_335 : memref<1x4x1024xf32, #tpu.memory_space<hbm>> -> memref<4x1024xf32, #tpu.memory_space<hbm>>
      tpu.wait_dma2 semaphore(%arg8 : memref<!tpu.dma_semaphore, #tpu.memory_space<semaphore_mem>>) src(%dma_wait3A_336 : memref<4x1024xf32, #tpu.memory_space<hbm>>) dst(%dma_wait3A_333 : memref<4x1024xf32, #tpu.memory_space<vmem>>)
      %dma_wait3A_337 = arith.constant 1 : i32
      %dma_wait3A_338 = arith.constant 0 : i32
      %dma_wait3A_339 = arith.constant 1 : i32
      %dma_wait3A_340 = arith.constant 0 : i32
      %dma_wait3A_341 = arith.constant 0 : i32
      %dma_wait3A_342 = tpu.memref_slice %arg5[%dma_wait3A_338, %dma_wait3A_339, %dma_wait3A_340, %dma_wait3A_341] : memref<2x4x4x1024xf32, #tpu.memory_space<vmem>> -> memref<1x1x4x1024xf32, #tpu.memory_space<vmem>>
      %dma_wait3A_343 = tpu.memref_squeeze %dma_wait3A_342 : memref<1x1x4x1024xf32, #tpu.memory_space<vmem>> -> memref<4x1024xf32, #tpu.memory_space<vmem>>
      %dma_wait3A_344 = arith.constant 0 : i32
      %dma_wait3A_345 = tpu.memref_slice %arg2[%dma_wait3A_337, %add3A_319, %dma_wait3A_344] : memref<4x8192x1024xf32, #tpu.memory_space<hbm>> -> memref<1x4x1024xf32, #tpu.memory_space<hbm>>
      %dma_wait3A_346 = tpu.memref_squeeze %dma_wait3A_345 : memref<1x4x1024xf32, #tpu.memory_space<hbm>> -> memref<4x1024xf32, #tpu.memory_space<hbm>>
      %dma_wait3A_347 = arith.constant 0 : i32
      %dma_wait3A_348 = arith.constant 0 : i32
      %dma_wait3A_349 = tpu.memref_slice %arg5[%dma_wait3A_338, %dma_wait3A_339, %dma_wait3A_347, %dma_wait3A_348] : memref<2x4x4x1024xf32, #tpu.memory_space<vmem>> -> memref<1x1x4x1024xf32, #tpu.memory_space<vmem>>
      %dma_wait3A_350 = tpu.memref_squeeze %dma_wait3A_349 : memref<1x1x4x1024xf32, #tpu.memory_space<vmem>> -> memref<4x1024xf32, #tpu.memory_space<vmem>>
      %dma_wait3A_351 = arith.constant 0 : i32
      %dma_wait3A_352 = tpu.memref_slice %arg2[%dma_wait3A_337, %add3A_319, %dma_wait3A_351] : memref<4x8192x1024xf32, #tpu.memory_space<hbm>> -> memref<1x4x1024xf32, #tpu.memory_space<hbm>>
      %dma_wait3A_353 = tpu.memref_squeeze %dma_wait3A_352 : memref<1x4x1024xf32, #tpu.memory_space<hbm>> -> memref<4x1024xf32, #tpu.memory_space<hbm>>
      tpu.wait_dma2 semaphore(%arg8 : memref<!tpu.dma_semaphore, #tpu.memory_space<semaphore_mem>>) src(%dma_wait3A_353 : memref<4x1024xf32, #tpu.memory_space<hbm>>) dst(%dma_wait3A_350 : memref<4x1024xf32, #tpu.memory_space<vmem>>)
      %dma_wait3A_354 = arith.constant 2 : i32
      %dma_wait3A_355 = arith.constant 0 : i32
      %dma_wait3A_356 = arith.constant 2 : i32
      %dma_wait3A_357 = arith.constant 0 : i32
      %dma_wait3A_358 = arith.constant 0 : i32
      %dma_wait3A_359 = tpu.memref_slice %arg5[%dma_wait3A_355, %dma_wait3A_356, %dma_wait3A_357, %dma_wait3A_358] : memref<2x4x4x1024xf32, #tpu.memory_space<vmem>> -> memref<1x1x4x1024xf32, #tpu.memory_space<vmem>>
      %dma_wait3A_360 = tpu.memref_squeeze %dma_wait3A_359 : memref<1x1x4x1024xf32, #tpu.memory_space<vmem>> -> memref<4x1024xf32, #tpu.memory_space<vmem>>
      %dma_wait3A_361 = arith.constant 0 : i32
      %dma_wait3A_362 = tpu.memref_slice %arg2[%dma_wait3A_354, %add3A_319, %dma_wait3A_361] : memref<4x8192x1024xf32, #tpu.memory_space<hbm>> -> memref<1x4x1024xf32, #tpu.memory_space<hbm>>
      %dma_wait3A_363 = tpu.memref_squeeze %dma_wait3A_362 : memref<1x4x1024xf32, #tpu.memory_space<hbm>> -> memref<4x1024xf32, #tpu.memory_space<hbm>>
      %dma_wait3A_364 = arith.constant 0 : i32
      %dma_wait3A_365 = arith.constant 0 : i32
      %dma_wait3A_366 = tpu.memref_slice %arg5[%dma_wait3A_355, %dma_wait3A_356, %dma_wait3A_364, %dma_wait3A_365] : memref<2x4x4x1024xf32, #tpu.memory_space<vmem>> -> memref<1x1x4x1024xf32, #tpu.memory_space<vmem>>
      %dma_wait3A_367 = tpu.memref_squeeze %dma_wait3A_366 : memref<1x1x4x1024xf32, #tpu.memory_space<vmem>> -> memref<4x1024xf32, #tpu.memory_space<vmem>>
      %dma_wait3A_368 = arith.constant 0 : i32
      %dma_wait3A_369 = tpu.memref_slice %arg2[%dma_wait3A_354, %add3A_319, %dma_wait3A_368] : memref<4x8192x1024xf32, #tpu.memory_space<hbm>> -> memref<1x4x1024xf32, #tpu.memory_space<hbm>>
      %dma_wait3A_370 = tpu.memref_squeeze %dma_wait3A_369 : memref<1x4x1024xf32, #tpu.memory_space<hbm>> -> memref<4x1024xf32, #tpu.memory_space<hbm>>
      tpu.wait_dma2 semaphore(%arg8 : memref<!tpu.dma_semaphore, #tpu.memory_space<semaphore_mem>>) src(%dma_wait3A_370 : memref<4x1024xf32, #tpu.memory_space<hbm>>) dst(%dma_wait3A_367 : memref<4x1024xf32, #tpu.memory_space<vmem>>)
      %dma_wait3A_371 = arith.constant 3 : i32
      %dma_wait3A_372 = arith.constant 0 : i32
      %dma_wait3A_373 = arith.constant 3 : i32
      %dma_wait3A_374 = arith.constant 0 : i32
      %dma_wait3A_375 = arith.constant 0 : i32
      %dma_wait3A_376 = tpu.memref_slice %arg5[%dma_wait3A_372, %dma_wait3A_373, %dma_wait3A_374, %dma_wait3A_375] : memref<2x4x4x1024xf32, #tpu.memory_space<vmem>> -> memref<1x1x4x1024xf32, #tpu.memory_space<vmem>>
      %dma_wait3A_377 = tpu.memref_squeeze %dma_wait3A_376 : memref<1x1x4x1024xf32, #tpu.memory_space<vmem>> -> memref<4x1024xf32, #tpu.memory_space<vmem>>
      %dma_wait3A_378 = arith.constant 0 : i32
      %dma_wait3A_379 = tpu.memref_slice %arg2[%dma_wait3A_371, %add3A_319, %dma_wait3A_378] : memref<4x8192x1024xf32, #tpu.memory_space<hbm>> -> memref<1x4x1024xf32, #tpu.memory_space<hbm>>
      %dma_wait3A_380 = tpu.memref_squeeze %dma_wait3A_379 : memref<1x4x1024xf32, #tpu.memory_space<hbm>> -> memref<4x1024xf32, #tpu.memory_space<hbm>>
      %dma_wait3A_381 = arith.constant 0 : i32
      %dma_wait3A_382 = arith.constant 0 : i32
      %dma_wait3A_383 = tpu.memref_slice %arg5[%dma_wait3A_372, %dma_wait3A_373, %dma_wait3A_381, %dma_wait3A_382] : memref<2x4x4x1024xf32, #tpu.memory_space<vmem>> -> memref<1x1x4x1024xf32, #tpu.memory_space<vmem>>
      %dma_wait3A_384 = tpu.memref_squeeze %dma_wait3A_383 : memref<1x1x4x1024xf32, #tpu.memory_space<vmem>> -> memref<4x1024xf32, #tpu.memory_space<vmem>>
      %dma_wait3A_385 = arith.constant 0 : i32
      %dma_wait3A_386 = tpu.memref_slice %arg2[%dma_wait3A_371, %add3A_319, %dma_wait3A_385] : memref<4x8192x1024xf32, #tpu.memory_space<hbm>> -> memref<1x4x1024xf32, #tpu.memory_space<hbm>>
      %dma_wait3A_387 = tpu.memref_squeeze %dma_wait3A_386 : memref<1x4x1024xf32, #tpu.memory_space<hbm>> -> memref<4x1024xf32, #tpu.memory_space<hbm>>
      tpu.wait_dma2 semaphore(%arg8 : memref<!tpu.dma_semaphore, #tpu.memory_space<semaphore_mem>>) src(%dma_wait3A_387 : memref<4x1024xf32, #tpu.memory_space<hbm>>) dst(%dma_wait3A_384 : memref<4x1024xf32, #tpu.memory_space<vmem>>)
      %dma_wait3A_388 = arith.constant 0 : i32
      %dma_wait3A_389 = arith.constant 0 : i32
      %dma_wait3A_390 = arith.constant 0 : i32
      %dma_wait3A_391 = tpu.memref_slice %arg7[%dma_wait3A_388, %dma_wait3A_389, %dma_wait3A_390] : memref<2x4x1024xf32, #tpu.memory_space<vmem>> -> memref<1x4x1024xf32, #tpu.memory_space<vmem>>
      %dma_wait3A_392 = tpu.memref_squeeze %dma_wait3A_391 : memref<1x4x1024xf32, #tpu.memory_space<vmem>> -> memref<4x1024xf32, #tpu.memory_space<vmem>>
      %dma_wait3A_393 = arith.constant 0 : i32
      %dma_wait3A_394 = tpu.memref_slice %arg3[%add3A_319, %dma_wait3A_393] : memref<8192x1024xf32, #tpu.memory_space<hbm>> -> memref<4x1024xf32, #tpu.memory_space<hbm>>
      %dma_wait3A_395 = arith.constant 0 : i32
      %dma_wait3A_396 = arith.constant 0 : i32
      %dma_wait3A_397 = tpu.memref_slice %arg7[%dma_wait3A_388, %dma_wait3A_395, %dma_wait3A_396] : memref<2x4x1024xf32, #tpu.memory_space<vmem>> -> memref<1x4x1024xf32, #tpu.memory_space<vmem>>
      %dma_wait3A_398 = tpu.memref_squeeze %dma_wait3A_397 : memref<1x4x1024xf32, #tpu.memory_space<vmem>> -> memref<4x1024xf32, #tpu.memory_space<vmem>>
      %dma_wait3A_399 = arith.constant 0 : i32
      %dma_wait3A_400 = tpu.memref_slice %arg3[%add3A_319, %dma_wait3A_399] : memref<8192x1024xf32, #tpu.memory_space<hbm>> -> memref<4x1024xf32, #tpu.memory_space<hbm>>
      tpu.wait_dma2 semaphore(%arg8 : memref<!tpu.dma_semaphore, #tpu.memory_space<semaphore_mem>>) src(%dma_wait3A_400 : memref<4x1024xf32, #tpu.memory_space<hbm>>) dst(%dma_wait3A_398 : memref<4x1024xf32, #tpu.memory_space<vmem>>)
      %ge3A = arith.constant 2 : i32
      %ge3A_401 = arith.cmpi sge, %add3A_316, %ge3A : i32
      %convert_element_type3A = arith.extui %ge3A_401 : i1 to i32
      %cond3A = arith.constant 0 : i32
      %cond3A_402 = arith.cmpi ne, %convert_element_type3A, %cond3A : i32
      scf.if %cond3A_402 {
        %sub3A = arith.constant 2 : i32
        %sub3A_663 = arith.subi %add3A_316, %sub3A : i32
        %mul3A_664 = arith.constant 4 : i32
        %mul3A_665 = arith.muli %sub3A_663, %mul3A_664 : i32
        %add3A_666 = arith.addi %mul3A_2, %mul3A_665 : i32
        %dma_wait3A_667 = arith.constant 0 : i32
        %dma_wait3A_668 = arith.constant 0 : i32
        %dma_wait3A_669 = arith.constant 0 : i32
        %dma_wait3A_670 = arith.constant 0 : i32
        %dma_wait3A_671 = arith.constant 0 : i32
        %dma_wait3A_672 = tpu.memref_slice %arg6[%dma_wait3A_667, %dma_wait3A_668, %dma_wait3A_670, %dma_wait3A_671] : memref<2x4x4x1024xf32, #tpu.memory_space<vmem>> -> memref<1x1x4x1024xf32, #tpu.memory_space<vmem>>
        %dma_wait3A_673 = tpu.memref_squeeze %dma_wait3A_672 : memref<1x1x4x1024xf32, #tpu.memory_space<vmem>> -> memref<4x1024xf32, #tpu.memory_space<vmem>>
        %dma_wait3A_674 = arith.constant 0 : i32
        %dma_wait3A_675 = tpu.memref_slice %arg4[%dma_wait3A_669, %add3A_666, %dma_wait3A_674] : memref<4x8192x1024xf32, #tpu.memory_space<hbm>> -> memref<1x4x1024xf32, #tpu.memory_space<hbm>>
        %dma_wait3A_676 = tpu.memref_squeeze %dma_wait3A_675 : memref<1x4x1024xf32, #tpu.memory_space<hbm>> -> memref<4x1024xf32, #tpu.memory_space<hbm>>
        %dma_wait3A_677 = arith.constant 0 : i32
        %dma_wait3A_678 = tpu.memref_slice %arg4[%dma_wait3A_669, %add3A_666, %dma_wait3A_677] : memref<4x8192x1024xf32, #tpu.memory_space<hbm>> -> memref<1x4x1024xf32, #tpu.memory_space<hbm>>
        %dma_wait3A_679 = tpu.memref_squeeze %dma_wait3A_678 : memref<1x4x1024xf32, #tpu.memory_space<hbm>> -> memref<4x1024xf32, #tpu.memory_space<hbm>>
        %dma_wait3A_680 = arith.constant 0 : i32
        %dma_wait3A_681 = arith.constant 0 : i32
        %dma_wait3A_682 = tpu.memref_slice %arg6[%dma_wait3A_667, %dma_wait3A_668, %dma_wait3A_680, %dma_wait3A_681] : memref<2x4x4x1024xf32, #tpu.memory_space<vmem>> -> memref<1x1x4x1024xf32, #tpu.memory_space<vmem>>
        %dma_wait3A_683 = tpu.memref_squeeze %dma_wait3A_682 : memref<1x1x4x1024xf32, #tpu.memory_space<vmem>> -> memref<4x1024xf32, #tpu.memory_space<vmem>>
        tpu.wait_dma2 semaphore(%arg10 : memref<!tpu.dma_semaphore, #tpu.memory_space<semaphore_mem>>) src(%dma_wait3A_683 : memref<4x1024xf32, #tpu.memory_space<vmem>>) dst(%dma_wait3A_679 : memref<4x1024xf32, #tpu.memory_space<hbm>>)
        %dma_wait3A_684 = arith.constant 0 : i32
        %dma_wait3A_685 = arith.constant 1 : i32
        %dma_wait3A_686 = arith.constant 1 : i32
        %dma_wait3A_687 = arith.constant 0 : i32
        %dma_wait3A_688 = arith.constant 0 : i32
        %dma_wait3A_689 = tpu.memref_slice %arg6[%dma_wait3A_684, %dma_wait3A_685, %dma_wait3A_687, %dma_wait3A_688] : memref<2x4x4x1024xf32, #tpu.memory_space<vmem>> -> memref<1x1x4x1024xf32, #tpu.memory_space<vmem>>
        %dma_wait3A_690 = tpu.memref_squeeze %dma_wait3A_689 : memref<1x1x4x1024xf32, #tpu.memory_space<vmem>> -> memref<4x1024xf32, #tpu.memory_space<vmem>>
        %dma_wait3A_691 = arith.constant 0 : i32
        %dma_wait3A_692 = tpu.memref_slice %arg4[%dma_wait3A_686, %add3A_666, %dma_wait3A_691] : memref<4x8192x1024xf32, #tpu.memory_space<hbm>> -> memref<1x4x1024xf32, #tpu.memory_space<hbm>>
        %dma_wait3A_693 = tpu.memref_squeeze %dma_wait3A_692 : memref<1x4x1024xf32, #tpu.memory_space<hbm>> -> memref<4x1024xf32, #tpu.memory_space<hbm>>
        %dma_wait3A_694 = arith.constant 0 : i32
        %dma_wait3A_695 = tpu.memref_slice %arg4[%dma_wait3A_686, %add3A_666, %dma_wait3A_694] : memref<4x8192x1024xf32, #tpu.memory_space<hbm>> -> memref<1x4x1024xf32, #tpu.memory_space<hbm>>
        %dma_wait3A_696 = tpu.memref_squeeze %dma_wait3A_695 : memref<1x4x1024xf32, #tpu.memory_space<hbm>> -> memref<4x1024xf32, #tpu.memory_space<hbm>>
        %dma_wait3A_697 = arith.constant 0 : i32
        %dma_wait3A_698 = arith.constant 0 : i32
        %dma_wait3A_699 = tpu.memref_slice %arg6[%dma_wait3A_684, %dma_wait3A_685, %dma_wait3A_697, %dma_wait3A_698] : memref<2x4x4x1024xf32, #tpu.memory_space<vmem>> -> memref<1x1x4x1024xf32, #tpu.memory_space<vmem>>
        %dma_wait3A_700 = tpu.memref_squeeze %dma_wait3A_699 : memref<1x1x4x1024xf32, #tpu.memory_space<vmem>> -> memref<4x1024xf32, #tpu.memory_space<vmem>>
        tpu.wait_dma2 semaphore(%arg10 : memref<!tpu.dma_semaphore, #tpu.memory_space<semaphore_mem>>) src(%dma_wait3A_700 : memref<4x1024xf32, #tpu.memory_space<vmem>>) dst(%dma_wait3A_696 : memref<4x1024xf32, #tpu.memory_space<hbm>>)
        %dma_wait3A_701 = arith.constant 0 : i32
        %dma_wait3A_702 = arith.constant 2 : i32
        %dma_wait3A_703 = arith.constant 2 : i32
        %dma_wait3A_704 = arith.constant 0 : i32
        %dma_wait3A_705 = arith.constant 0 : i32
        %dma_wait3A_706 = tpu.memref_slice %arg6[%dma_wait3A_701, %dma_wait3A_702, %dma_wait3A_704, %dma_wait3A_705] : memref<2x4x4x1024xf32, #tpu.memory_space<vmem>> -> memref<1x1x4x1024xf32, #tpu.memory_space<vmem>>
        %dma_wait3A_707 = tpu.memref_squeeze %dma_wait3A_706 : memref<1x1x4x1024xf32, #tpu.memory_space<vmem>> -> memref<4x1024xf32, #tpu.memory_space<vmem>>
        %dma_wait3A_708 = arith.constant 0 : i32
        %dma_wait3A_709 = tpu.memref_slice %arg4[%dma_wait3A_703, %add3A_666, %dma_wait3A_708] : memref<4x8192x1024xf32, #tpu.memory_space<hbm>> -> memref<1x4x1024xf32, #tpu.memory_space<hbm>>
        %dma_wait3A_710 = tpu.memref_squeeze %dma_wait3A_709 : memref<1x4x1024xf32, #tpu.memory_space<hbm>> -> memref<4x1024xf32, #tpu.memory_space<hbm>>
        %dma_wait3A_711 = arith.constant 0 : i32
        %dma_wait3A_712 = tpu.memref_slice %arg4[%dma_wait3A_703, %add3A_666, %dma_wait3A_711] : memref<4x8192x1024xf32, #tpu.memory_space<hbm>> -> memref<1x4x1024xf32, #tpu.memory_space<hbm>>
        %dma_wait3A_713 = tpu.memref_squeeze %dma_wait3A_712 : memref<1x4x1024xf32, #tpu.memory_space<hbm>> -> memref<4x1024xf32, #tpu.memory_space<hbm>>
        %dma_wait3A_714 = arith.constant 0 : i32
        %dma_wait3A_715 = arith.constant 0 : i32
        %dma_wait3A_716 = tpu.memref_slice %arg6[%dma_wait3A_701, %dma_wait3A_702, %dma_wait3A_714, %dma_wait3A_715] : memref<2x4x4x1024xf32, #tpu.memory_space<vmem>> -> memref<1x1x4x1024xf32, #tpu.memory_space<vmem>>
        %dma_wait3A_717 = tpu.memref_squeeze %dma_wait3A_716 : memref<1x1x4x1024xf32, #tpu.memory_space<vmem>> -> memref<4x1024xf32, #tpu.memory_space<vmem>>
        tpu.wait_dma2 semaphore(%arg10 : memref<!tpu.dma_semaphore, #tpu.memory_space<semaphore_mem>>) src(%dma_wait3A_717 : memref<4x1024xf32, #tpu.memory_space<vmem>>) dst(%dma_wait3A_713 : memref<4x1024xf32, #tpu.memory_space<hbm>>)
        %dma_wait3A_718 = arith.constant 0 : i32
        %dma_wait3A_719 = arith.constant 3 : i32
        %dma_wait3A_720 = arith.constant 3 : i32
        %dma_wait3A_721 = arith.constant 0 : i32
        %dma_wait3A_722 = arith.constant 0 : i32
        %dma_wait3A_723 = tpu.memref_slice %arg6[%dma_wait3A_718, %dma_wait3A_719, %dma_wait3A_721, %dma_wait3A_722] : memref<2x4x4x1024xf32, #tpu.memory_space<vmem>> -> memref<1x1x4x1024xf32, #tpu.memory_space<vmem>>
        %dma_wait3A_724 = tpu.memref_squeeze %dma_wait3A_723 : memref<1x1x4x1024xf32, #tpu.memory_space<vmem>> -> memref<4x1024xf32, #tpu.memory_space<vmem>>
        %dma_wait3A_725 = arith.constant 0 : i32
        %dma_wait3A_726 = tpu.memref_slice %arg4[%dma_wait3A_720, %add3A_666, %dma_wait3A_725] : memref<4x8192x1024xf32, #tpu.memory_space<hbm>> -> memref<1x4x1024xf32, #tpu.memory_space<hbm>>
        %dma_wait3A_727 = tpu.memref_squeeze %dma_wait3A_726 : memref<1x4x1024xf32, #tpu.memory_space<hbm>> -> memref<4x1024xf32, #tpu.memory_space<hbm>>
        %dma_wait3A_728 = arith.constant 0 : i32
        %dma_wait3A_729 = tpu.memref_slice %arg4[%dma_wait3A_720, %add3A_666, %dma_wait3A_728] : memref<4x8192x1024xf32, #tpu.memory_space<hbm>> -> memref<1x4x1024xf32, #tpu.memory_space<hbm>>
        %dma_wait3A_730 = tpu.memref_squeeze %dma_wait3A_729 : memref<1x4x1024xf32, #tpu.memory_space<hbm>> -> memref<4x1024xf32, #tpu.memory_space<hbm>>
        %dma_wait3A_731 = arith.constant 0 : i32
        %dma_wait3A_732 = arith.constant 0 : i32
        %dma_wait3A_733 = tpu.memref_slice %arg6[%dma_wait3A_718, %dma_wait3A_719, %dma_wait3A_731, %dma_wait3A_732] : memref<2x4x4x1024xf32, #tpu.memory_space<vmem>> -> memref<1x1x4x1024xf32, #tpu.memory_space<vmem>>
        %dma_wait3A_734 = tpu.memref_squeeze %dma_wait3A_733 : memref<1x1x4x1024xf32, #tpu.memory_space<vmem>> -> memref<4x1024xf32, #tpu.memory_space<vmem>>
        tpu.wait_dma2 semaphore(%arg10 : memref<!tpu.dma_semaphore, #tpu.memory_space<semaphore_mem>>) src(%dma_wait3A_734 : memref<4x1024xf32, #tpu.memory_space<vmem>>) dst(%dma_wait3A_730 : memref<4x1024xf32, #tpu.memory_space<hbm>>)
      } else {
      }
      %scan3A_403 = arith.constant 0 : i32
      %scan3A_404 = arith.constant 0 : i32
      %scan3A_405 = arith.constant 64 : i32
      %scan3A_406 = arith.addi %scan3A_404, %scan3A_405 : i32
      %scan3A_407 = arith.constant 1 : i32
      scf.for %scan3A_663 = %scan3A_404 to %scan3A_406 step %scan3A_407  : i32 {
        %mul3A_664 = arith.constant 16 : i32
        %mul3A_665 = arith.muli %scan3A_663, %mul3A_664 : i32
        %get3A = arith.constant 0 : i32
        %get3A_666 = arith.constant 0 : i32
        %get3A_667 = arith.index_cast %get3A : i32 to index
        %get3A_668 = arith.index_cast %get3A_666 : i32 to index
        %get3A_669 = arith.index_cast %mul3A_665 : i32 to index
        %get3A_670 = tpu.vector_load %arg7[%get3A_667, %get3A_668, %get3A_669] {strides = array<i32>} : memref<2x4x1024xf32, #tpu.memory_space<vmem>>, vector<1x1x16xf32>,
        %get3A_671 = vector.shape_cast %get3A_670 : vector<1x1x16xf32> to vector<16xf32>
        %get3A_672 = arith.constant 0 : i32
        %get3A_673 = arith.constant 0 : i32
        %get3A_674 = arith.constant 0 : i32
        %get3A_675 = arith.index_cast %get3A_672 : i32 to index
        %get3A_676 = arith.index_cast %get3A_673 : i32 to index
        %get3A_677 = arith.index_cast %get3A_674 : i32 to index
        %get3A_678 = arith.index_cast %mul3A_665 : i32 to index
        %get3A_679 = tpu.vector_load %arg5[%get3A_675, %get3A_676, %get3A_677, %get3A_678] {strides = array<i32>} : memref<2x4x4x1024xf32, #tpu.memory_space<vmem>>, vector<1x1x1x16xf32>,
        %get3A_680 = vector.shape_cast %get3A_679 : vector<1x1x1x16xf32> to vector<16xf32>
        %add3A_681 = arith.addf %get3A_680, %get3A_671 : vector<16xf32>
        %swap3A = arith.constant 0 : i32
        %swap3A_682 = arith.constant 0 : i32
        %swap3A_683 = arith.constant 0 : i32
        %swap3A_684 = arith.index_cast %swap3A : i32 to index
        %swap3A_685 = arith.index_cast %swap3A_682 : i32 to index
        %swap3A_686 = arith.index_cast %swap3A_683 : i32 to index
        %swap3A_687 = arith.index_cast %mul3A_665 : i32 to index
        %swap3A_688 = tpu.vector_load %arg6[%swap3A_684, %swap3A_685, %swap3A_686, %swap3A_687] {strides = array<i32>} : memref<2x4x4x1024xf32, #tpu.memory_space<vmem>>, vector<1x1x1x16xf32>,
        %swap3A_689 = vector.shape_cast %swap3A_688 : vector<1x1x1x16xf32> to vector<16xf32>
        %swap3A_690 = vector.shape_cast %add3A_681 : vector<16xf32> to vector<1x1x1x16xf32>
        tpu.vector_store %arg6[%swap3A_684, %swap3A_685, %swap3A_686, %swap3A_687], %swap3A_690 {strides = array<i32>} : memref<2x4x4x1024xf32, #tpu.memory_space<vmem>>, vector<1x1x1x16xf32>,
        %get3A_691 = arith.constant 0 : i32
        %get3A_692 = arith.constant 1 : i32
        %get3A_693 = arith.constant 0 : i32
        %get3A_694 = arith.index_cast %get3A_691 : i32 to index
        %get3A_695 = arith.index_cast %get3A_692 : i32 to index
        %get3A_696 = arith.index_cast %get3A_693 : i32 to index
        %get3A_697 = arith.index_cast %mul3A_665 : i32 to index
        %get3A_698 = tpu.vector_load %arg5[%get3A_694, %get3A_695, %get3A_696, %get3A_697] {strides = array<i32>} : memref<2x4x4x1024xf32, #tpu.memory_space<vmem>>, vector<1x1x1x16xf32>,
        %get3A_699 = vector.shape_cast %get3A_698 : vector<1x1x1x16xf32> to vector<16xf32>
        %add3A_700 = arith.addf %get3A_699, %get3A_671 : vector<16xf32>
        %swap3A_701 = arith.constant 0 : i32
        %swap3A_702 = arith.constant 1 : i32
        %swap3A_703 = arith.constant 0 : i32
        %swap3A_704 = arith.index_cast %swap3A_701 : i32 to index
        %swap3A_705 = arith.index_cast %swap3A_702 : i32 to index
        %swap3A_706 = arith.index_cast %swap3A_703 : i32 to index
        %swap3A_707 = arith.index_cast %mul3A_665 : i32 to index
        %swap3A_708 = tpu.vector_load %arg6[%swap3A_704, %swap3A_705, %swap3A_706, %swap3A_707] {strides = array<i32>} : memref<2x4x4x1024xf32, #tpu.memory_space<vmem>>, vector<1x1x1x16xf32>,
        %swap3A_709 = vector.shape_cast %swap3A_708 : vector<1x1x1x16xf32> to vector<16xf32>
        %swap3A_710 = vector.shape_cast %add3A_700 : vector<16xf32> to vector<1x1x1x16xf32>
        tpu.vector_store %arg6[%swap3A_704, %swap3A_705, %swap3A_706, %swap3A_707], %swap3A_710 {strides = array<i32>} : memref<2x4x4x1024xf32, #tpu.memory_space<vmem>>, vector<1x1x1x16xf32>,
        %get3A_711 = arith.constant 0 : i32
        %get3A_712 = arith.constant 2 : i32
        %get3A_713 = arith.constant 0 : i32
        %get3A_714 = arith.index_cast %get3A_711 : i32 to index
        %get3A_715 = arith.index_cast %get3A_712 : i32 to index
        %get3A_716 = arith.index_cast %get3A_713 : i32 to index
        %get3A_717 = arith.index_cast %mul3A_665 : i32 to index
        %get3A_718 = tpu.vector_load %arg5[%get3A_714, %get3A_715, %get3A_716, %get3A_717] {strides = array<i32>} : memref<2x4x4x1024xf32, #tpu.memory_space<vmem>>, vector<1x1x1x16xf32>,
        %get3A_719 = vector.shape_cast %get3A_718 : vector<1x1x1x16xf32> to vector<16xf32>
        %add3A_720 = arith.addf %get3A_719, %get3A_671 : vector<16xf32>
        %swap3A_721 = arith.constant 0 : i32
        %swap3A_722 = arith.constant 2 : i32
        %swap3A_723 = arith.constant 0 : i32
        %swap3A_724 = arith.index_cast %swap3A_721 : i32 to index
        %swap3A_725 = arith.index_cast %swap3A_722 : i32 to index
        %swap3A_726 = arith.index_cast %swap3A_723 : i32 to index
        %swap3A_727 = arith.index_cast %mul3A_665 : i32 to index
        %swap3A_728 = tpu.vector_load %arg6[%swap3A_724, %swap3A_725, %swap3A_726, %swap3A_727] {strides = array<i32>} : memref<2x4x4x1024xf32, #tpu.memory_space<vmem>>, vector<1x1x1x16xf32>,
        %swap3A_729 = vector.shape_cast %swap3A_728 : vector<1x1x1x16xf32> to vector<16xf32>
        %swap3A_730 = vector.shape_cast %add3A_720 : vector<16xf32> to vector<1x1x1x16xf32>
        tpu.vector_store %arg6[%swap3A_724, %swap3A_725, %swap3A_726, %swap3A_727], %swap3A_730 {strides = array<i32>} : memref<2x4x4x1024xf32, #tpu.memory_space<vmem>>, vector<1x1x1x16xf32>,
        %get3A_731 = arith.constant 0 : i32
        %get3A_732 = arith.constant 3 : i32
        %get3A_733 = arith.constant 0 : i32
        %get3A_734 = arith.index_cast %get3A_731 : i32 to index
        %get3A_735 = arith.index_cast %get3A_732 : i32 to index
        %get3A_736 = arith.index_cast %get3A_733 : i32 to index
        %get3A_737 = arith.index_cast %mul3A_665 : i32 to index
        %get3A_738 = tpu.vector_load %arg5[%get3A_734, %get3A_735, %get3A_736, %get3A_737] {strides = array<i32>} : memref<2x4x4x1024xf32, #tpu.memory_space<vmem>>, vector<1x1x1x16xf32>,
        %get3A_739 = vector.shape_cast %get3A_738 : vector<1x1x1x16xf32> to vector<16xf32>
        %add3A_740 = arith.addf %get3A_739, %get3A_671 : vector<16xf32>
        %swap3A_741 = arith.constant 0 : i32
        %swap3A_742 = arith.constant 3 : i32
        %swap3A_743 = arith.constant 0 : i32
        %swap3A_744 = arith.index_cast %swap3A_741 : i32 to index
        %swap3A_745 = arith.index_cast %swap3A_742 : i32 to index
        %swap3A_746 = arith.index_cast %swap3A_743 : i32 to index
        %swap3A_747 = arith.index_cast %mul3A_665 : i32 to index
        %swap3A_748 = tpu.vector_load %arg6[%swap3A_744, %swap3A_745, %swap3A_746, %swap3A_747] {strides = array<i32>} : memref<2x4x4x1024xf32, #tpu.memory_space<vmem>>, vector<1x1x1x16xf32>,
        %swap3A_749 = vector.shape_cast %swap3A_748 : vector<1x1x1x16xf32> to vector<16xf32>
        %swap3A_750 = vector.shape_cast %add3A_740 : vector<16xf32> to vector<1x1x1x16xf32>
        tpu.vector_store %arg6[%swap3A_744, %swap3A_745, %swap3A_746, %swap3A_747], %swap3A_750 {strides = array<i32>} : memref<2x4x4x1024xf32, #tpu.memory_space<vmem>>, vector<1x1x1x16xf32>,
        %get3A_751 = arith.constant 0 : i32
        %get3A_752 = arith.constant 1 : i32
        %get3A_753 = arith.index_cast %get3A_751 : i32 to index
        %get3A_754 = arith.index_cast %get3A_752 : i32 to index
        %get3A_755 = arith.index_cast %mul3A_665 : i32 to index
        %get3A_756 = tpu.vector_load %arg7[%get3A_753, %get3A_754, %get3A_755] {strides = array<i32>} : memref<2x4x1024xf32, #tpu.memory_space<vmem>>, vector<1x1x16xf32>,
        %get3A_757 = vector.shape_cast %get3A_756 : vector<1x1x16xf32> to vector<16xf32>
        %get3A_758 = arith.constant 0 : i32
        %get3A_759 = arith.constant 0 : i32
        %get3A_760 = arith.constant 1 : i32
        %get3A_761 = arith.index_cast %get3A_758 : i32 to index
        %get3A_762 = arith.index_cast %get3A_759 : i32 to index
        %get3A_763 = arith.index_cast %get3A_760 : i32 to index
        %get3A_764 = arith.index_cast %mul3A_665 : i32 to index
        %get3A_765 = tpu.vector_load %arg5[%get3A_761, %get3A_762, %get3A_763, %get3A_764] {strides = array<i32>} : memref<2x4x4x1024xf32, #tpu.memory_space<vmem>>, vector<1x1x1x16xf32>,
        %get3A_766 = vector.shape_cast %get3A_765 : vector<1x1x1x16xf32> to vector<16xf32>
        %add3A_767 = arith.addf %get3A_766, %get3A_757 : vector<16xf32>
        %swap3A_768 = arith.constant 0 : i32
        %swap3A_769 = arith.constant 0 : i32
        %swap3A_770 = arith.constant 1 : i32
        %swap3A_771 = arith.index_cast %swap3A_768 : i32 to index
        %swap3A_772 = arith.index_cast %swap3A_769 : i32 to index
        %swap3A_773 = arith.index_cast %swap3A_770 : i32 to index
        %swap3A_774 = arith.index_cast %mul3A_665 : i32 to index
        %swap3A_775 = tpu.vector_load %arg6[%swap3A_771, %swap3A_772, %swap3A_773, %swap3A_774] {strides = array<i32>} : memref<2x4x4x1024xf32, #tpu.memory_space<vmem>>, vector<1x1x1x16xf32>,
        %swap3A_776 = vector.shape_cast %swap3A_775 : vector<1x1x1x16xf32> to vector<16xf32>
        %swap3A_777 = vector.shape_cast %add3A_767 : vector<16xf32> to vector<1x1x1x16xf32>
        tpu.vector_store %arg6[%swap3A_771, %swap3A_772, %swap3A_773, %swap3A_774], %swap3A_777 {strides = array<i32>} : memref<2x4x4x1024xf32, #tpu.memory_space<vmem>>, vector<1x1x1x16xf32>,
        %get3A_778 = arith.constant 0 : i32
        %get3A_779 = arith.constant 1 : i32
        %get3A_780 = arith.constant 1 : i32
        %get3A_781 = arith.index_cast %get3A_778 : i32 to index
        %get3A_782 = arith.index_cast %get3A_779 : i32 to index
        %get3A_783 = arith.index_cast %get3A_780 : i32 to index
        %get3A_784 = arith.index_cast %mul3A_665 : i32 to index
        %get3A_785 = tpu.vector_load %arg5[%get3A_781, %get3A_782, %get3A_783, %get3A_784] {strides = array<i32>} : memref<2x4x4x1024xf32, #tpu.memory_space<vmem>>, vector<1x1x1x16xf32>,
        %get3A_786 = vector.shape_cast %get3A_785 : vector<1x1x1x16xf32> to vector<16xf32>
        %add3A_787 = arith.addf %get3A_786, %get3A_757 : vector<16xf32>
        %swap3A_788 = arith.constant 0 : i32
        %swap3A_789 = arith.constant 1 : i32
        %swap3A_790 = arith.constant 1 : i32
        %swap3A_791 = arith.index_cast %swap3A_788 : i32 to index
        %swap3A_792 = arith.index_cast %swap3A_789 : i32 to index
        %swap3A_793 = arith.index_cast %swap3A_790 : i32 to index
        %swap3A_794 = arith.index_cast %mul3A_665 : i32 to index
        %swap3A_795 = tpu.vector_load %arg6[%swap3A_791, %swap3A_792, %swap3A_793, %swap3A_794] {strides = array<i32>} : memref<2x4x4x1024xf32, #tpu.memory_space<vmem>>, vector<1x1x1x16xf32>,
        %swap3A_796 = vector.shape_cast %swap3A_795 : vector<1x1x1x16xf32> to vector<16xf32>
        %swap3A_797 = vector.shape_cast %add3A_787 : vector<16xf32> to vector<1x1x1x16xf32>
        tpu.vector_store %arg6[%swap3A_791, %swap3A_792, %swap3A_793, %swap3A_794], %swap3A_797 {strides = array<i32>} : memref<2x4x4x1024xf32, #tpu.memory_space<vmem>>, vector<1x1x1x16xf32>,
        %get3A_798 = arith.constant 0 : i32
        %get3A_799 = arith.constant 2 : i32
        %get3A_800 = arith.constant 1 : i32
        %get3A_801 = arith.index_cast %get3A_798 : i32 to index
        %get3A_802 = arith.index_cast %get3A_799 : i32 to index
        %get3A_803 = arith.index_cast %get3A_800 : i32 to index
        %get3A_804 = arith.index_cast %mul3A_665 : i32 to index
        %get3A_805 = tpu.vector_load %arg5[%get3A_801, %get3A_802, %get3A_803, %get3A_804] {strides = array<i32>} : memref<2x4x4x1024xf32, #tpu.memory_space<vmem>>, vector<1x1x1x16xf32>,
        %get3A_806 = vector.shape_cast %get3A_805 : vector<1x1x1x16xf32> to vector<16xf32>
        %add3A_807 = arith.addf %get3A_806, %get3A_757 : vector<16xf32>
        %swap3A_808 = arith.constant 0 : i32
        %swap3A_809 = arith.constant 2 : i32
        %swap3A_810 = arith.constant 1 : i32
        %swap3A_811 = arith.index_cast %swap3A_808 : i32 to index
        %swap3A_812 = arith.index_cast %swap3A_809 : i32 to index
        %swap3A_813 = arith.index_cast %swap3A_810 : i32 to index
        %swap3A_814 = arith.index_cast %mul3A_665 : i32 to index
        %swap3A_815 = tpu.vector_load %arg6[%swap3A_811, %swap3A_812, %swap3A_813, %swap3A_814] {strides = array<i32>} : memref<2x4x4x1024xf32, #tpu.memory_space<vmem>>, vector<1x1x1x16xf32>,
        %swap3A_816 = vector.shape_cast %swap3A_815 : vector<1x1x1x16xf32> to vector<16xf32>
        %swap3A_817 = vector.shape_cast %add3A_807 : vector<16xf32> to vector<1x1x1x16xf32>
        tpu.vector_store %arg6[%swap3A_811, %swap3A_812, %swap3A_813, %swap3A_814], %swap3A_817 {strides = array<i32>} : memref<2x4x4x1024xf32, #tpu.memory_space<vmem>>, vector<1x1x1x16xf32>,
        %get3A_818 = arith.constant 0 : i32
        %get3A_819 = arith.constant 3 : i32
        %get3A_820 = arith.constant 1 : i32
        %get3A_821 = arith.index_cast %get3A_818 : i32 to index
        %get3A_822 = arith.index_cast %get3A_819 : i32 to index
        %get3A_823 = arith.index_cast %get3A_820 : i32 to index
        %get3A_824 = arith.index_cast %mul3A_665 : i32 to index
        %get3A_825 = tpu.vector_load %arg5[%get3A_821, %get3A_822, %get3A_823, %get3A_824] {strides = array<i32>} : memref<2x4x4x1024xf32, #tpu.memory_space<vmem>>, vector<1x1x1x16xf32>,
        %get3A_826 = vector.shape_cast %get3A_825 : vector<1x1x1x16xf32> to vector<16xf32>
        %add3A_827 = arith.addf %get3A_826, %get3A_757 : vector<16xf32>
        %swap3A_828 = arith.constant 0 : i32
        %swap3A_829 = arith.constant 3 : i32
        %swap3A_830 = arith.constant 1 : i32
        %swap3A_831 = arith.index_cast %swap3A_828 : i32 to index
        %swap3A_832 = arith.index_cast %swap3A_829 : i32 to index
        %swap3A_833 = arith.index_cast %swap3A_830 : i32 to index
        %swap3A_834 = arith.index_cast %mul3A_665 : i32 to index
        %swap3A_835 = tpu.vector_load %arg6[%swap3A_831, %swap3A_832, %swap3A_833, %swap3A_834] {strides = array<i32>} : memref<2x4x4x1024xf32, #tpu.memory_space<vmem>>, vector<1x1x1x16xf32>,
        %swap3A_836 = vector.shape_cast %swap3A_835 : vector<1x1x1x16xf32> to vector<16xf32>
        %swap3A_837 = vector.shape_cast %add3A_827 : vector<16xf32> to vector<1x1x1x16xf32>
        tpu.vector_store %arg6[%swap3A_831, %swap3A_832, %swap3A_833, %swap3A_834], %swap3A_837 {strides = array<i32>} : memref<2x4x4x1024xf32, #tpu.memory_space<vmem>>, vector<1x1x1x16xf32>,
        %get3A_838 = arith.constant 0 : i32
        %get3A_839 = arith.constant 2 : i32
        %get3A_840 = arith.index_cast %get3A_838 : i32 to index
        %get3A_841 = arith.index_cast %get3A_839 : i32 to index
        %get3A_842 = arith.index_cast %mul3A_665 : i32 to index
        %get3A_843 = tpu.vector_load %arg7[%get3A_840, %get3A_841, %get3A_842] {strides = array<i32>} : memref<2x4x1024xf32, #tpu.memory_space<vmem>>, vector<1x1x16xf32>,
        %get3A_844 = vector.shape_cast %get3A_843 : vector<1x1x16xf32> to vector<16xf32>
        %get3A_845 = arith.constant 0 : i32
        %get3A_846 = arith.constant 0 : i32
        %get3A_847 = arith.constant 2 : i32
        %get3A_848 = arith.index_cast %get3A_845 : i32 to index
        %get3A_849 = arith.index_cast %get3A_846 : i32 to index
        %get3A_850 = arith.index_cast %get3A_847 : i32 to index
        %get3A_851 = arith.index_cast %mul3A_665 : i32 to index
        %get3A_852 = tpu.vector_load %arg5[%get3A_848, %get3A_849, %get3A_850, %get3A_851] {strides = array<i32>} : memref<2x4x4x1024xf32, #tpu.memory_space<vmem>>, vector<1x1x1x16xf32>,
        %get3A_853 = vector.shape_cast %get3A_852 : vector<1x1x1x16xf32> to vector<16xf32>
        %add3A_854 = arith.addf %get3A_853, %get3A_844 : vector<16xf32>
        %swap3A_855 = arith.constant 0 : i32
        %swap3A_856 = arith.constant 0 : i32
        %swap3A_857 = arith.constant 2 : i32
        %swap3A_858 = arith.index_cast %swap3A_855 : i32 to index
        %swap3A_859 = arith.index_cast %swap3A_856 : i32 to index
        %swap3A_860 = arith.index_cast %swap3A_857 : i32 to index
        %swap3A_861 = arith.index_cast %mul3A_665 : i32 to index
        %swap3A_862 = tpu.vector_load %arg6[%swap3A_858, %swap3A_859, %swap3A_860, %swap3A_861] {strides = array<i32>} : memref<2x4x4x1024xf32, #tpu.memory_space<vmem>>, vector<1x1x1x16xf32>,
        %swap3A_863 = vector.shape_cast %swap3A_862 : vector<1x1x1x16xf32> to vector<16xf32>
        %swap3A_864 = vector.shape_cast %add3A_854 : vector<16xf32> to vector<1x1x1x16xf32>
        tpu.vector_store %arg6[%swap3A_858, %swap3A_859, %swap3A_860, %swap3A_861], %swap3A_864 {strides = array<i32>} : memref<2x4x4x1024xf32, #tpu.memory_space<vmem>>, vector<1x1x1x16xf32>,
        %get3A_865 = arith.constant 0 : i32
        %get3A_866 = arith.constant 1 : i32
        %get3A_867 = arith.constant 2 : i32
        %get3A_868 = arith.index_cast %get3A_865 : i32 to index
        %get3A_869 = arith.index_cast %get3A_866 : i32 to index
        %get3A_870 = arith.index_cast %get3A_867 : i32 to index
        %get3A_871 = arith.index_cast %mul3A_665 : i32 to index
        %get3A_872 = tpu.vector_load %arg5[%get3A_868, %get3A_869, %get3A_870, %get3A_871] {strides = array<i32>} : memref<2x4x4x1024xf32, #tpu.memory_space<vmem>>, vector<1x1x1x16xf32>,
        %get3A_873 = vector.shape_cast %get3A_872 : vector<1x1x1x16xf32> to vector<16xf32>
        %add3A_874 = arith.addf %get3A_873, %get3A_844 : vector<16xf32>
        %swap3A_875 = arith.constant 0 : i32
        %swap3A_876 = arith.constant 1 : i32
        %swap3A_877 = arith.constant 2 : i32
        %swap3A_878 = arith.index_cast %swap3A_875 : i32 to index
        %swap3A_879 = arith.index_cast %swap3A_876 : i32 to index
        %swap3A_880 = arith.index_cast %swap3A_877 : i32 to index
        %swap3A_881 = arith.index_cast %mul3A_665 : i32 to index
        %swap3A_882 = tpu.vector_load %arg6[%swap3A_878, %swap3A_879, %swap3A_880, %swap3A_881] {strides = array<i32>} : memref<2x4x4x1024xf32, #tpu.memory_space<vmem>>, vector<1x1x1x16xf32>,
        %swap3A_883 = vector.shape_cast %swap3A_882 : vector<1x1x1x16xf32> to vector<16xf32>
        %swap3A_884 = vector.shape_cast %add3A_874 : vector<16xf32> to vector<1x1x1x16xf32>
        tpu.vector_store %arg6[%swap3A_878, %swap3A_879, %swap3A_880, %swap3A_881], %swap3A_884 {strides = array<i32>} : memref<2x4x4x1024xf32, #tpu.memory_space<vmem>>, vector<1x1x1x16xf32>,
        %get3A_885 = arith.constant 0 : i32
        %get3A_886 = arith.constant 2 : i32
        %get3A_887 = arith.constant 2 : i32
        %get3A_888 = arith.index_cast %get3A_885 : i32 to index
        %get3A_889 = arith.index_cast %get3A_886 : i32 to index
        %get3A_890 = arith.index_cast %get3A_887 : i32 to index
        %get3A_891 = arith.index_cast %mul3A_665 : i32 to index
        %get3A_892 = tpu.vector_load %arg5[%get3A_888, %get3A_889, %get3A_890, %get3A_891] {strides = array<i32>} : memref<2x4x4x1024xf32, #tpu.memory_space<vmem>>, vector<1x1x1x16xf32>,
        %get3A_893 = vector.shape_cast %get3A_892 : vector<1x1x1x16xf32> to vector<16xf32>
        %add3A_894 = arith.addf %get3A_893, %get3A_844 : vector<16xf32>
        %swap3A_895 = arith.constant 0 : i32
        %swap3A_896 = arith.constant 2 : i32
        %swap3A_897 = arith.constant 2 : i32
        %swap3A_898 = arith.index_cast %swap3A_895 : i32 to index
        %swap3A_899 = arith.index_cast %swap3A_896 : i32 to index
        %swap3A_900 = arith.index_cast %swap3A_897 : i32 to index
        %swap3A_901 = arith.index_cast %mul3A_665 : i32 to index
        %swap3A_902 = tpu.vector_load %arg6[%swap3A_898, %swap3A_899, %swap3A_900, %swap3A_901] {strides = array<i32>} : memref<2x4x4x1024xf32, #tpu.memory_space<vmem>>, vector<1x1x1x16xf32>,
        %swap3A_903 = vector.shape_cast %swap3A_902 : vector<1x1x1x16xf32> to vector<16xf32>
        %swap3A_904 = vector.shape_cast %add3A_894 : vector<16xf32> to vector<1x1x1x16xf32>
        tpu.vector_store %arg6[%swap3A_898, %swap3A_899, %swap3A_900, %swap3A_901], %swap3A_904 {strides = array<i32>} : memref<2x4x4x1024xf32, #tpu.memory_space<vmem>>, vector<1x1x1x16xf32>,
        %get3A_905 = arith.constant 0 : i32
        %get3A_906 = arith.constant 3 : i32
        %get3A_907 = arith.constant 2 : i32
        %get3A_908 = arith.index_cast %get3A_905 : i32 to index
        %get3A_909 = arith.index_cast %get3A_906 : i32 to index
        %get3A_910 = arith.index_cast %get3A_907 : i32 to index
        %get3A_911 = arith.index_cast %mul3A_665 : i32 to index
        %get3A_912 = tpu.vector_load %arg5[%get3A_908, %get3A_909, %get3A_910, %get3A_911] {strides = array<i32>} : memref<2x4x4x1024xf32, #tpu.memory_space<vmem>>, vector<1x1x1x16xf32>,
        %get3A_913 = vector.shape_cast %get3A_912 : vector<1x1x1x16xf32> to vector<16xf32>
        %add3A_914 = arith.addf %get3A_913, %get3A_844 : vector<16xf32>
        %swap3A_915 = arith.constant 0 : i32
        %swap3A_916 = arith.constant 3 : i32
        %swap3A_917 = arith.constant 2 : i32
        %swap3A_918 = arith.index_cast %swap3A_915 : i32 to index
        %swap3A_919 = arith.index_cast %swap3A_916 : i32 to index
        %swap3A_920 = arith.index_cast %swap3A_917 : i32 to index
        %swap3A_921 = arith.index_cast %mul3A_665 : i32 to index
        %swap3A_922 = tpu.vector_load %arg6[%swap3A_918, %swap3A_919, %swap3A_920, %swap3A_921] {strides = array<i32>} : memref<2x4x4x1024xf32, #tpu.memory_space<vmem>>, vector<1x1x1x16xf32>,
        %swap3A_923 = vector.shape_cast %swap3A_922 : vector<1x1x1x16xf32> to vector<16xf32>
        %swap3A_924 = vector.shape_cast %add3A_914 : vector<16xf32> to vector<1x1x1x16xf32>
        tpu.vector_store %arg6[%swap3A_918, %swap3A_919, %swap3A_920, %swap3A_921], %swap3A_924 {strides = array<i32>} : memref<2x4x4x1024xf32, #tpu.memory_space<vmem>>, vector<1x1x1x16xf32>,
        %get3A_925 = arith.constant 0 : i32
        %get3A_926 = arith.constant 3 : i32
        %get3A_927 = arith.index_cast %get3A_925 : i32 to index
        %get3A_928 = arith.index_cast %get3A_926 : i32 to index
        %get3A_929 = arith.index_cast %mul3A_665 : i32 to index
        %get3A_930 = tpu.vector_load %arg7[%get3A_927, %get3A_928, %get3A_929] {strides = array<i32>} : memref<2x4x1024xf32, #tpu.memory_space<vmem>>, vector<1x1x16xf32>,
        %get3A_931 = vector.shape_cast %get3A_930 : vector<1x1x16xf32> to vector<16xf32>
        %get3A_932 = arith.constant 0 : i32
        %get3A_933 = arith.constant 0 : i32
        %get3A_934 = arith.constant 3 : i32
        %get3A_935 = arith.index_cast %get3A_932 : i32 to index
        %get3A_936 = arith.index_cast %get3A_933 : i32 to index
        %get3A_937 = arith.index_cast %get3A_934 : i32 to index
        %get3A_938 = arith.index_cast %mul3A_665 : i32 to index
        %get3A_939 = tpu.vector_load %arg5[%get3A_935, %get3A_936, %get3A_937, %get3A_938] {strides = array<i32>} : memref<2x4x4x1024xf32, #tpu.memory_space<vmem>>, vector<1x1x1x16xf32>,
        %get3A_940 = vector.shape_cast %get3A_939 : vector<1x1x1x16xf32> to vector<16xf32>
        %add3A_941 = arith.addf %get3A_940, %get3A_931 : vector<16xf32>
        %swap3A_942 = arith.constant 0 : i32
        %swap3A_943 = arith.constant 0 : i32
        %swap3A_944 = arith.constant 3 : i32
        %swap3A_945 = arith.index_cast %swap3A_942 : i32 to index
        %swap3A_946 = arith.index_cast %swap3A_943 : i32 to index
        %swap3A_947 = arith.index_cast %swap3A_944 : i32 to index
        %swap3A_948 = arith.index_cast %mul3A_665 : i32 to index
        %swap3A_949 = tpu.vector_load %arg6[%swap3A_945, %swap3A_946, %swap3A_947, %swap3A_948] {strides = array<i32>} : memref<2x4x4x1024xf32, #tpu.memory_space<vmem>>, vector<1x1x1x16xf32>,
        %swap3A_950 = vector.shape_cast %swap3A_949 : vector<1x1x1x16xf32> to vector<16xf32>
        %swap3A_951 = vector.shape_cast %add3A_941 : vector<16xf32> to vector<1x1x1x16xf32>
        tpu.vector_store %arg6[%swap3A_945, %swap3A_946, %swap3A_947, %swap3A_948], %swap3A_951 {strides = array<i32>} : memref<2x4x4x1024xf32, #tpu.memory_space<vmem>>, vector<1x1x1x16xf32>,
        %get3A_952 = arith.constant 0 : i32
        %get3A_953 = arith.constant 1 : i32
        %get3A_954 = arith.constant 3 : i32
        %get3A_955 = arith.index_cast %get3A_952 : i32 to index
        %get3A_956 = arith.index_cast %get3A_953 : i32 to index
        %get3A_957 = arith.index_cast %get3A_954 : i32 to index
        %get3A_958 = arith.index_cast %mul3A_665 : i32 to index
        %get3A_959 = tpu.vector_load %arg5[%get3A_955, %get3A_956, %get3A_957, %get3A_958] {strides = array<i32>} : memref<2x4x4x1024xf32, #tpu.memory_space<vmem>>, vector<1x1x1x16xf32>,
        %get3A_960 = vector.shape_cast %get3A_959 : vector<1x1x1x16xf32> to vector<16xf32>
        %add3A_961 = arith.addf %get3A_960, %get3A_931 : vector<16xf32>
        %swap3A_962 = arith.constant 0 : i32
        %swap3A_963 = arith.constant 1 : i32
        %swap3A_964 = arith.constant 3 : i32
        %swap3A_965 = arith.index_cast %swap3A_962 : i32 to index
        %swap3A_966 = arith.index_cast %swap3A_963 : i32 to index
        %swap3A_967 = arith.index_cast %swap3A_964 : i32 to index
        %swap3A_968 = arith.index_cast %mul3A_665 : i32 to index
        %swap3A_969 = tpu.vector_load %arg6[%swap3A_965, %swap3A_966, %swap3A_967, %swap3A_968] {strides = array<i32>} : memref<2x4x4x1024xf32, #tpu.memory_space<vmem>>, vector<1x1x1x16xf32>,
        %swap3A_970 = vector.shape_cast %swap3A_969 : vector<1x1x1x16xf32> to vector<16xf32>
        %swap3A_971 = vector.shape_cast %add3A_961 : vector<16xf32> to vector<1x1x1x16xf32>
        tpu.vector_store %arg6[%swap3A_965, %swap3A_966, %swap3A_967, %swap3A_968], %swap3A_971 {strides = array<i32>} : memref<2x4x4x1024xf32, #tpu.memory_space<vmem>>, vector<1x1x1x16xf32>,
        %get3A_972 = arith.constant 0 : i32
        %get3A_973 = arith.constant 2 : i32
        %get3A_974 = arith.constant 3 : i32
        %get3A_975 = arith.index_cast %get3A_972 : i32 to index
        %get3A_976 = arith.index_cast %get3A_973 : i32 to index
        %get3A_977 = arith.index_cast %get3A_974 : i32 to index
        %get3A_978 = arith.index_cast %mul3A_665 : i32 to index
        %get3A_979 = tpu.vector_load %arg5[%get3A_975, %get3A_976, %get3A_977, %get3A_978] {strides = array<i32>} : memref<2x4x4x1024xf32, #tpu.memory_space<vmem>>, vector<1x1x1x16xf32>,
        %get3A_980 = vector.shape_cast %get3A_979 : vector<1x1x1x16xf32> to vector<16xf32>
        %add3A_981 = arith.addf %get3A_980, %get3A_931 : vector<16xf32>
        %swap3A_982 = arith.constant 0 : i32
        %swap3A_983 = arith.constant 2 : i32
        %swap3A_984 = arith.constant 3 : i32
        %swap3A_985 = arith.index_cast %swap3A_982 : i32 to index
        %swap3A_986 = arith.index_cast %swap3A_983 : i32 to index
        %swap3A_987 = arith.index_cast %swap3A_984 : i32 to index
        %swap3A_988 = arith.index_cast %mul3A_665 : i32 to index
        %swap3A_989 = tpu.vector_load %arg6[%swap3A_985, %swap3A_986, %swap3A_987, %swap3A_988] {strides = array<i32>} : memref<2x4x4x1024xf32, #tpu.memory_space<vmem>>, vector<1x1x1x16xf32>,
        %swap3A_990 = vector.shape_cast %swap3A_989 : vector<1x1x1x16xf32> to vector<16xf32>
        %swap3A_991 = vector.shape_cast %add3A_981 : vector<16xf32> to vector<1x1x1x16xf32>
        tpu.vector_store %arg6[%swap3A_985, %swap3A_986, %swap3A_987, %swap3A_988], %swap3A_991 {strides = array<i32>} : memref<2x4x4x1024xf32, #tpu.memory_space<vmem>>, vector<1x1x1x16xf32>,
        %get3A_992 = arith.constant 0 : i32
        %get3A_993 = arith.constant 3 : i32
        %get3A_994 = arith.constant 3 : i32
        %get3A_995 = arith.index_cast %get3A_992 : i32 to index
        %get3A_996 = arith.index_cast %get3A_993 : i32 to index
        %get3A_997 = arith.index_cast %get3A_994 : i32 to index
        %get3A_998 = arith.index_cast %mul3A_665 : i32 to index
        %get3A_999 = tpu.vector_load %arg5[%get3A_995, %get3A_996, %get3A_997, %get3A_998] {strides = array<i32>} : memref<2x4x4x1024xf32, #tpu.memory_space<vmem>>, vector<1x1x1x16xf32>,
        %get3A_1000 = vector.shape_cast %get3A_999 : vector<1x1x1x16xf32> to vector<16xf32>
        %add3A_1001 = arith.addf %get3A_1000, %get3A_931 : vector<16xf32>
        %swap3A_1002 = arith.constant 0 : i32
        %swap3A_1003 = arith.constant 3 : i32
        %swap3A_1004 = arith.constant 3 : i32
        %swap3A_1005 = arith.index_cast %swap3A_1002 : i32 to index
        %swap3A_1006 = arith.index_cast %swap3A_1003 : i32 to index
        %swap3A_1007 = arith.index_cast %swap3A_1004 : i32 to index
        %swap3A_1008 = arith.index_cast %mul3A_665 : i32 to index
        %swap3A_1009 = tpu.vector_load %arg6[%swap3A_1005, %swap3A_1006, %swap3A_1007, %swap3A_1008] {strides = array<i32>} : memref<2x4x4x1024xf32, #tpu.memory_space<vmem>>, vector<1x1x1x16xf32>,
        %swap3A_1010 = vector.shape_cast %swap3A_1009 : vector<1x1x1x16xf32> to vector<16xf32>
        %swap3A_1011 = vector.shape_cast %add3A_1001 : vector<16xf32> to vector<1x1x1x16xf32>
        tpu.vector_store %arg6[%swap3A_1005, %swap3A_1006, %swap3A_1007, %swap3A_1008], %swap3A_1011 {strides = array<i32>} : memref<2x4x4x1024xf32, #tpu.memory_space<vmem>>, vector<1x1x1x16xf32>,
      }
      %scan3A_408 = arith.constant 64 : i32
      %mul3A_409 = arith.constant 4 : i32
      %mul3A_410 = arith.muli %add3A_316, %mul3A_409 : i32
      %add3A_411 = arith.addi %mul3A_2, %mul3A_410 : i32
      %dma_start3A_412 = arith.constant 0 : i32
      %dma_start3A_413 = arith.constant 0 : i32
      %dma_start3A_414 = arith.constant 0 : i32
      %dma_start3A_415 = arith.constant 0 : i32
      %dma_start3A_416 = arith.constant 0 : i32
      %dma_start3A_417 = tpu.memref_slice %arg6[%dma_start3A_412, %dma_start3A_413, %dma_start3A_415, %dma_start3A_416] : memref<2x4x4x1024xf32, #tpu.memory_space<vmem>> -> memref<1x1x4x1024xf32, #tpu.memory_space<vmem>>
      %dma_start3A_418 = tpu.memref_squeeze %dma_start3A_417 : memref<1x1x4x1024xf32, #tpu.memory_space<vmem>> -> memref<4x1024xf32, #tpu.memory_space<vmem>>
      %dma_start3A_419 = arith.constant 0 : i32
      %dma_start3A_420 = tpu.memref_slice %arg4[%dma_start3A_414, %add3A_411, %dma_start3A_419] : memref<4x8192x1024xf32, #tpu.memory_space<hbm>> -> memref<1x4x1024xf32, #tpu.memory_space<hbm>>
      %dma_start3A_421 = tpu.memref_squeeze %dma_start3A_420 : memref<1x4x1024xf32, #tpu.memory_space<hbm>> -> memref<4x1024xf32, #tpu.memory_space<hbm>>
      %dma_start3A_422 = arith.constant 0 : i32
      %dma_start3A_423 = tpu.memref_slice %arg4[%dma_start3A_414, %add3A_411, %dma_start3A_422] : memref<4x8192x1024xf32, #tpu.memory_space<hbm>> -> memref<1x4x1024xf32, #tpu.memory_space<hbm>>
      %dma_start3A_424 = tpu.memref_squeeze %dma_start3A_423 : memref<1x4x1024xf32, #tpu.memory_space<hbm>> -> memref<4x1024xf32, #tpu.memory_space<hbm>>
      %dma_start3A_425 = arith.constant 0 : i32
      %dma_start3A_426 = arith.constant 0 : i32
      %dma_start3A_427 = tpu.memref_slice %arg6[%dma_start3A_412, %dma_start3A_413, %dma_start3A_425, %dma_start3A_426] : memref<2x4x4x1024xf32, #tpu.memory_space<vmem>> -> memref<1x1x4x1024xf32, #tpu.memory_space<vmem>>
      %dma_start3A_428 = tpu.memref_squeeze %dma_start3A_427 : memref<1x1x4x1024xf32, #tpu.memory_space<vmem>> -> memref<4x1024xf32, #tpu.memory_space<vmem>>
      tpu.enqueue_dma source(%dma_start3A_428 : memref<4x1024xf32, #tpu.memory_space<vmem>>) target(%dma_start3A_424 : memref<4x1024xf32, #tpu.memory_space<hbm>>) target_semaphore(%arg10 : memref<!tpu.dma_semaphore, #tpu.memory_space<semaphore_mem>>)
      %dma_start3A_429 = arith.constant 0 : i32
      %dma_start3A_430 = arith.constant 1 : i32
      %dma_start3A_431 = arith.constant 1 : i32
      %dma_start3A_432 = arith.constant 0 : i32
      %dma_start3A_433 = arith.constant 0 : i32
      %dma_start3A_434 = tpu.memref_slice %arg6[%dma_start3A_429, %dma_start3A_430, %dma_start3A_432, %dma_start3A_433] : memref<2x4x4x1024xf32, #tpu.memory_space<vmem>> -> memref<1x1x4x1024xf32, #tpu.memory_space<vmem>>
      %dma_start3A_435 = tpu.memref_squeeze %dma_start3A_434 : memref<1x1x4x1024xf32, #tpu.memory_space<vmem>> -> memref<4x1024xf32, #tpu.memory_space<vmem>>
      %dma_start3A_436 = arith.constant 0 : i32
      %dma_start3A_437 = tpu.memref_slice %arg4[%dma_start3A_431, %add3A_411, %dma_start3A_436] : memref<4x8192x1024xf32, #tpu.memory_space<hbm>> -> memref<1x4x1024xf32, #tpu.memory_space<hbm>>
      %dma_start3A_438 = tpu.memref_squeeze %dma_start3A_437 : memref<1x4x1024xf32, #tpu.memory_space<hbm>> -> memref<4x1024xf32, #tpu.memory_space<hbm>>
      %dma_start3A_439 = arith.constant 0 : i32
      %dma_start3A_440 = tpu.memref_slice %arg4[%dma_start3A_431, %add3A_411, %dma_start3A_439] : memref<4x8192x1024xf32, #tpu.memory_space<hbm>> -> memref<1x4x1024xf32, #tpu.memory_space<hbm>>
      %dma_start3A_441 = tpu.memref_squeeze %dma_start3A_440 : memref<1x4x1024xf32, #tpu.memory_space<hbm>> -> memref<4x1024xf32, #tpu.memory_space<hbm>>
      %dma_start3A_442 = arith.constant 0 : i32
      %dma_start3A_443 = arith.constant 0 : i32
      %dma_start3A_444 = tpu.memref_slice %arg6[%dma_start3A_429, %dma_start3A_430, %dma_start3A_442, %dma_start3A_443] : memref<2x4x4x1024xf32, #tpu.memory_space<vmem>> -> memref<1x1x4x1024xf32, #tpu.memory_space<vmem>>
      %dma_start3A_445 = tpu.memref_squeeze %dma_start3A_444 : memref<1x1x4x1024xf32, #tpu.memory_space<vmem>> -> memref<4x1024xf32, #tpu.memory_space<vmem>>
      tpu.enqueue_dma source(%dma_start3A_445 : memref<4x1024xf32, #tpu.memory_space<vmem>>) target(%dma_start3A_441 : memref<4x1024xf32, #tpu.memory_space<hbm>>) target_semaphore(%arg10 : memref<!tpu.dma_semaphore, #tpu.memory_space<semaphore_mem>>)
      %dma_start3A_446 = arith.constant 0 : i32
      %dma_start3A_447 = arith.constant 2 : i32
      %dma_start3A_448 = arith.constant 2 : i32
      %dma_start3A_449 = arith.constant 0 : i32
      %dma_start3A_450 = arith.constant 0 : i32
      %dma_start3A_451 = tpu.memref_slice %arg6[%dma_start3A_446, %dma_start3A_447, %dma_start3A_449, %dma_start3A_450] : memref<2x4x4x1024xf32, #tpu.memory_space<vmem>> -> memref<1x1x4x1024xf32, #tpu.memory_space<vmem>>
      %dma_start3A_452 = tpu.memref_squeeze %dma_start3A_451 : memref<1x1x4x1024xf32, #tpu.memory_space<vmem>> -> memref<4x1024xf32, #tpu.memory_space<vmem>>
      %dma_start3A_453 = arith.constant 0 : i32
      %dma_start3A_454 = tpu.memref_slice %arg4[%dma_start3A_448, %add3A_411, %dma_start3A_453] : memref<4x8192x1024xf32, #tpu.memory_space<hbm>> -> memref<1x4x1024xf32, #tpu.memory_space<hbm>>
      %dma_start3A_455 = tpu.memref_squeeze %dma_start3A_454 : memref<1x4x1024xf32, #tpu.memory_space<hbm>> -> memref<4x1024xf32, #tpu.memory_space<hbm>>
      %dma_start3A_456 = arith.constant 0 : i32
      %dma_start3A_457 = tpu.memref_slice %arg4[%dma_start3A_448, %add3A_411, %dma_start3A_456] : memref<4x8192x1024xf32, #tpu.memory_space<hbm>> -> memref<1x4x1024xf32, #tpu.memory_space<hbm>>
      %dma_start3A_458 = tpu.memref_squeeze %dma_start3A_457 : memref<1x4x1024xf32, #tpu.memory_space<hbm>> -> memref<4x1024xf32, #tpu.memory_space<hbm>>
      %dma_start3A_459 = arith.constant 0 : i32
      %dma_start3A_460 = arith.constant 0 : i32
      %dma_start3A_461 = tpu.memref_slice %arg6[%dma_start3A_446, %dma_start3A_447, %dma_start3A_459, %dma_start3A_460] : memref<2x4x4x1024xf32, #tpu.memory_space<vmem>> -> memref<1x1x4x1024xf32, #tpu.memory_space<vmem>>
      %dma_start3A_462 = tpu.memref_squeeze %dma_start3A_461 : memref<1x1x4x1024xf32, #tpu.memory_space<vmem>> -> memref<4x1024xf32, #tpu.memory_space<vmem>>
      tpu.enqueue_dma source(%dma_start3A_462 : memref<4x1024xf32, #tpu.memory_space<vmem>>) target(%dma_start3A_458 : memref<4x1024xf32, #tpu.memory_space<hbm>>) target_semaphore(%arg10 : memref<!tpu.dma_semaphore, #tpu.memory_space<semaphore_mem>>)
      %dma_start3A_463 = arith.constant 0 : i32
      %dma_start3A_464 = arith.constant 3 : i32
      %dma_start3A_465 = arith.constant 3 : i32
      %dma_start3A_466 = arith.constant 0 : i32
      %dma_start3A_467 = arith.constant 0 : i32
      %dma_start3A_468 = tpu.memref_slice %arg6[%dma_start3A_463, %dma_start3A_464, %dma_start3A_466, %dma_start3A_467] : memref<2x4x4x1024xf32, #tpu.memory_space<vmem>> -> memref<1x1x4x1024xf32, #tpu.memory_space<vmem>>
      %dma_start3A_469 = tpu.memref_squeeze %dma_start3A_468 : memref<1x1x4x1024xf32, #tpu.memory_space<vmem>> -> memref<4x1024xf32, #tpu.memory_space<vmem>>
      %dma_start3A_470 = arith.constant 0 : i32
      %dma_start3A_471 = tpu.memref_slice %arg4[%dma_start3A_465, %add3A_411, %dma_start3A_470] : memref<4x8192x1024xf32, #tpu.memory_space<hbm>> -> memref<1x4x1024xf32, #tpu.memory_space<hbm>>
      %dma_start3A_472 = tpu.memref_squeeze %dma_start3A_471 : memref<1x4x1024xf32, #tpu.memory_space<hbm>> -> memref<4x1024xf32, #tpu.memory_space<hbm>>
      %dma_start3A_473 = arith.constant 0 : i32
      %dma_start3A_474 = tpu.memref_slice %arg4[%dma_start3A_465, %add3A_411, %dma_start3A_473] : memref<4x8192x1024xf32, #tpu.memory_space<hbm>> -> memref<1x4x1024xf32, #tpu.memory_space<hbm>>
      %dma_start3A_475 = tpu.memref_squeeze %dma_start3A_474 : memref<1x4x1024xf32, #tpu.memory_space<hbm>> -> memref<4x1024xf32, #tpu.memory_space<hbm>>
      %dma_start3A_476 = arith.constant 0 : i32
      %dma_start3A_477 = arith.constant 0 : i32
      %dma_start3A_478 = tpu.memref_slice %arg6[%dma_start3A_463, %dma_start3A_464, %dma_start3A_476, %dma_start3A_477] : memref<2x4x4x1024xf32, #tpu.memory_space<vmem>> -> memref<1x1x4x1024xf32, #tpu.memory_space<vmem>>
      %dma_start3A_479 = tpu.memref_squeeze %dma_start3A_478 : memref<1x1x4x1024xf32, #tpu.memory_space<vmem>> -> memref<4x1024xf32, #tpu.memory_space<vmem>>
      tpu.enqueue_dma source(%dma_start3A_479 : memref<4x1024xf32, #tpu.memory_space<vmem>>) target(%dma_start3A_475 : memref<4x1024xf32, #tpu.memory_space<hbm>>) target_semaphore(%arg10 : memref<!tpu.dma_semaphore, #tpu.memory_space<semaphore_mem>>)
      %add3A_480 = arith.constant 2 : i32
      %add3A_481 = arith.addi %add3A_316, %add3A_480 : i32
      %lt3A = arith.constant 64 : i32
      %lt3A_482 = arith.cmpi slt, %add3A_481, %lt3A : i32
      %convert_element_type3A_483 = arith.extui %lt3A_482 : i1 to i32
      %cond3A_484 = arith.constant 0 : i32
      %cond3A_485 = arith.cmpi ne, %convert_element_type3A_483, %cond3A_484 : i32
      scf.if %cond3A_485 {
        %add3A_663 = arith.constant 2 : i32
        %add3A_664 = arith.addi %add3A_316, %add3A_663 : i32
        %mul3A_665 = arith.constant 4 : i32
        %mul3A_666 = arith.muli %add3A_664, %mul3A_665 : i32
        %add3A_667 = arith.addi %mul3A_2, %mul3A_666 : i32
        %dma_start3A_668 = arith.constant 0 : i32
        %dma_start3A_669 = arith.constant 0 : i32
        %dma_start3A_670 = arith.constant 0 : i32
        %dma_start3A_671 = arith.constant 0 : i32
        %dma_start3A_672 = arith.constant 0 : i32
        %dma_start3A_673 = tpu.memref_slice %arg5[%dma_start3A_669, %dma_start3A_670, %dma_start3A_671, %dma_start3A_672] : memref<2x4x4x1024xf32, #tpu.memory_space<vmem>> -> memref<1x1x4x1024xf32, #tpu.memory_space<vmem>>
        %dma_start3A_674 = tpu.memref_squeeze %dma_start3A_673 : memref<1x1x4x1024xf32, #tpu.memory_space<vmem>> -> memref<4x1024xf32, #tpu.memory_space<vmem>>
        %dma_start3A_675 = arith.constant 0 : i32
        %dma_start3A_676 = tpu.memref_slice %arg2[%dma_start3A_668, %add3A_667, %dma_start3A_675] : memref<4x8192x1024xf32, #tpu.memory_space<hbm>> -> memref<1x4x1024xf32, #tpu.memory_space<hbm>>
        %dma_start3A_677 = tpu.memref_squeeze %dma_start3A_676 : memref<1x4x1024xf32, #tpu.memory_space<hbm>> -> memref<4x1024xf32, #tpu.memory_space<hbm>>
        %dma_start3A_678 = arith.constant 0 : i32
        %dma_start3A_679 = arith.constant 0 : i32
        %dma_start3A_680 = tpu.memref_slice %arg5[%dma_start3A_669, %dma_start3A_670, %dma_start3A_678, %dma_start3A_679] : memref<2x4x4x1024xf32, #tpu.memory_space<vmem>> -> memref<1x1x4x1024xf32, #tpu.memory_space<vmem>>
        %dma_start3A_681 = tpu.memref_squeeze %dma_start3A_680 : memref<1x1x4x1024xf32, #tpu.memory_space<vmem>> -> memref<4x1024xf32, #tpu.memory_space<vmem>>
        %dma_start3A_682 = arith.constant 0 : i32
        %dma_start3A_683 = tpu.memref_slice %arg2[%dma_start3A_668, %add3A_667, %dma_start3A_682] : memref<4x8192x1024xf32, #tpu.memory_space<hbm>> -> memref<1x4x1024xf32, #tpu.memory_space<hbm>>
        %dma_start3A_684 = tpu.memref_squeeze %dma_start3A_683 : memref<1x4x1024xf32, #tpu.memory_space<hbm>> -> memref<4x1024xf32, #tpu.memory_space<hbm>>
        tpu.enqueue_dma source(%dma_start3A_684 : memref<4x1024xf32, #tpu.memory_space<hbm>>) target(%dma_start3A_681 : memref<4x1024xf32, #tpu.memory_space<vmem>>) target_semaphore(%arg8 : memref<!tpu.dma_semaphore, #tpu.memory_space<semaphore_mem>>)
        %dma_start3A_685 = arith.constant 1 : i32
        %dma_start3A_686 = arith.constant 0 : i32
        %dma_start3A_687 = arith.constant 1 : i32
        %dma_start3A_688 = arith.constant 0 : i32
        %dma_start3A_689 = arith.constant 0 : i32
        %dma_start3A_690 = tpu.memref_slice %arg5[%dma_start3A_686, %dma_start3A_687, %dma_start3A_688, %dma_start3A_689] : memref<2x4x4x1024xf32, #tpu.memory_space<vmem>> -> memref<1x1x4x1024xf32, #tpu.memory_space<vmem>>
        %dma_start3A_691 = tpu.memref_squeeze %dma_start3A_690 : memref<1x1x4x1024xf32, #tpu.memory_space<vmem>> -> memref<4x1024xf32, #tpu.memory_space<vmem>>
        %dma_start3A_692 = arith.constant 0 : i32
        %dma_start3A_693 = tpu.memref_slice %arg2[%dma_start3A_685, %add3A_667, %dma_start3A_692] : memref<4x8192x1024xf32, #tpu.memory_space<hbm>> -> memref<1x4x1024xf32, #tpu.memory_space<hbm>>
        %dma_start3A_694 = tpu.memref_squeeze %dma_start3A_693 : memref<1x4x1024xf32, #tpu.memory_space<hbm>> -> memref<4x1024xf32, #tpu.memory_space<hbm>>
        %dma_start3A_695 = arith.constant 0 : i32
        %dma_start3A_696 = arith.constant 0 : i32
        %dma_start3A_697 = tpu.memref_slice %arg5[%dma_start3A_686, %dma_start3A_687, %dma_start3A_695, %dma_start3A_696] : memref<2x4x4x1024xf32, #tpu.memory_space<vmem>> -> memref<1x1x4x1024xf32, #tpu.memory_space<vmem>>
        %dma_start3A_698 = tpu.memref_squeeze %dma_start3A_697 : memref<1x1x4x1024xf32, #tpu.memory_space<vmem>> -> memref<4x1024xf32, #tpu.memory_space<vmem>>
        %dma_start3A_699 = arith.constant 0 : i32
        %dma_start3A_700 = tpu.memref_slice %arg2[%dma_start3A_685, %add3A_667, %dma_start3A_699] : memref<4x8192x1024xf32, #tpu.memory_space<hbm>> -> memref<1x4x1024xf32, #tpu.memory_space<hbm>>
        %dma_start3A_701 = tpu.memref_squeeze %dma_start3A_700 : memref<1x4x1024xf32, #tpu.memory_space<hbm>> -> memref<4x1024xf32, #tpu.memory_space<hbm>>
        tpu.enqueue_dma source(%dma_start3A_701 : memref<4x1024xf32, #tpu.memory_space<hbm>>) target(%dma_start3A_698 : memref<4x1024xf32, #tpu.memory_space<vmem>>) target_semaphore(%arg8 : memref<!tpu.dma_semaphore, #tpu.memory_space<semaphore_mem>>)
        %dma_start3A_702 = arith.constant 2 : i32
        %dma_start3A_703 = arith.constant 0 : i32
        %dma_start3A_704 = arith.constant 2 : i32
        %dma_start3A_705 = arith.constant 0 : i32
        %dma_start3A_706 = arith.constant 0 : i32
        %dma_start3A_707 = tpu.memref_slice %arg5[%dma_start3A_703, %dma_start3A_704, %dma_start3A_705, %dma_start3A_706] : memref<2x4x4x1024xf32, #tpu.memory_space<vmem>> -> memref<1x1x4x1024xf32, #tpu.memory_space<vmem>>
        %dma_start3A_708 = tpu.memref_squeeze %dma_start3A_707 : memref<1x1x4x1024xf32, #tpu.memory_space<vmem>> -> memref<4x1024xf32, #tpu.memory_space<vmem>>
        %dma_start3A_709 = arith.constant 0 : i32
        %dma_start3A_710 = tpu.memref_slice %arg2[%dma_start3A_702, %add3A_667, %dma_start3A_709] : memref<4x8192x1024xf32, #tpu.memory_space<hbm>> -> memref<1x4x1024xf32, #tpu.memory_space<hbm>>
        %dma_start3A_711 = tpu.memref_squeeze %dma_start3A_710 : memref<1x4x1024xf32, #tpu.memory_space<hbm>> -> memref<4x1024xf32, #tpu.memory_space<hbm>>
        %dma_start3A_712 = arith.constant 0 : i32
        %dma_start3A_713 = arith.constant 0 : i32
        %dma_start3A_714 = tpu.memref_slice %arg5[%dma_start3A_703, %dma_start3A_704, %dma_start3A_712, %dma_start3A_713] : memref<2x4x4x1024xf32, #tpu.memory_space<vmem>> -> memref<1x1x4x1024xf32, #tpu.memory_space<vmem>>
        %dma_start3A_715 = tpu.memref_squeeze %dma_start3A_714 : memref<1x1x4x1024xf32, #tpu.memory_space<vmem>> -> memref<4x1024xf32, #tpu.memory_space<vmem>>
        %dma_start3A_716 = arith.constant 0 : i32
        %dma_start3A_717 = tpu.memref_slice %arg2[%dma_start3A_702, %add3A_667, %dma_start3A_716] : memref<4x8192x1024xf32, #tpu.memory_space<hbm>> -> memref<1x4x1024xf32, #tpu.memory_space<hbm>>
        %dma_start3A_718 = tpu.memref_squeeze %dma_start3A_717 : memref<1x4x1024xf32, #tpu.memory_space<hbm>> -> memref<4x1024xf32, #tpu.memory_space<hbm>>
        tpu.enqueue_dma source(%dma_start3A_718 : memref<4x1024xf32, #tpu.memory_space<hbm>>) target(%dma_start3A_715 : memref<4x1024xf32, #tpu.memory_space<vmem>>) target_semaphore(%arg8 : memref<!tpu.dma_semaphore, #tpu.memory_space<semaphore_mem>>)
        %dma_start3A_719 = arith.constant 3 : i32
        %dma_start3A_720 = arith.constant 0 : i32
        %dma_start3A_721 = arith.constant 3 : i32
        %dma_start3A_722 = arith.constant 0 : i32
        %dma_start3A_723 = arith.constant 0 : i32
        %dma_start3A_724 = tpu.memref_slice %arg5[%dma_start3A_720, %dma_start3A_721, %dma_start3A_722, %dma_start3A_723] : memref<2x4x4x1024xf32, #tpu.memory_space<vmem>> -> memref<1x1x4x1024xf32, #tpu.memory_space<vmem>>
        %dma_start3A_725 = tpu.memref_squeeze %dma_start3A_724 : memref<1x1x4x1024xf32, #tpu.memory_space<vmem>> -> memref<4x1024xf32, #tpu.memory_space<vmem>>
        %dma_start3A_726 = arith.constant 0 : i32
        %dma_start3A_727 = tpu.memref_slice %arg2[%dma_start3A_719, %add3A_667, %dma_start3A_726] : memref<4x8192x1024xf32, #tpu.memory_space<hbm>> -> memref<1x4x1024xf32, #tpu.memory_space<hbm>>
        %dma_start3A_728 = tpu.memref_squeeze %dma_start3A_727 : memref<1x4x1024xf32, #tpu.memory_space<hbm>> -> memref<4x1024xf32, #tpu.memory_space<hbm>>
        %dma_start3A_729 = arith.constant 0 : i32
        %dma_start3A_730 = arith.constant 0 : i32
        %dma_start3A_731 = tpu.memref_slice %arg5[%dma_start3A_720, %dma_start3A_721, %dma_start3A_729, %dma_start3A_730] : memref<2x4x4x1024xf32, #tpu.memory_space<vmem>> -> memref<1x1x4x1024xf32, #tpu.memory_space<vmem>>
        %dma_start3A_732 = tpu.memref_squeeze %dma_start3A_731 : memref<1x1x4x1024xf32, #tpu.memory_space<vmem>> -> memref<4x1024xf32, #tpu.memory_space<vmem>>
        %dma_start3A_733 = arith.constant 0 : i32
        %dma_start3A_734 = tpu.memref_slice %arg2[%dma_start3A_719, %add3A_667, %dma_start3A_733] : memref<4x8192x1024xf32, #tpu.memory_space<hbm>> -> memref<1x4x1024xf32, #tpu.memory_space<hbm>>
        %dma_start3A_735 = tpu.memref_squeeze %dma_start3A_734 : memref<1x4x1024xf32, #tpu.memory_space<hbm>> -> memref<4x1024xf32, #tpu.memory_space<hbm>>
        tpu.enqueue_dma source(%dma_start3A_735 : memref<4x1024xf32, #tpu.memory_space<hbm>>) target(%dma_start3A_732 : memref<4x1024xf32, #tpu.memory_space<vmem>>) target_semaphore(%arg8 : memref<!tpu.dma_semaphore, #tpu.memory_space<semaphore_mem>>)
        %dma_start3A_736 = arith.constant 0 : i32
        %dma_start3A_737 = arith.constant 0 : i32
        %dma_start3A_738 = arith.constant 0 : i32
        %dma_start3A_739 = tpu.memref_slice %arg7[%dma_start3A_736, %dma_start3A_737, %dma_start3A_738] : memref<2x4x1024xf32, #tpu.memory_space<vmem>> -> memref<1x4x1024xf32, #tpu.memory_space<vmem>>
        %dma_start3A_740 = tpu.memref_squeeze %dma_start3A_739 : memref<1x4x1024xf32, #tpu.memory_space<vmem>> -> memref<4x1024xf32, #tpu.memory_space<vmem>>
        %dma_start3A_741 = arith.constant 0 : i32
        %dma_start3A_742 = tpu.memref_slice %arg3[%add3A_667, %dma_start3A_741] : memref<8192x1024xf32, #tpu.memory_space<hbm>> -> memref<4x1024xf32, #tpu.memory_space<hbm>>
        %dma_start3A_743 = arith.constant 0 : i32
        %dma_start3A_744 = arith.constant 0 : i32
        %dma_start3A_745 = tpu.memref_slice %arg7[%dma_start3A_736, %dma_start3A_743, %dma_start3A_744] : memref<2x4x1024xf32, #tpu.memory_space<vmem>> -> memref<1x4x1024xf32, #tpu.memory_space<vmem>>
        %dma_start3A_746 = tpu.memref_squeeze %dma_start3A_745 : memref<1x4x1024xf32, #tpu.memory_space<vmem>> -> memref<4x1024xf32, #tpu.memory_space<vmem>>
        %dma_start3A_747 = arith.constant 0 : i32
        %dma_start3A_748 = tpu.memref_slice %arg3[%add3A_667, %dma_start3A_747] : memref<8192x1024xf32, #tpu.memory_space<hbm>> -> memref<4x1024xf32, #tpu.memory_space<hbm>>
        tpu.enqueue_dma source(%dma_start3A_748 : memref<4x1024xf32, #tpu.memory_space<hbm>>) target(%dma_start3A_746 : memref<4x1024xf32, #tpu.memory_space<vmem>>) target_semaphore(%arg8 : memref<!tpu.dma_semaphore, #tpu.memory_space<semaphore_mem>>)
      } else {
      }
      %mul3A_486 = arith.constant 2 : i32
      %mul3A_487 = arith.muli %mul3A_486, %scan3A_312 : i32
      %add3A_488 = arith.constant 1 : i32
      %add3A_489 = arith.addi %mul3A_487, %add3A_488 : i32
      %mul3A_490 = arith.constant 4 : i32
      %mul3A_491 = arith.muli %add3A_489, %mul3A_490 : i32
      %add3A_492 = arith.addi %mul3A_2, %mul3A_491 : i32
      %dma_wait3A_493 = arith.constant 0 : i32
      %dma_wait3A_494 = arith.constant 1 : i32
      %dma_wait3A_495 = arith.constant 0 : i32
      %dma_wait3A_496 = arith.constant 0 : i32
      %dma_wait3A_497 = arith.constant 0 : i32
      %dma_wait3A_498 = tpu.memref_slice %arg5[%dma_wait3A_494, %dma_wait3A_495, %dma_wait3A_496, %dma_wait3A_497] : memref<2x4x4x1024xf32, #tpu.memory_space<vmem>> -> memref<1x1x4x1024xf32, #tpu.memory_space<vmem>>
      %dma_wait3A_499 = tpu.memref_squeeze %dma_wait3A_498 : memref<1x1x4x1024xf32, #tpu.memory_space<vmem>> -> memref<4x1024xf32, #tpu.memory_space<vmem>>
      %dma_wait3A_500 = arith.constant 0 : i32
      %dma_wait3A_501 = tpu.memref_slice %arg2[%dma_wait3A_493, %add3A_492, %dma_wait3A_500] : memref<4x8192x1024xf32, #tpu.memory_space<hbm>> -> memref<1x4x1024xf32, #tpu.memory_space<hbm>>
      %dma_wait3A_502 = tpu.memref_squeeze %dma_wait3A_501 : memref<1x4x1024xf32, #tpu.memory_space<hbm>> -> memref<4x1024xf32, #tpu.memory_space<hbm>>
      %dma_wait3A_503 = arith.constant 0 : i32
      %dma_wait3A_504 = arith.constant 0 : i32
      %dma_wait3A_505 = tpu.memref_slice %arg5[%dma_wait3A_494, %dma_wait3A_495, %dma_wait3A_503, %dma_wait3A_504] : memref<2x4x4x1024xf32, #tpu.memory_space<vmem>> -> memref<1x1x4x1024xf32, #tpu.memory_space<vmem>>
      %dma_wait3A_506 = tpu.memref_squeeze %dma_wait3A_505 : memref<1x1x4x1024xf32, #tpu.memory_space<vmem>> -> memref<4x1024xf32, #tpu.memory_space<vmem>>
      %dma_wait3A_507 = arith.constant 0 : i32
      %dma_wait3A_508 = tpu.memref_slice %arg2[%dma_wait3A_493, %add3A_492, %dma_wait3A_507] : memref<4x8192x1024xf32, #tpu.memory_space<hbm>> -> memref<1x4x1024xf32, #tpu.memory_space<hbm>>
      %dma_wait3A_509 = tpu.memref_squeeze %dma_wait3A_508 : memref<1x4x1024xf32, #tpu.memory_space<hbm>> -> memref<4x1024xf32, #tpu.memory_space<hbm>>
      tpu.wait_dma2 semaphore(%arg9 : memref<!tpu.dma_semaphore, #tpu.memory_space<semaphore_mem>>) src(%dma_wait3A_509 : memref<4x1024xf32, #tpu.memory_space<hbm>>) dst(%dma_wait3A_506 : memref<4x1024xf32, #tpu.memory_space<vmem>>)
      %dma_wait3A_510 = arith.constant 1 : i32
      %dma_wait3A_511 = arith.constant 1 : i32
      %dma_wait3A_512 = arith.constant 1 : i32
      %dma_wait3A_513 = arith.constant 0 : i32
      %dma_wait3A_514 = arith.constant 0 : i32
      %dma_wait3A_515 = tpu.memref_slice %arg5[%dma_wait3A_511, %dma_wait3A_512, %dma_wait3A_513, %dma_wait3A_514] : memref<2x4x4x1024xf32, #tpu.memory_space<vmem>> -> memref<1x1x4x1024xf32, #tpu.memory_space<vmem>>
      %dma_wait3A_516 = tpu.memref_squeeze %dma_wait3A_515 : memref<1x1x4x1024xf32, #tpu.memory_space<vmem>> -> memref<4x1024xf32, #tpu.memory_space<vmem>>
      %dma_wait3A_517 = arith.constant 0 : i32
      %dma_wait3A_518 = tpu.memref_slice %arg2[%dma_wait3A_510, %add3A_492, %dma_wait3A_517] : memref<4x8192x1024xf32, #tpu.memory_space<hbm>> -> memref<1x4x1024xf32, #tpu.memory_space<hbm>>
      %dma_wait3A_519 = tpu.memref_squeeze %dma_wait3A_518 : memref<1x4x1024xf32, #tpu.memory_space<hbm>> -> memref<4x1024xf32, #tpu.memory_space<hbm>>
      %dma_wait3A_520 = arith.constant 0 : i32
      %dma_wait3A_521 = arith.constant 0 : i32
      %dma_wait3A_522 = tpu.memref_slice %arg5[%dma_wait3A_511, %dma_wait3A_512, %dma_wait3A_520, %dma_wait3A_521] : memref<2x4x4x1024xf32, #tpu.memory_space<vmem>> -> memref<1x1x4x1024xf32, #tpu.memory_space<vmem>>
      %dma_wait3A_523 = tpu.memref_squeeze %dma_wait3A_522 : memref<1x1x4x1024xf32, #tpu.memory_space<vmem>> -> memref<4x1024xf32, #tpu.memory_space<vmem>>
      %dma_wait3A_524 = arith.constant 0 : i32
      %dma_wait3A_525 = tpu.memref_slice %arg2[%dma_wait3A_510, %add3A_492, %dma_wait3A_524] : memref<4x8192x1024xf32, #tpu.memory_space<hbm>> -> memref<1x4x1024xf32, #tpu.memory_space<hbm>>
      %dma_wait3A_526 = tpu.memref_squeeze %dma_wait3A_525 : memref<1x4x1024xf32, #tpu.memory_space<hbm>> -> memref<4x1024xf32, #tpu.memory_space<hbm>>
      tpu.wait_dma2 semaphore(%arg9 : memref<!tpu.dma_semaphore, #tpu.memory_space<semaphore_mem>>) src(%dma_wait3A_526 : memref<4x1024xf32, #tpu.memory_space<hbm>>) dst(%dma_wait3A_523 : memref<4x1024xf32, #tpu.memory_space<vmem>>)
      %dma_wait3A_527 = arith.constant 2 : i32
      %dma_wait3A_528 = arith.constant 1 : i32
      %dma_wait3A_529 = arith.constant 2 : i32
      %dma_wait3A_530 = arith.constant 0 : i32
      %dma_wait3A_531 = arith.constant 0 : i32
      %dma_wait3A_532 = tpu.memref_slice %arg5[%dma_wait3A_528, %dma_wait3A_529, %dma_wait3A_530, %dma_wait3A_531] : memref<2x4x4x1024xf32, #tpu.memory_space<vmem>> -> memref<1x1x4x1024xf32, #tpu.memory_space<vmem>>
      %dma_wait3A_533 = tpu.memref_squeeze %dma_wait3A_532 : memref<1x1x4x1024xf32, #tpu.memory_space<vmem>> -> memref<4x1024xf32, #tpu.memory_space<vmem>>
      %dma_wait3A_534 = arith.constant 0 : i32
      %dma_wait3A_535 = tpu.memref_slice %arg2[%dma_wait3A_527, %add3A_492, %dma_wait3A_534] : memref<4x8192x1024xf32, #tpu.memory_space<hbm>> -> memref<1x4x1024xf32, #tpu.memory_space<hbm>>
      %dma_wait3A_536 = tpu.memref_squeeze %dma_wait3A_535 : memref<1x4x1024xf32, #tpu.memory_space<hbm>> -> memref<4x1024xf32, #tpu.memory_space<hbm>>
      %dma_wait3A_537 = arith.constant 0 : i32
      %dma_wait3A_538 = arith.constant 0 : i32
      %dma_wait3A_539 = tpu.memref_slice %arg5[%dma_wait3A_528, %dma_wait3A_529, %dma_wait3A_537, %dma_wait3A_538] : memref<2x4x4x1024xf32, #tpu.memory_space<vmem>> -> memref<1x1x4x1024xf32, #tpu.memory_space<vmem>>
      %dma_wait3A_540 = tpu.memref_squeeze %dma_wait3A_539 : memref<1x1x4x1024xf32, #tpu.memory_space<vmem>> -> memref<4x1024xf32, #tpu.memory_space<vmem>>
      %dma_wait3A_541 = arith.constant 0 : i32
      %dma_wait3A_542 = tpu.memref_slice %arg2[%dma_wait3A_527, %add3A_492, %dma_wait3A_541] : memref<4x8192x1024xf32, #tpu.memory_space<hbm>> -> memref<1x4x1024xf32, #tpu.memory_space<hbm>>
      %dma_wait3A_543 = tpu.memref_squeeze %dma_wait3A_542 : memref<1x4x1024xf32, #tpu.memory_space<hbm>> -> memref<4x1024xf32, #tpu.memory_space<hbm>>
      tpu.wait_dma2 semaphore(%arg9 : memref<!tpu.dma_semaphore, #tpu.memory_space<semaphore_mem>>) src(%dma_wait3A_543 : memref<4x1024xf32, #tpu.memory_space<hbm>>) dst(%dma_wait3A_540 : memref<4x1024xf32, #tpu.memory_space<vmem>>)
      %dma_wait3A_544 = arith.constant 3 : i32
      %dma_wait3A_545 = arith.constant 1 : i32
      %dma_wait3A_546 = arith.constant 3 : i32
      %dma_wait3A_547 = arith.constant 0 : i32
      %dma_wait3A_548 = arith.constant 0 : i32
      %dma_wait3A_549 = tpu.memref_slice %arg5[%dma_wait3A_545, %dma_wait3A_546, %dma_wait3A_547, %dma_wait3A_548] : memref<2x4x4x1024xf32, #tpu.memory_space<vmem>> -> memref<1x1x4x1024xf32, #tpu.memory_space<vmem>>
      %dma_wait3A_550 = tpu.memref_squeeze %dma_wait3A_549 : memref<1x1x4x1024xf32, #tpu.memory_space<vmem>> -> memref<4x1024xf32, #tpu.memory_space<vmem>>
      %dma_wait3A_551 = arith.constant 0 : i32
      %dma_wait3A_552 = tpu.memref_slice %arg2[%dma_wait3A_544, %add3A_492, %dma_wait3A_551] : memref<4x8192x1024xf32, #tpu.memory_space<hbm>> -> memref<1x4x1024xf32, #tpu.memory_space<hbm>>
      %dma_wait3A_553 = tpu.memref_squeeze %dma_wait3A_552 : memref<1x4x1024xf32, #tpu.memory_space<hbm>> -> memref<4x1024xf32, #tpu.memory_space<hbm>>
      %dma_wait3A_554 = arith.constant 0 : i32
      %dma_wait3A_555 = arith.constant 0 : i32
      %dma_wait3A_556 = tpu.memref_slice %arg5[%dma_wait3A_545, %dma_wait3A_546, %dma_wait3A_554, %dma_wait3A_555] : memref<2x4x4x1024xf32, #tpu.memory_space<vmem>> -> memref<1x1x4x1024xf32, #tpu.memory_space<vmem>>
      %dma_wait3A_557 = tpu.memref_squeeze %dma_wait3A_556 : memref<1x1x4x1024xf32, #tpu.memory_space<vmem>> -> memref<4x1024xf32, #tpu.memory_space<vmem>>
      %dma_wait3A_558 = arith.constant 0 : i32
      %dma_wait3A_559 = tpu.memref_slice %arg2[%dma_wait3A_544, %add3A_492, %dma_wait3A_558] : memref<4x8192x1024xf32, #tpu.memory_space<hbm>> -> memref<1x4x1024xf32, #tpu.memory_space<hbm>>
      %dma_wait3A_560 = tpu.memref_squeeze %dma_wait3A_559 : memref<1x4x1024xf32, #tpu.memory_space<hbm>> -> memref<4x1024xf32, #tpu.memory_space<hbm>>
      tpu.wait_dma2 semaphore(%arg9 : memref<!tpu.dma_semaphore, #tpu.memory_space<semaphore_mem>>) src(%dma_wait3A_560 : memref<4x1024xf32, #tpu.memory_space<hbm>>) dst(%dma_wait3A_557 : memref<4x1024xf32, #tpu.memory_space<vmem>>)
      %dma_wait3A_561 = arith.constant 1 : i32
      %dma_wait3A_562 = arith.constant 0 : i32
      %dma_wait3A_563 = arith.constant 0 : i32
      %dma_wait3A_564 = tpu.memref_slice %arg7[%dma_wait3A_561, %dma_wait3A_562, %dma_wait3A_563] : memref<2x4x1024xf32, #tpu.memory_space<vmem>> -> memref<1x4x1024xf32, #tpu.memory_space<vmem>>
      %dma_wait3A_565 = tpu.memref_squeeze %dma_wait3A_564 : memref<1x4x1024xf32, #tpu.memory_space<vmem>> -> memref<4x1024xf32, #tpu.memory_space<vmem>>
      %dma_wait3A_566 = arith.constant 0 : i32
      %dma_wait3A_567 = tpu.memref_slice %arg3[%add3A_492, %dma_wait3A_566] : memref<8192x1024xf32, #tpu.memory_space<hbm>> -> memref<4x1024xf32, #tpu.memory_space<hbm>>
      %dma_wait3A_568 = arith.constant 0 : i32
      %dma_wait3A_569 = arith.constant 0 : i32
      %dma_wait3A_570 = tpu.memref_slice %arg7[%dma_wait3A_561, %dma_wait3A_568, %dma_wait3A_569] : memref<2x4x1024xf32, #tpu.memory_space<vmem>> -> memref<1x4x1024xf32, #tpu.memory_space<vmem>>
      %dma_wait3A_571 = tpu.memref_squeeze %dma_wait3A_570 : memref<1x4x1024xf32, #tpu.memory_space<vmem>> -> memref<4x1024xf32, #tpu.memory_space<vmem>>
      %dma_wait3A_572 = arith.constant 0 : i32
      %dma_wait3A_573 = tpu.memref_slice %arg3[%add3A_492, %dma_wait3A_572] : memref<8192x1024xf32, #tpu.memory_space<hbm>> -> memref<4x1024xf32, #tpu.memory_space<hbm>>
      tpu.wait_dma2 semaphore(%arg9 : memref<!tpu.dma_semaphore, #tpu.memory_space<semaphore_mem>>) src(%dma_wait3A_573 : memref<4x1024xf32, #tpu.memory_space<hbm>>) dst(%dma_wait3A_571 : memref<4x1024xf32, #tpu.memory_space<vmem>>)
      %ge3A_574 = arith.constant 2 : i32
      %ge3A_575 = arith.cmpi sge, %add3A_489, %ge3A_574 : i32
      %convert_element_type3A_576 = arith.extui %ge3A_575 : i1 to i32
      %cond3A_577 = arith.constant 0 : i32
      %cond3A_578 = arith.cmpi ne, %convert_element_type3A_576, %cond3A_577 : i32
      scf.if %cond3A_578 {
        %sub3A = arith.constant 2 : i32
        %sub3A_663 = arith.subi %add3A_489, %sub3A : i32
        %mul3A_664 = arith.constant 4 : i32
        %mul3A_665 = arith.muli %sub3A_663, %mul3A_664 : i32
        %add3A_666 = arith.addi %mul3A_2, %mul3A_665 : i32
        %dma_wait3A_667 = arith.constant 1 : i32
        %dma_wait3A_668 = arith.constant 0 : i32
        %dma_wait3A_669 = arith.constant 0 : i32
        %dma_wait3A_670 = arith.constant 0 : i32
        %dma_wait3A_671 = arith.constant 0 : i32
        %dma_wait3A_672 = tpu.memref_slice %arg6[%dma_wait3A_667, %dma_wait3A_668, %dma_wait3A_670, %dma_wait3A_671] : memref<2x4x4x1024xf32, #tpu.memory_space<vmem>> -> memref<1x1x4x1024xf32, #tpu.memory_space<vmem>>
        %dma_wait3A_673 = tpu.memref_squeeze %dma_wait3A_672 : memref<1x1x4x1024xf32, #tpu.memory_space<vmem>> -> memref<4x1024xf32, #tpu.memory_space<vmem>>
        %dma_wait3A_674 = arith.constant 0 : i32
        %dma_wait3A_675 = tpu.memref_slice %arg4[%dma_wait3A_669, %add3A_666, %dma_wait3A_674] : memref<4x8192x1024xf32, #tpu.memory_space<hbm>> -> memref<1x4x1024xf32, #tpu.memory_space<hbm>>
        %dma_wait3A_676 = tpu.memref_squeeze %dma_wait3A_675 : memref<1x4x1024xf32, #tpu.memory_space<hbm>> -> memref<4x1024xf32, #tpu.memory_space<hbm>>
        %dma_wait3A_677 = arith.constant 0 : i32
        %dma_wait3A_678 = tpu.memref_slice %arg4[%dma_wait3A_669, %add3A_666, %dma_wait3A_677] : memref<4x8192x1024xf32, #tpu.memory_space<hbm>> -> memref<1x4x1024xf32, #tpu.memory_space<hbm>>
        %dma_wait3A_679 = tpu.memref_squeeze %dma_wait3A_678 : memref<1x4x1024xf32, #tpu.memory_space<hbm>> -> memref<4x1024xf32, #tpu.memory_space<hbm>>
        %dma_wait3A_680 = arith.constant 0 : i32
        %dma_wait3A_681 = arith.constant 0 : i32
        %dma_wait3A_682 = tpu.memref_slice %arg6[%dma_wait3A_667, %dma_wait3A_668, %dma_wait3A_680, %dma_wait3A_681] : memref<2x4x4x1024xf32, #tpu.memory_space<vmem>> -> memref<1x1x4x1024xf32, #tpu.memory_space<vmem>>
        %dma_wait3A_683 = tpu.memref_squeeze %dma_wait3A_682 : memref<1x1x4x1024xf32, #tpu.memory_space<vmem>> -> memref<4x1024xf32, #tpu.memory_space<vmem>>
        tpu.wait_dma2 semaphore(%arg11 : memref<!tpu.dma_semaphore, #tpu.memory_space<semaphore_mem>>) src(%dma_wait3A_683 : memref<4x1024xf32, #tpu.memory_space<vmem>>) dst(%dma_wait3A_679 : memref<4x1024xf32, #tpu.memory_space<hbm>>)
        %dma_wait3A_684 = arith.constant 1 : i32
        %dma_wait3A_685 = arith.constant 1 : i32
        %dma_wait3A_686 = arith.constant 1 : i32
        %dma_wait3A_687 = arith.constant 0 : i32
        %dma_wait3A_688 = arith.constant 0 : i32
        %dma_wait3A_689 = tpu.memref_slice %arg6[%dma_wait3A_684, %dma_wait3A_685, %dma_wait3A_687, %dma_wait3A_688] : memref<2x4x4x1024xf32, #tpu.memory_space<vmem>> -> memref<1x1x4x1024xf32, #tpu.memory_space<vmem>>
        %dma_wait3A_690 = tpu.memref_squeeze %dma_wait3A_689 : memref<1x1x4x1024xf32, #tpu.memory_space<vmem>> -> memref<4x1024xf32, #tpu.memory_space<vmem>>
        %dma_wait3A_691 = arith.constant 0 : i32
        %dma_wait3A_692 = tpu.memref_slice %arg4[%dma_wait3A_686, %add3A_666, %dma_wait3A_691] : memref<4x8192x1024xf32, #tpu.memory_space<hbm>> -> memref<1x4x1024xf32, #tpu.memory_space<hbm>>
        %dma_wait3A_693 = tpu.memref_squeeze %dma_wait3A_692 : memref<1x4x1024xf32, #tpu.memory_space<hbm>> -> memref<4x1024xf32, #tpu.memory_space<hbm>>
        %dma_wait3A_694 = arith.constant 0 : i32
        %dma_wait3A_695 = tpu.memref_slice %arg4[%dma_wait3A_686, %add3A_666, %dma_wait3A_694] : memref<4x8192x1024xf32, #tpu.memory_space<hbm>> -> memref<1x4x1024xf32, #tpu.memory_space<hbm>>
        %dma_wait3A_696 = tpu.memref_squeeze %dma_wait3A_695 : memref<1x4x1024xf32, #tpu.memory_space<hbm>> -> memref<4x1024xf32, #tpu.memory_space<hbm>>
        %dma_wait3A_697 = arith.constant 0 : i32
        %dma_wait3A_698 = arith.constant 0 : i32
        %dma_wait3A_699 = tpu.memref_slice %arg6[%dma_wait3A_684, %dma_wait3A_685, %dma_wait3A_697, %dma_wait3A_698] : memref<2x4x4x1024xf32, #tpu.memory_space<vmem>> -> memref<1x1x4x1024xf32, #tpu.memory_space<vmem>>
        %dma_wait3A_700 = tpu.memref_squeeze %dma_wait3A_699 : memref<1x1x4x1024xf32, #tpu.memory_space<vmem>> -> memref<4x1024xf32, #tpu.memory_space<vmem>>
        tpu.wait_dma2 semaphore(%arg11 : memref<!tpu.dma_semaphore, #tpu.memory_space<semaphore_mem>>) src(%dma_wait3A_700 : memref<4x1024xf32, #tpu.memory_space<vmem>>) dst(%dma_wait3A_696 : memref<4x1024xf32, #tpu.memory_space<hbm>>)
        %dma_wait3A_701 = arith.constant 1 : i32
        %dma_wait3A_702 = arith.constant 2 : i32
        %dma_wait3A_703 = arith.constant 2 : i32
        %dma_wait3A_704 = arith.constant 0 : i32
        %dma_wait3A_705 = arith.constant 0 : i32
        %dma_wait3A_706 = tpu.memref_slice %arg6[%dma_wait3A_701, %dma_wait3A_702, %dma_wait3A_704, %dma_wait3A_705] : memref<2x4x4x1024xf32, #tpu.memory_space<vmem>> -> memref<1x1x4x1024xf32, #tpu.memory_space<vmem>>
        %dma_wait3A_707 = tpu.memref_squeeze %dma_wait3A_706 : memref<1x1x4x1024xf32, #tpu.memory_space<vmem>> -> memref<4x1024xf32, #tpu.memory_space<vmem>>
        %dma_wait3A_708 = arith.constant 0 : i32
        %dma_wait3A_709 = tpu.memref_slice %arg4[%dma_wait3A_703, %add3A_666, %dma_wait3A_708] : memref<4x8192x1024xf32, #tpu.memory_space<hbm>> -> memref<1x4x1024xf32, #tpu.memory_space<hbm>>
        %dma_wait3A_710 = tpu.memref_squeeze %dma_wait3A_709 : memref<1x4x1024xf32, #tpu.memory_space<hbm>> -> memref<4x1024xf32, #tpu.memory_space<hbm>>
        %dma_wait3A_711 = arith.constant 0 : i32
        %dma_wait3A_712 = tpu.memref_slice %arg4[%dma_wait3A_703, %add3A_666, %dma_wait3A_711] : memref<4x8192x1024xf32, #tpu.memory_space<hbm>> -> memref<1x4x1024xf32, #tpu.memory_space<hbm>>
        %dma_wait3A_713 = tpu.memref_squeeze %dma_wait3A_712 : memref<1x4x1024xf32, #tpu.memory_space<hbm>> -> memref<4x1024xf32, #tpu.memory_space<hbm>>
        %dma_wait3A_714 = arith.constant 0 : i32
        %dma_wait3A_715 = arith.constant 0 : i32
        %dma_wait3A_716 = tpu.memref_slice %arg6[%dma_wait3A_701, %dma_wait3A_702, %dma_wait3A_714, %dma_wait3A_715] : memref<2x4x4x1024xf32, #tpu.memory_space<vmem>> -> memref<1x1x4x1024xf32, #tpu.memory_space<vmem>>
        %dma_wait3A_717 = tpu.memref_squeeze %dma_wait3A_716 : memref<1x1x4x1024xf32, #tpu.memory_space<vmem>> -> memref<4x1024xf32, #tpu.memory_space<vmem>>
        tpu.wait_dma2 semaphore(%arg11 : memref<!tpu.dma_semaphore, #tpu.memory_space<semaphore_mem>>) src(%dma_wait3A_717 : memref<4x1024xf32, #tpu.memory_space<vmem>>) dst(%dma_wait3A_713 : memref<4x1024xf32, #tpu.memory_space<hbm>>)
        %dma_wait3A_718 = arith.constant 1 : i32
        %dma_wait3A_719 = arith.constant 3 : i32
        %dma_wait3A_720 = arith.constant 3 : i32
        %dma_wait3A_721 = arith.constant 0 : i32
        %dma_wait3A_722 = arith.constant 0 : i32
        %dma_wait3A_723 = tpu.memref_slice %arg6[%dma_wait3A_718, %dma_wait3A_719, %dma_wait3A_721, %dma_wait3A_722] : memref<2x4x4x1024xf32, #tpu.memory_space<vmem>> -> memref<1x1x4x1024xf32, #tpu.memory_space<vmem>>
        %dma_wait3A_724 = tpu.memref_squeeze %dma_wait3A_723 : memref<1x1x4x1024xf32, #tpu.memory_space<vmem>> -> memref<4x1024xf32, #tpu.memory_space<vmem>>
        %dma_wait3A_725 = arith.constant 0 : i32
        %dma_wait3A_726 = tpu.memref_slice %arg4[%dma_wait3A_720, %add3A_666, %dma_wait3A_725] : memref<4x8192x1024xf32, #tpu.memory_space<hbm>> -> memref<1x4x1024xf32, #tpu.memory_space<hbm>>
        %dma_wait3A_727 = tpu.memref_squeeze %dma_wait3A_726 : memref<1x4x1024xf32, #tpu.memory_space<hbm>> -> memref<4x1024xf32, #tpu.memory_space<hbm>>
        %dma_wait3A_728 = arith.constant 0 : i32
        %dma_wait3A_729 = tpu.memref_slice %arg4[%dma_wait3A_720, %add3A_666, %dma_wait3A_728] : memref<4x8192x1024xf32, #tpu.memory_space<hbm>> -> memref<1x4x1024xf32, #tpu.memory_space<hbm>>
        %dma_wait3A_730 = tpu.memref_squeeze %dma_wait3A_729 : memref<1x4x1024xf32, #tpu.memory_space<hbm>> -> memref<4x1024xf32, #tpu.memory_space<hbm>>
        %dma_wait3A_731 = arith.constant 0 : i32
        %dma_wait3A_732 = arith.constant 0 : i32
        %dma_wait3A_733 = tpu.memref_slice %arg6[%dma_wait3A_718, %dma_wait3A_719, %dma_wait3A_731, %dma_wait3A_732] : memref<2x4x4x1024xf32, #tpu.memory_space<vmem>> -> memref<1x1x4x1024xf32, #tpu.memory_space<vmem>>
        %dma_wait3A_734 = tpu.memref_squeeze %dma_wait3A_733 : memref<1x1x4x1024xf32, #tpu.memory_space<vmem>> -> memref<4x1024xf32, #tpu.memory_space<vmem>>
        tpu.wait_dma2 semaphore(%arg11 : memref<!tpu.dma_semaphore, #tpu.memory_space<semaphore_mem>>) src(%dma_wait3A_734 : memref<4x1024xf32, #tpu.memory_space<vmem>>) dst(%dma_wait3A_730 : memref<4x1024xf32, #tpu.memory_space<hbm>>)
      } else {
      }
      %scan3A_579 = arith.constant 0 : i32
      %scan3A_580 = arith.constant 0 : i32
      %scan3A_581 = arith.constant 64 : i32
      %scan3A_582 = arith.addi %scan3A_580, %scan3A_581 : i32
      %scan3A_583 = arith.constant 1 : i32
      scf.for %scan3A_663 = %scan3A_580 to %scan3A_582 step %scan3A_583  : i32 {
        %mul3A_664 = arith.constant 16 : i32
        %mul3A_665 = arith.muli %scan3A_663, %mul3A_664 : i32
        %get3A = arith.constant 1 : i32
        %get3A_666 = arith.constant 0 : i32
        %get3A_667 = arith.index_cast %get3A : i32 to index
        %get3A_668 = arith.index_cast %get3A_666 : i32 to index
        %get3A_669 = arith.index_cast %mul3A_665 : i32 to index
        %get3A_670 = tpu.vector_load %arg7[%get3A_667, %get3A_668, %get3A_669] {strides = array<i32>} : memref<2x4x1024xf32, #tpu.memory_space<vmem>>, vector<1x1x16xf32>,
        %get3A_671 = vector.shape_cast %get3A_670 : vector<1x1x16xf32> to vector<16xf32>
        %get3A_672 = arith.constant 1 : i32
        %get3A_673 = arith.constant 0 : i32
        %get3A_674 = arith.constant 0 : i32
        %get3A_675 = arith.index_cast %get3A_672 : i32 to index
        %get3A_676 = arith.index_cast %get3A_673 : i32 to index
        %get3A_677 = arith.index_cast %get3A_674 : i32 to index
        %get3A_678 = arith.index_cast %mul3A_665 : i32 to index
        %get3A_679 = tpu.vector_load %arg5[%get3A_675, %get3A_676, %get3A_677, %get3A_678] {strides = array<i32>} : memref<2x4x4x1024xf32, #tpu.memory_space<vmem>>, vector<1x1x1x16xf32>,
        %get3A_680 = vector.shape_cast %get3A_679 : vector<1x1x1x16xf32> to vector<16xf32>
        %add3A_681 = arith.addf %get3A_680, %get3A_671 : vector<16xf32>
        %swap3A = arith.constant 1 : i32
        %swap3A_682 = arith.constant 0 : i32
        %swap3A_683 = arith.constant 0 : i32
        %swap3A_684 = arith.index_cast %swap3A : i32 to index
        %swap3A_685 = arith.index_cast %swap3A_682 : i32 to index
        %swap3A_686 = arith.index_cast %swap3A_683 : i32 to index
        %swap3A_687 = arith.index_cast %mul3A_665 : i32 to index
        %swap3A_688 = tpu.vector_load %arg6[%swap3A_684, %swap3A_685, %swap3A_686, %swap3A_687] {strides = array<i32>} : memref<2x4x4x1024xf32, #tpu.memory_space<vmem>>, vector<1x1x1x16xf32>,
        %swap3A_689 = vector.shape_cast %swap3A_688 : vector<1x1x1x16xf32> to vector<16xf32>
        %swap3A_690 = vector.shape_cast %add3A_681 : vector<16xf32> to vector<1x1x1x16xf32>
        tpu.vector_store %arg6[%swap3A_684, %swap3A_685, %swap3A_686, %swap3A_687], %swap3A_690 {strides = array<i32>} : memref<2x4x4x1024xf32, #tpu.memory_space<vmem>>, vector<1x1x1x16xf32>,
        %get3A_691 = arith.constant 1 : i32
        %get3A_692 = arith.constant 1 : i32
        %get3A_693 = arith.constant 0 : i32
        %get3A_694 = arith.index_cast %get3A_691 : i32 to index
        %get3A_695 = arith.index_cast %get3A_692 : i32 to index
        %get3A_696 = arith.index_cast %get3A_693 : i32 to index
        %get3A_697 = arith.index_cast %mul3A_665 : i32 to index
        %get3A_698 = tpu.vector_load %arg5[%get3A_694, %get3A_695, %get3A_696, %get3A_697] {strides = array<i32>} : memref<2x4x4x1024xf32, #tpu.memory_space<vmem>>, vector<1x1x1x16xf32>,
        %get3A_699 = vector.shape_cast %get3A_698 : vector<1x1x1x16xf32> to vector<16xf32>
        %add3A_700 = arith.addf %get3A_699, %get3A_671 : vector<16xf32>
        %swap3A_701 = arith.constant 1 : i32
        %swap3A_702 = arith.constant 1 : i32
        %swap3A_703 = arith.constant 0 : i32
        %swap3A_704 = arith.index_cast %swap3A_701 : i32 to index
        %swap3A_705 = arith.index_cast %swap3A_702 : i32 to index
        %swap3A_706 = arith.index_cast %swap3A_703 : i32 to index
        %swap3A_707 = arith.index_cast %mul3A_665 : i32 to index
        %swap3A_708 = tpu.vector_load %arg6[%swap3A_704, %swap3A_705, %swap3A_706, %swap3A_707] {strides = array<i32>} : memref<2x4x4x1024xf32, #tpu.memory_space<vmem>>, vector<1x1x1x16xf32>,
        %swap3A_709 = vector.shape_cast %swap3A_708 : vector<1x1x1x16xf32> to vector<16xf32>
        %swap3A_710 = vector.shape_cast %add3A_700 : vector<16xf32> to vector<1x1x1x16xf32>
        tpu.vector_store %arg6[%swap3A_704, %swap3A_705, %swap3A_706, %swap3A_707], %swap3A_710 {strides = array<i32>} : memref<2x4x4x1024xf32, #tpu.memory_space<vmem>>, vector<1x1x1x16xf32>,
        %get3A_711 = arith.constant 1 : i32
        %get3A_712 = arith.constant 2 : i32
        %get3A_713 = arith.constant 0 : i32
        %get3A_714 = arith.index_cast %get3A_711 : i32 to index
        %get3A_715 = arith.index_cast %get3A_712 : i32 to index
        %get3A_716 = arith.index_cast %get3A_713 : i32 to index
        %get3A_717 = arith.index_cast %mul3A_665 : i32 to index
        %get3A_718 = tpu.vector_load %arg5[%get3A_714, %get3A_715, %get3A_716, %get3A_717] {strides = array<i32>} : memref<2x4x4x1024xf32, #tpu.memory_space<vmem>>, vector<1x1x1x16xf32>,
        %get3A_719 = vector.shape_cast %get3A_718 : vector<1x1x1x16xf32> to vector<16xf32>
        %add3A_720 = arith.addf %get3A_719, %get3A_671 : vector<16xf32>
        %swap3A_721 = arith.constant 1 : i32
        %swap3A_722 = arith.constant 2 : i32
        %swap3A_723 = arith.constant 0 : i32
        %swap3A_724 = arith.index_cast %swap3A_721 : i32 to index
        %swap3A_725 = arith.index_cast %swap3A_722 : i32 to index
        %swap3A_726 = arith.index_cast %swap3A_723 : i32 to index
        %swap3A_727 = arith.index_cast %mul3A_665 : i32 to index
        %swap3A_728 = tpu.vector_load %arg6[%swap3A_724, %swap3A_725, %swap3A_726, %swap3A_727] {strides = array<i32>} : memref<2x4x4x1024xf32, #tpu.memory_space<vmem>>, vector<1x1x1x16xf32>,
        %swap3A_729 = vector.shape_cast %swap3A_728 : vector<1x1x1x16xf32> to vector<16xf32>
        %swap3A_730 = vector.shape_cast %add3A_720 : vector<16xf32> to vector<1x1x1x16xf32>
        tpu.vector_store %arg6[%swap3A_724, %swap3A_725, %swap3A_726, %swap3A_727], %swap3A_730 {strides = array<i32>} : memref<2x4x4x1024xf32, #tpu.memory_space<vmem>>, vector<1x1x1x16xf32>,
        %get3A_731 = arith.constant 1 : i32
        %get3A_732 = arith.constant 3 : i32
        %get3A_733 = arith.constant 0 : i32
        %get3A_734 = arith.index_cast %get3A_731 : i32 to index
        %get3A_735 = arith.index_cast %get3A_732 : i32 to index
        %get3A_736 = arith.index_cast %get3A_733 : i32 to index
        %get3A_737 = arith.index_cast %mul3A_665 : i32 to index
        %get3A_738 = tpu.vector_load %arg5[%get3A_734, %get3A_735, %get3A_736, %get3A_737] {strides = array<i32>} : memref<2x4x4x1024xf32, #tpu.memory_space<vmem>>, vector<1x1x1x16xf32>,
        %get3A_739 = vector.shape_cast %get3A_738 : vector<1x1x1x16xf32> to vector<16xf32>
        %add3A_740 = arith.addf %get3A_739, %get3A_671 : vector<16xf32>
        %swap3A_741 = arith.constant 1 : i32
        %swap3A_742 = arith.constant 3 : i32
        %swap3A_743 = arith.constant 0 : i32
        %swap3A_744 = arith.index_cast %swap3A_741 : i32 to index
        %swap3A_745 = arith.index_cast %swap3A_742 : i32 to index
        %swap3A_746 = arith.index_cast %swap3A_743 : i32 to index
        %swap3A_747 = arith.index_cast %mul3A_665 : i32 to index
        %swap3A_748 = tpu.vector_load %arg6[%swap3A_744, %swap3A_745, %swap3A_746, %swap3A_747] {strides = array<i32>} : memref<2x4x4x1024xf32, #tpu.memory_space<vmem>>, vector<1x1x1x16xf32>,
        %swap3A_749 = vector.shape_cast %swap3A_748 : vector<1x1x1x16xf32> to vector<16xf32>
        %swap3A_750 = vector.shape_cast %add3A_740 : vector<16xf32> to vector<1x1x1x16xf32>
        tpu.vector_store %arg6[%swap3A_744, %swap3A_745, %swap3A_746, %swap3A_747], %swap3A_750 {strides = array<i32>} : memref<2x4x4x1024xf32, #tpu.memory_space<vmem>>, vector<1x1x1x16xf32>,
        %get3A_751 = arith.constant 1 : i32
        %get3A_752 = arith.constant 1 : i32
        %get3A_753 = arith.index_cast %get3A_751 : i32 to index
        %get3A_754 = arith.index_cast %get3A_752 : i32 to index
        %get3A_755 = arith.index_cast %mul3A_665 : i32 to index
        %get3A_756 = tpu.vector_load %arg7[%get3A_753, %get3A_754, %get3A_755] {strides = array<i32>} : memref<2x4x1024xf32, #tpu.memory_space<vmem>>, vector<1x1x16xf32>,
        %get3A_757 = vector.shape_cast %get3A_756 : vector<1x1x16xf32> to vector<16xf32>
        %get3A_758 = arith.constant 1 : i32
        %get3A_759 = arith.constant 0 : i32
        %get3A_760 = arith.constant 1 : i32
        %get3A_761 = arith.index_cast %get3A_758 : i32 to index
        %get3A_762 = arith.index_cast %get3A_759 : i32 to index
        %get3A_763 = arith.index_cast %get3A_760 : i32 to index
        %get3A_764 = arith.index_cast %mul3A_665 : i32 to index
        %get3A_765 = tpu.vector_load %arg5[%get3A_761, %get3A_762, %get3A_763, %get3A_764] {strides = array<i32>} : memref<2x4x4x1024xf32, #tpu.memory_space<vmem>>, vector<1x1x1x16xf32>,
        %get3A_766 = vector.shape_cast %get3A_765 : vector<1x1x1x16xf32> to vector<16xf32>
        %add3A_767 = arith.addf %get3A_766, %get3A_757 : vector<16xf32>
        %swap3A_768 = arith.constant 1 : i32
        %swap3A_769 = arith.constant 0 : i32
        %swap3A_770 = arith.constant 1 : i32
        %swap3A_771 = arith.index_cast %swap3A_768 : i32 to index
        %swap3A_772 = arith.index_cast %swap3A_769 : i32 to index
        %swap3A_773 = arith.index_cast %swap3A_770 : i32 to index
        %swap3A_774 = arith.index_cast %mul3A_665 : i32 to index
        %swap3A_775 = tpu.vector_load %arg6[%swap3A_771, %swap3A_772, %swap3A_773, %swap3A_774] {strides = array<i32>} : memref<2x4x4x1024xf32, #tpu.memory_space<vmem>>, vector<1x1x1x16xf32>,
        %swap3A_776 = vector.shape_cast %swap3A_775 : vector<1x1x1x16xf32> to vector<16xf32>
        %swap3A_777 = vector.shape_cast %add3A_767 : vector<16xf32> to vector<1x1x1x16xf32>
        tpu.vector_store %arg6[%swap3A_771, %swap3A_772, %swap3A_773, %swap3A_774], %swap3A_777 {strides = array<i32>} : memref<2x4x4x1024xf32, #tpu.memory_space<vmem>>, vector<1x1x1x16xf32>,
        %get3A_778 = arith.constant 1 : i32
        %get3A_779 = arith.constant 1 : i32
        %get3A_780 = arith.constant 1 : i32
        %get3A_781 = arith.index_cast %get3A_778 : i32 to index
        %get3A_782 = arith.index_cast %get3A_779 : i32 to index
        %get3A_783 = arith.index_cast %get3A_780 : i32 to index
        %get3A_784 = arith.index_cast %mul3A_665 : i32 to index
        %get3A_785 = tpu.vector_load %arg5[%get3A_781, %get3A_782, %get3A_783, %get3A_784] {strides = array<i32>} : memref<2x4x4x1024xf32, #tpu.memory_space<vmem>>, vector<1x1x1x16xf32>,
        %get3A_786 = vector.shape_cast %get3A_785 : vector<1x1x1x16xf32> to vector<16xf32>
        %add3A_787 = arith.addf %get3A_786, %get3A_757 : vector<16xf32>
        %swap3A_788 = arith.constant 1 : i32
        %swap3A_789 = arith.constant 1 : i32
        %swap3A_790 = arith.constant 1 : i32
        %swap3A_791 = arith.index_cast %swap3A_788 : i32 to index
        %swap3A_792 = arith.index_cast %swap3A_789 : i32 to index
        %swap3A_793 = arith.index_cast %swap3A_790 : i32 to index
        %swap3A_794 = arith.index_cast %mul3A_665 : i32 to index
        %swap3A_795 = tpu.vector_load %arg6[%swap3A_791, %swap3A_792, %swap3A_793, %swap3A_794] {strides = array<i32>} : memref<2x4x4x1024xf32, #tpu.memory_space<vmem>>, vector<1x1x1x16xf32>,
        %swap3A_796 = vector.shape_cast %swap3A_795 : vector<1x1x1x16xf32> to vector<16xf32>
        %swap3A_797 = vector.shape_cast %add3A_787 : vector<16xf32> to vector<1x1x1x16xf32>
        tpu.vector_store %arg6[%swap3A_791, %swap3A_792, %swap3A_793, %swap3A_794], %swap3A_797 {strides = array<i32>} : memref<2x4x4x1024xf32, #tpu.memory_space<vmem>>, vector<1x1x1x16xf32>,
        %get3A_798 = arith.constant 1 : i32
        %get3A_799 = arith.constant 2 : i32
        %get3A_800 = arith.constant 1 : i32
        %get3A_801 = arith.index_cast %get3A_798 : i32 to index
        %get3A_802 = arith.index_cast %get3A_799 : i32 to index
        %get3A_803 = arith.index_cast %get3A_800 : i32 to index
        %get3A_804 = arith.index_cast %mul3A_665 : i32 to index
        %get3A_805 = tpu.vector_load %arg5[%get3A_801, %get3A_802, %get3A_803, %get3A_804] {strides = array<i32>} : memref<2x4x4x1024xf32, #tpu.memory_space<vmem>>, vector<1x1x1x16xf32>,
        %get3A_806 = vector.shape_cast %get3A_805 : vector<1x1x1x16xf32> to vector<16xf32>
        %add3A_807 = arith.addf %get3A_806, %get3A_757 : vector<16xf32>
        %swap3A_808 = arith.constant 1 : i32
        %swap3A_809 = arith.constant 2 : i32
        %swap3A_810 = arith.constant 1 : i32
        %swap3A_811 = arith.index_cast %swap3A_808 : i32 to index
        %swap3A_812 = arith.index_cast %swap3A_809 : i32 to index
        %swap3A_813 = arith.index_cast %swap3A_810 : i32 to index
        %swap3A_814 = arith.index_cast %mul3A_665 : i32 to index
        %swap3A_815 = tpu.vector_load %arg6[%swap3A_811, %swap3A_812, %swap3A_813, %swap3A_814] {strides = array<i32>} : memref<2x4x4x1024xf32, #tpu.memory_space<vmem>>, vector<1x1x1x16xf32>,
        %swap3A_816 = vector.shape_cast %swap3A_815 : vector<1x1x1x16xf32> to vector<16xf32>
        %swap3A_817 = vector.shape_cast %add3A_807 : vector<16xf32> to vector<1x1x1x16xf32>
        tpu.vector_store %arg6[%swap3A_811, %swap3A_812, %swap3A_813, %swap3A_814], %swap3A_817 {strides = array<i32>} : memref<2x4x4x1024xf32, #tpu.memory_space<vmem>>, vector<1x1x1x16xf32>,
        %get3A_818 = arith.constant 1 : i32
        %get3A_819 = arith.constant 3 : i32
        %get3A_820 = arith.constant 1 : i32
        %get3A_821 = arith.index_cast %get3A_818 : i32 to index
        %get3A_822 = arith.index_cast %get3A_819 : i32 to index
        %get3A_823 = arith.index_cast %get3A_820 : i32 to index
        %get3A_824 = arith.index_cast %mul3A_665 : i32 to index
        %get3A_825 = tpu.vector_load %arg5[%get3A_821, %get3A_822, %get3A_823, %get3A_824] {strides = array<i32>} : memref<2x4x4x1024xf32, #tpu.memory_space<vmem>>, vector<1x1x1x16xf32>,
        %get3A_826 = vector.shape_cast %get3A_825 : vector<1x1x1x16xf32> to vector<16xf32>
        %add3A_827 = arith.addf %get3A_826, %get3A_757 : vector<16xf32>
        %swap3A_828 = arith.constant 1 : i32
        %swap3A_829 = arith.constant 3 : i32
        %swap3A_830 = arith.constant 1 : i32
        %swap3A_831 = arith.index_cast %swap3A_828 : i32 to index
        %swap3A_832 = arith.index_cast %swap3A_829 : i32 to index
        %swap3A_833 = arith.index_cast %swap3A_830 : i32 to index
        %swap3A_834 = arith.index_cast %mul3A_665 : i32 to index
        %swap3A_835 = tpu.vector_load %arg6[%swap3A_831, %swap3A_832, %swap3A_833, %swap3A_834] {strides = array<i32>} : memref<2x4x4x1024xf32, #tpu.memory_space<vmem>>, vector<1x1x1x16xf32>,
        %swap3A_836 = vector.shape_cast %swap3A_835 : vector<1x1x1x16xf32> to vector<16xf32>
        %swap3A_837 = vector.shape_cast %add3A_827 : vector<16xf32> to vector<1x1x1x16xf32>
        tpu.vector_store %arg6[%swap3A_831, %swap3A_832, %swap3A_833, %swap3A_834], %swap3A_837 {strides = array<i32>} : memref<2x4x4x1024xf32, #tpu.memory_space<vmem>>, vector<1x1x1x16xf32>,
        %get3A_838 = arith.constant 1 : i32
        %get3A_839 = arith.constant 2 : i32
        %get3A_840 = arith.index_cast %get3A_838 : i32 to index
        %get3A_841 = arith.index_cast %get3A_839 : i32 to index
        %get3A_842 = arith.index_cast %mul3A_665 : i32 to index
        %get3A_843 = tpu.vector_load %arg7[%get3A_840, %get3A_841, %get3A_842] {strides = array<i32>} : memref<2x4x1024xf32, #tpu.memory_space<vmem>>, vector<1x1x16xf32>,
        %get3A_844 = vector.shape_cast %get3A_843 : vector<1x1x16xf32> to vector<16xf32>
        %get3A_845 = arith.constant 1 : i32
        %get3A_846 = arith.constant 0 : i32
        %get3A_847 = arith.constant 2 : i32
        %get3A_848 = arith.index_cast %get3A_845 : i32 to index
        %get3A_849 = arith.index_cast %get3A_846 : i32 to index
        %get3A_850 = arith.index_cast %get3A_847 : i32 to index
        %get3A_851 = arith.index_cast %mul3A_665 : i32 to index
        %get3A_852 = tpu.vector_load %arg5[%get3A_848, %get3A_849, %get3A_850, %get3A_851] {strides = array<i32>} : memref<2x4x4x1024xf32, #tpu.memory_space<vmem>>, vector<1x1x1x16xf32>,
        %get3A_853 = vector.shape_cast %get3A_852 : vector<1x1x1x16xf32> to vector<16xf32>
        %add3A_854 = arith.addf %get3A_853, %get3A_844 : vector<16xf32>
        %swap3A_855 = arith.constant 1 : i32
        %swap3A_856 = arith.constant 0 : i32
        %swap3A_857 = arith.constant 2 : i32
        %swap3A_858 = arith.index_cast %swap3A_855 : i32 to index
        %swap3A_859 = arith.index_cast %swap3A_856 : i32 to index
        %swap3A_860 = arith.index_cast %swap3A_857 : i32 to index
        %swap3A_861 = arith.index_cast %mul3A_665 : i32 to index
        %swap3A_862 = tpu.vector_load %arg6[%swap3A_858, %swap3A_859, %swap3A_860, %swap3A_861] {strides = array<i32>} : memref<2x4x4x1024xf32, #tpu.memory_space<vmem>>, vector<1x1x1x16xf32>,
        %swap3A_863 = vector.shape_cast %swap3A_862 : vector<1x1x1x16xf32> to vector<16xf32>
        %swap3A_864 = vector.shape_cast %add3A_854 : vector<16xf32> to vector<1x1x1x16xf32>
        tpu.vector_store %arg6[%swap3A_858, %swap3A_859, %swap3A_860, %swap3A_861], %swap3A_864 {strides = array<i32>} : memref<2x4x4x1024xf32, #tpu.memory_space<vmem>>, vector<1x1x1x16xf32>,
        %get3A_865 = arith.constant 1 : i32
        %get3A_866 = arith.constant 1 : i32
        %get3A_867 = arith.constant 2 : i32
        %get3A_868 = arith.index_cast %get3A_865 : i32 to index
        %get3A_869 = arith.index_cast %get3A_866 : i32 to index
        %get3A_870 = arith.index_cast %get3A_867 : i32 to index
        %get3A_871 = arith.index_cast %mul3A_665 : i32 to index
        %get3A_872 = tpu.vector_load %arg5[%get3A_868, %get3A_869, %get3A_870, %get3A_871] {strides = array<i32>} : memref<2x4x4x1024xf32, #tpu.memory_space<vmem>>, vector<1x1x1x16xf32>,
        %get3A_873 = vector.shape_cast %get3A_872 : vector<1x1x1x16xf32> to vector<16xf32>
        %add3A_874 = arith.addf %get3A_873, %get3A_844 : vector<16xf32>
        %swap3A_875 = arith.constant 1 : i32
        %swap3A_876 = arith.constant 1 : i32
        %swap3A_877 = arith.constant 2 : i32
        %swap3A_878 = arith.index_cast %swap3A_875 : i32 to index
        %swap3A_879 = arith.index_cast %swap3A_876 : i32 to index
        %swap3A_880 = arith.index_cast %swap3A_877 : i32 to index
        %swap3A_881 = arith.index_cast %mul3A_665 : i32 to index
        %swap3A_882 = tpu.vector_load %arg6[%swap3A_878, %swap3A_879, %swap3A_880, %swap3A_881] {strides = array<i32>} : memref<2x4x4x1024xf32, #tpu.memory_space<vmem>>, vector<1x1x1x16xf32>,
        %swap3A_883 = vector.shape_cast %swap3A_882 : vector<1x1x1x16xf32> to vector<16xf32>
        %swap3A_884 = vector.shape_cast %add3A_874 : vector<16xf32> to vector<1x1x1x16xf32>
        tpu.vector_store %arg6[%swap3A_878, %swap3A_879, %swap3A_880, %swap3A_881], %swap3A_884 {strides = array<i32>} : memref<2x4x4x1024xf32, #tpu.memory_space<vmem>>, vector<1x1x1x16xf32>,
        %get3A_885 = arith.constant 1 : i32
        %get3A_886 = arith.constant 2 : i32
        %get3A_887 = arith.constant 2 : i32
        %get3A_888 = arith.index_cast %get3A_885 : i32 to index
        %get3A_889 = arith.index_cast %get3A_886 : i32 to index
        %get3A_890 = arith.index_cast %get3A_887 : i32 to index
        %get3A_891 = arith.index_cast %mul3A_665 : i32 to index
        %get3A_892 = tpu.vector_load %arg5[%get3A_888, %get3A_889, %get3A_890, %get3A_891] {strides = array<i32>} : memref<2x4x4x1024xf32, #tpu.memory_space<vmem>>, vector<1x1x1x16xf32>,
        %get3A_893 = vector.shape_cast %get3A_892 : vector<1x1x1x16xf32> to vector<16xf32>
        %add3A_894 = arith.addf %get3A_893, %get3A_844 : vector<16xf32>
        %swap3A_895 = arith.constant 1 : i32
        %swap3A_896 = arith.constant 2 : i32
        %swap3A_897 = arith.constant 2 : i32
        %swap3A_898 = arith.index_cast %swap3A_895 : i32 to index
        %swap3A_899 = arith.index_cast %swap3A_896 : i32 to index
        %swap3A_900 = arith.index_cast %swap3A_897 : i32 to index
        %swap3A_901 = arith.index_cast %mul3A_665 : i32 to index
        %swap3A_902 = tpu.vector_load %arg6[%swap3A_898, %swap3A_899, %swap3A_900, %swap3A_901] {strides = array<i32>} : memref<2x4x4x1024xf32, #tpu.memory_space<vmem>>, vector<1x1x1x16xf32>,
        %swap3A_903 = vector.shape_cast %swap3A_902 : vector<1x1x1x16xf32> to vector<16xf32>
        %swap3A_904 = vector.shape_cast %add3A_894 : vector<16xf32> to vector<1x1x1x16xf32>
        tpu.vector_store %arg6[%swap3A_898, %swap3A_899, %swap3A_900, %swap3A_901], %swap3A_904 {strides = array<i32>} : memref<2x4x4x1024xf32, #tpu.memory_space<vmem>>, vector<1x1x1x16xf32>,
        %get3A_905 = arith.constant 1 : i32
        %get3A_906 = arith.constant 3 : i32
        %get3A_907 = arith.constant 2 : i32
        %get3A_908 = arith.index_cast %get3A_905 : i32 to index
        %get3A_909 = arith.index_cast %get3A_906 : i32 to index
        %get3A_910 = arith.index_cast %get3A_907 : i32 to index
        %get3A_911 = arith.index_cast %mul3A_665 : i32 to index
        %get3A_912 = tpu.vector_load %arg5[%get3A_908, %get3A_909, %get3A_910, %get3A_911] {strides = array<i32>} : memref<2x4x4x1024xf32, #tpu.memory_space<vmem>>, vector<1x1x1x16xf32>,
        %get3A_913 = vector.shape_cast %get3A_912 : vector<1x1x1x16xf32> to vector<16xf32>
        %add3A_914 = arith.addf %get3A_913, %get3A_844 : vector<16xf32>
        %swap3A_915 = arith.constant 1 : i32
        %swap3A_916 = arith.constant 3 : i32
        %swap3A_917 = arith.constant 2 : i32
        %swap3A_918 = arith.index_cast %swap3A_915 : i32 to index
        %swap3A_919 = arith.index_cast %swap3A_916 : i32 to index
        %swap3A_920 = arith.index_cast %swap3A_917 : i32 to index
        %swap3A_921 = arith.index_cast %mul3A_665 : i32 to index
        %swap3A_922 = tpu.vector_load %arg6[%swap3A_918, %swap3A_919, %swap3A_920, %swap3A_921] {strides = array<i32>} : memref<2x4x4x1024xf32, #tpu.memory_space<vmem>>, vector<1x1x1x16xf32>,
        %swap3A_923 = vector.shape_cast %swap3A_922 : vector<1x1x1x16xf32> to vector<16xf32>
        %swap3A_924 = vector.shape_cast %add3A_914 : vector<16xf32> to vector<1x1x1x16xf32>
        tpu.vector_store %arg6[%swap3A_918, %swap3A_919, %swap3A_920, %swap3A_921], %swap3A_924 {strides = array<i32>} : memref<2x4x4x1024xf32, #tpu.memory_space<vmem>>, vector<1x1x1x16xf32>,
        %get3A_925 = arith.constant 1 : i32
        %get3A_926 = arith.constant 3 : i32
        %get3A_927 = arith.index_cast %get3A_925 : i32 to index
        %get3A_928 = arith.index_cast %get3A_926 : i32 to index
        %get3A_929 = arith.index_cast %mul3A_665 : i32 to index
        %get3A_930 = tpu.vector_load %arg7[%get3A_927, %get3A_928, %get3A_929] {strides = array<i32>} : memref<2x4x1024xf32, #tpu.memory_space<vmem>>, vector<1x1x16xf32>,
        %get3A_931 = vector.shape_cast %get3A_930 : vector<1x1x16xf32> to vector<16xf32>
        %get3A_932 = arith.constant 1 : i32
        %get3A_933 = arith.constant 0 : i32
        %get3A_934 = arith.constant 3 : i32
        %get3A_935 = arith.index_cast %get3A_932 : i32 to index
        %get3A_936 = arith.index_cast %get3A_933 : i32 to index
        %get3A_937 = arith.index_cast %get3A_934 : i32 to index
        %get3A_938 = arith.index_cast %mul3A_665 : i32 to index
        %get3A_939 = tpu.vector_load %arg5[%get3A_935, %get3A_936, %get3A_937, %get3A_938] {strides = array<i32>} : memref<2x4x4x1024xf32, #tpu.memory_space<vmem>>, vector<1x1x1x16xf32>,
        %get3A_940 = vector.shape_cast %get3A_939 : vector<1x1x1x16xf32> to vector<16xf32>
        %add3A_941 = arith.addf %get3A_940, %get3A_931 : vector<16xf32>
        %swap3A_942 = arith.constant 1 : i32
        %swap3A_943 = arith.constant 0 : i32
        %swap3A_944 = arith.constant 3 : i32
        %swap3A_945 = arith.index_cast %swap3A_942 : i32 to index
        %swap3A_946 = arith.index_cast %swap3A_943 : i32 to index
        %swap3A_947 = arith.index_cast %swap3A_944 : i32 to index
        %swap3A_948 = arith.index_cast %mul3A_665 : i32 to index
        %swap3A_949 = tpu.vector_load %arg6[%swap3A_945, %swap3A_946, %swap3A_947, %swap3A_948] {strides = array<i32>} : memref<2x4x4x1024xf32, #tpu.memory_space<vmem>>, vector<1x1x1x16xf32>,
        %swap3A_950 = vector.shape_cast %swap3A_949 : vector<1x1x1x16xf32> to vector<16xf32>
        %swap3A_951 = vector.shape_cast %add3A_941 : vector<16xf32> to vector<1x1x1x16xf32>
        tpu.vector_store %arg6[%swap3A_945, %swap3A_946, %swap3A_947, %swap3A_948], %swap3A_951 {strides = array<i32>} : memref<2x4x4x1024xf32, #tpu.memory_space<vmem>>, vector<1x1x1x16xf32>,
        %get3A_952 = arith.constant 1 : i32
        %get3A_953 = arith.constant 1 : i32
        %get3A_954 = arith.constant 3 : i32
        %get3A_955 = arith.index_cast %get3A_952 : i32 to index
        %get3A_956 = arith.index_cast %get3A_953 : i32 to index
        %get3A_957 = arith.index_cast %get3A_954 : i32 to index
        %get3A_958 = arith.index_cast %mul3A_665 : i32 to index
        %get3A_959 = tpu.vector_load %arg5[%get3A_955, %get3A_956, %get3A_957, %get3A_958] {strides = array<i32>} : memref<2x4x4x1024xf32, #tpu.memory_space<vmem>>, vector<1x1x1x16xf32>,
        %get3A_960 = vector.shape_cast %get3A_959 : vector<1x1x1x16xf32> to vector<16xf32>
        %add3A_961 = arith.addf %get3A_960, %get3A_931 : vector<16xf32>
        %swap3A_962 = arith.constant 1 : i32
        %swap3A_963 = arith.constant 1 : i32
        %swap3A_964 = arith.constant 3 : i32
        %swap3A_965 = arith.index_cast %swap3A_962 : i32 to index
        %swap3A_966 = arith.index_cast %swap3A_963 : i32 to index
        %swap3A_967 = arith.index_cast %swap3A_964 : i32 to index
        %swap3A_968 = arith.index_cast %mul3A_665 : i32 to index
        %swap3A_969 = tpu.vector_load %arg6[%swap3A_965, %swap3A_966, %swap3A_967, %swap3A_968] {strides = array<i32>} : memref<2x4x4x1024xf32, #tpu.memory_space<vmem>>, vector<1x1x1x16xf32>,
        %swap3A_970 = vector.shape_cast %swap3A_969 : vector<1x1x1x16xf32> to vector<16xf32>
        %swap3A_971 = vector.shape_cast %add3A_961 : vector<16xf32> to vector<1x1x1x16xf32>
        tpu.vector_store %arg6[%swap3A_965, %swap3A_966, %swap3A_967, %swap3A_968], %swap3A_971 {strides = array<i32>} : memref<2x4x4x1024xf32, #tpu.memory_space<vmem>>, vector<1x1x1x16xf32>,
        %get3A_972 = arith.constant 1 : i32
        %get3A_973 = arith.constant 2 : i32
        %get3A_974 = arith.constant 3 : i32
        %get3A_975 = arith.index_cast %get3A_972 : i32 to index
        %get3A_976 = arith.index_cast %get3A_973 : i32 to index
        %get3A_977 = arith.index_cast %get3A_974 : i32 to index
        %get3A_978 = arith.index_cast %mul3A_665 : i32 to index
        %get3A_979 = tpu.vector_load %arg5[%get3A_975, %get3A_976, %get3A_977, %get3A_978] {strides = array<i32>} : memref<2x4x4x1024xf32, #tpu.memory_space<vmem>>, vector<1x1x1x16xf32>,
        %get3A_980 = vector.shape_cast %get3A_979 : vector<1x1x1x16xf32> to vector<16xf32>
        %add3A_981 = arith.addf %get3A_980, %get3A_931 : vector<16xf32>
        %swap3A_982 = arith.constant 1 : i32
        %swap3A_983 = arith.constant 2 : i32
        %swap3A_984 = arith.constant 3 : i32
        %swap3A_985 = arith.index_cast %swap3A_982 : i32 to index
        %swap3A_986 = arith.index_cast %swap3A_983 : i32 to index
        %swap3A_987 = arith.index_cast %swap3A_984 : i32 to index
        %swap3A_988 = arith.index_cast %mul3A_665 : i32 to index
        %swap3A_989 = tpu.vector_load %arg6[%swap3A_985, %swap3A_986, %swap3A_987, %swap3A_988] {strides = array<i32>} : memref<2x4x4x1024xf32, #tpu.memory_space<vmem>>, vector<1x1x1x16xf32>,
        %swap3A_990 = vector.shape_cast %swap3A_989 : vector<1x1x1x16xf32> to vector<16xf32>
        %swap3A_991 = vector.shape_cast %add3A_981 : vector<16xf32> to vector<1x1x1x16xf32>
        tpu.vector_store %arg6[%swap3A_985, %swap3A_986, %swap3A_987, %swap3A_988], %swap3A_991 {strides = array<i32>} : memref<2x4x4x1024xf32, #tpu.memory_space<vmem>>, vector<1x1x1x16xf32>,
        %get3A_992 = arith.constant 1 : i32
        %get3A_993 = arith.constant 3 : i32
        %get3A_994 = arith.constant 3 : i32
        %get3A_995 = arith.index_cast %get3A_992 : i32 to index
        %get3A_996 = arith.index_cast %get3A_993 : i32 to index
        %get3A_997 = arith.index_cast %get3A_994 : i32 to index
        %get3A_998 = arith.index_cast %mul3A_665 : i32 to index
        %get3A_999 = tpu.vector_load %arg5[%get3A_995, %get3A_996, %get3A_997, %get3A_998] {strides = array<i32>} : memref<2x4x4x1024xf32, #tpu.memory_space<vmem>>, vector<1x1x1x16xf32>,
        %get3A_1000 = vector.shape_cast %get3A_999 : vector<1x1x1x16xf32> to vector<16xf32>
        %add3A_1001 = arith.addf %get3A_1000, %get3A_931 : vector<16xf32>
        %swap3A_1002 = arith.constant 1 : i32
        %swap3A_1003 = arith.constant 3 : i32
        %swap3A_1004 = arith.constant 3 : i32
        %swap3A_1005 = arith.index_cast %swap3A_1002 : i32 to index
        %swap3A_1006 = arith.index_cast %swap3A_1003 : i32 to index
        %swap3A_1007 = arith.index_cast %swap3A_1004 : i32 to index
        %swap3A_1008 = arith.index_cast %mul3A_665 : i32 to index
        %swap3A_1009 = tpu.vector_load %arg6[%swap3A_1005, %swap3A_1006, %swap3A_1007, %swap3A_1008] {strides = array<i32>} : memref<2x4x4x1024xf32, #tpu.memory_space<vmem>>, vector<1x1x1x16xf32>,
        %swap3A_1010 = vector.shape_cast %swap3A_1009 : vector<1x1x1x16xf32> to vector<16xf32>
        %swap3A_1011 = vector.shape_cast %add3A_1001 : vector<16xf32> to vector<1x1x1x16xf32>
        tpu.vector_store %arg6[%swap3A_1005, %swap3A_1006, %swap3A_1007, %swap3A_1008], %swap3A_1011 {strides = array<i32>} : memref<2x4x4x1024xf32, #tpu.memory_space<vmem>>, vector<1x1x1x16xf32>,
      }
      %scan3A_584 = arith.constant 64 : i32
      %mul3A_585 = arith.constant 4 : i32
      %mul3A_586 = arith.muli %add3A_489, %mul3A_585 : i32
      %add3A_587 = arith.addi %mul3A_2, %mul3A_586 : i32
      %dma_start3A_588 = arith.constant 1 : i32
      %dma_start3A_589 = arith.constant 0 : i32
      %dma_start3A_590 = arith.constant 0 : i32
      %dma_start3A_591 = arith.constant 0 : i32
      %dma_start3A_592 = arith.constant 0 : i32
      %dma_start3A_593 = tpu.memref_slice %arg6[%dma_start3A_588, %dma_start3A_589, %dma_start3A_591, %dma_start3A_592] : memref<2x4x4x1024xf32, #tpu.memory_space<vmem>> -> memref<1x1x4x1024xf32, #tpu.memory_space<vmem>>
      %dma_start3A_594 = tpu.memref_squeeze %dma_start3A_593 : memref<1x1x4x1024xf32, #tpu.memory_space<vmem>> -> memref<4x1024xf32, #tpu.memory_space<vmem>>
      %dma_start3A_595 = arith.constant 0 : i32
      %dma_start3A_596 = tpu.memref_slice %arg4[%dma_start3A_590, %add3A_587, %dma_start3A_595] : memref<4x8192x1024xf32, #tpu.memory_space<hbm>> -> memref<1x4x1024xf32, #tpu.memory_space<hbm>>
      %dma_start3A_597 = tpu.memref_squeeze %dma_start3A_596 : memref<1x4x1024xf32, #tpu.memory_space<hbm>> -> memref<4x1024xf32, #tpu.memory_space<hbm>>
      %dma_start3A_598 = arith.constant 0 : i32
      %dma_start3A_599 = tpu.memref_slice %arg4[%dma_start3A_590, %add3A_587, %dma_start3A_598] : memref<4x8192x1024xf32, #tpu.memory_space<hbm>> -> memref<1x4x1024xf32, #tpu.memory_space<hbm>>
      %dma_start3A_600 = tpu.memref_squeeze %dma_start3A_599 : memref<1x4x1024xf32, #tpu.memory_space<hbm>> -> memref<4x1024xf32, #tpu.memory_space<hbm>>
      %dma_start3A_601 = arith.constant 0 : i32
      %dma_start3A_602 = arith.constant 0 : i32
      %dma_start3A_603 = tpu.memref_slice %arg6[%dma_start3A_588, %dma_start3A_589, %dma_start3A_601, %dma_start3A_602] : memref<2x4x4x1024xf32, #tpu.memory_space<vmem>> -> memref<1x1x4x1024xf32, #tpu.memory_space<vmem>>
      %dma_start3A_604 = tpu.memref_squeeze %dma_start3A_603 : memref<1x1x4x1024xf32, #tpu.memory_space<vmem>> -> memref<4x1024xf32, #tpu.memory_space<vmem>>
      tpu.enqueue_dma source(%dma_start3A_604 : memref<4x1024xf32, #tpu.memory_space<vmem>>) target(%dma_start3A_600 : memref<4x1024xf32, #tpu.memory_space<hbm>>) target_semaphore(%arg11 : memref<!tpu.dma_semaphore, #tpu.memory_space<semaphore_mem>>)
      %dma_start3A_605 = arith.constant 1 : i32
      %dma_start3A_606 = arith.constant 1 : i32
      %dma_start3A_607 = arith.constant 1 : i32
      %dma_start3A_608 = arith.constant 0 : i32
      %dma_start3A_609 = arith.constant 0 : i32
      %dma_start3A_610 = tpu.memref_slice %arg6[%dma_start3A_605, %dma_start3A_606, %dma_start3A_608, %dma_start3A_609] : memref<2x4x4x1024xf32, #tpu.memory_space<vmem>> -> memref<1x1x4x1024xf32, #tpu.memory_space<vmem>>
      %dma_start3A_611 = tpu.memref_squeeze %dma_start3A_610 : memref<1x1x4x1024xf32, #tpu.memory_space<vmem>> -> memref<4x1024xf32, #tpu.memory_space<vmem>>
      %dma_start3A_612 = arith.constant 0 : i32
      %dma_start3A_613 = tpu.memref_slice %arg4[%dma_start3A_607, %add3A_587, %dma_start3A_612] : memref<4x8192x1024xf32, #tpu.memory_space<hbm>> -> memref<1x4x1024xf32, #tpu.memory_space<hbm>>
      %dma_start3A_614 = tpu.memref_squeeze %dma_start3A_613 : memref<1x4x1024xf32, #tpu.memory_space<hbm>> -> memref<4x1024xf32, #tpu.memory_space<hbm>>
      %dma_start3A_615 = arith.constant 0 : i32
      %dma_start3A_616 = tpu.memref_slice %arg4[%dma_start3A_607, %add3A_587, %dma_start3A_615] : memref<4x8192x1024xf32, #tpu.memory_space<hbm>> -> memref<1x4x1024xf32, #tpu.memory_space<hbm>>
      %dma_start3A_617 = tpu.memref_squeeze %dma_start3A_616 : memref<1x4x1024xf32, #tpu.memory_space<hbm>> -> memref<4x1024xf32, #tpu.memory_space<hbm>>
      %dma_start3A_618 = arith.constant 0 : i32
      %dma_start3A_619 = arith.constant 0 : i32
      %dma_start3A_620 = tpu.memref_slice %arg6[%dma_start3A_605, %dma_start3A_606, %dma_start3A_618, %dma_start3A_619] : memref<2x4x4x1024xf32, #tpu.memory_space<vmem>> -> memref<1x1x4x1024xf32, #tpu.memory_space<vmem>>
      %dma_start3A_621 = tpu.memref_squeeze %dma_start3A_620 : memref<1x1x4x1024xf32, #tpu.memory_space<vmem>> -> memref<4x1024xf32, #tpu.memory_space<vmem>>
      tpu.enqueue_dma source(%dma_start3A_621 : memref<4x1024xf32, #tpu.memory_space<vmem>>) target(%dma_start3A_617 : memref<4x1024xf32, #tpu.memory_space<hbm>>) target_semaphore(%arg11 : memref<!tpu.dma_semaphore, #tpu.memory_space<semaphore_mem>>)
      %dma_start3A_622 = arith.constant 1 : i32
      %dma_start3A_623 = arith.constant 2 : i32
      %dma_start3A_624 = arith.constant 2 : i32
      %dma_start3A_625 = arith.constant 0 : i32
      %dma_start3A_626 = arith.constant 0 : i32
      %dma_start3A_627 = tpu.memref_slice %arg6[%dma_start3A_622, %dma_start3A_623, %dma_start3A_625, %dma_start3A_626] : memref<2x4x4x1024xf32, #tpu.memory_space<vmem>> -> memref<1x1x4x1024xf32, #tpu.memory_space<vmem>>
      %dma_start3A_628 = tpu.memref_squeeze %dma_start3A_627 : memref<1x1x4x1024xf32, #tpu.memory_space<vmem>> -> memref<4x1024xf32, #tpu.memory_space<vmem>>
      %dma_start3A_629 = arith.constant 0 : i32
      %dma_start3A_630 = tpu.memref_slice %arg4[%dma_start3A_624, %add3A_587, %dma_start3A_629] : memref<4x8192x1024xf32, #tpu.memory_space<hbm>> -> memref<1x4x1024xf32, #tpu.memory_space<hbm>>
      %dma_start3A_631 = tpu.memref_squeeze %dma_start3A_630 : memref<1x4x1024xf32, #tpu.memory_space<hbm>> -> memref<4x1024xf32, #tpu.memory_space<hbm>>
      %dma_start3A_632 = arith.constant 0 : i32
      %dma_start3A_633 = tpu.memref_slice %arg4[%dma_start3A_624, %add3A_587, %dma_start3A_632] : memref<4x8192x1024xf32, #tpu.memory_space<hbm>> -> memref<1x4x1024xf32, #tpu.memory_space<hbm>>
      %dma_start3A_634 = tpu.memref_squeeze %dma_start3A_633 : memref<1x4x1024xf32, #tpu.memory_space<hbm>> -> memref<4x1024xf32, #tpu.memory_space<hbm>>
      %dma_start3A_635 = arith.constant 0 : i32
      %dma_start3A_636 = arith.constant 0 : i32
      %dma_start3A_637 = tpu.memref_slice %arg6[%dma_start3A_622, %dma_start3A_623, %dma_start3A_635, %dma_start3A_636] : memref<2x4x4x1024xf32, #tpu.memory_space<vmem>> -> memref<1x1x4x1024xf32, #tpu.memory_space<vmem>>
      %dma_start3A_638 = tpu.memref_squeeze %dma_start3A_637 : memref<1x1x4x1024xf32, #tpu.memory_space<vmem>> -> memref<4x1024xf32, #tpu.memory_space<vmem>>
      tpu.enqueue_dma source(%dma_start3A_638 : memref<4x1024xf32, #tpu.memory_space<vmem>>) target(%dma_start3A_634 : memref<4x1024xf32, #tpu.memory_space<hbm>>) target_semaphore(%arg11 : memref<!tpu.dma_semaphore, #tpu.memory_space<semaphore_mem>>)
      %dma_start3A_639 = arith.constant 1 : i32
      %dma_start3A_640 = arith.constant 3 : i32
      %dma_start3A_641 = arith.constant 3 : i32
      %dma_start3A_642 = arith.constant 0 : i32
      %dma_start3A_643 = arith.constant 0 : i32
      %dma_start3A_644 = tpu.memref_slice %arg6[%dma_start3A_639, %dma_start3A_640, %dma_start3A_642, %dma_start3A_643] : memref<2x4x4x1024xf32, #tpu.memory_space<vmem>> -> memref<1x1x4x1024xf32, #tpu.memory_space<vmem>>
      %dma_start3A_645 = tpu.memref_squeeze %dma_start3A_644 : memref<1x1x4x1024xf32, #tpu.memory_space<vmem>> -> memref<4x1024xf32, #tpu.memory_space<vmem>>
      %dma_start3A_646 = arith.constant 0 : i32
      %dma_start3A_647 = tpu.memref_slice %arg4[%dma_start3A_641, %add3A_587, %dma_start3A_646] : memref<4x8192x1024xf32, #tpu.memory_space<hbm>> -> memref<1x4x1024xf32, #tpu.memory_space<hbm>>
      %dma_start3A_648 = tpu.memref_squeeze %dma_start3A_647 : memref<1x4x1024xf32, #tpu.memory_space<hbm>> -> memref<4x1024xf32, #tpu.memory_space<hbm>>
      %dma_start3A_649 = arith.constant 0 : i32
      %dma_start3A_650 = tpu.memref_slice %arg4[%dma_start3A_641, %add3A_587, %dma_start3A_649] : memref<4x8192x1024xf32, #tpu.memory_space<hbm>> -> memref<1x4x1024xf32, #tpu.memory_space<hbm>>
      %dma_start3A_651 = tpu.memref_squeeze %dma_start3A_650 : memref<1x4x1024xf32, #tpu.memory_space<hbm>> -> memref<4x1024xf32, #tpu.memory_space<hbm>>
      %dma_start3A_652 = arith.constant 0 : i32
      %dma_start3A_653 = arith.constant 0 : i32
      %dma_start3A_654 = tpu.memref_slice %arg6[%dma_start3A_639, %dma_start3A_640, %dma_start3A_652, %dma_start3A_653] : memref<2x4x4x1024xf32, #tpu.memory_space<vmem>> -> memref<1x1x4x1024xf32, #tpu.memory_space<vmem>>
      %dma_start3A_655 = tpu.memref_squeeze %dma_start3A_654 : memref<1x1x4x1024xf32, #tpu.memory_space<vmem>> -> memref<4x1024xf32, #tpu.memory_space<vmem>>
      tpu.enqueue_dma source(%dma_start3A_655 : memref<4x1024xf32, #tpu.memory_space<vmem>>) target(%dma_start3A_651 : memref<4x1024xf32, #tpu.memory_space<hbm>>) target_semaphore(%arg11 : memref<!tpu.dma_semaphore, #tpu.memory_space<semaphore_mem>>)
      %add3A_656 = arith.constant 2 : i32
      %add3A_657 = arith.addi %add3A_489, %add3A_656 : i32
      %lt3A_658 = arith.constant 64 : i32
      %lt3A_659 = arith.cmpi slt, %add3A_657, %lt3A_658 : i32
      %convert_element_type3A_660 = arith.extui %lt3A_659 : i1 to i32
      %cond3A_661 = arith.constant 0 : i32
      %cond3A_662 = arith.cmpi ne, %convert_element_type3A_660, %cond3A_661 : i32
      scf.if %cond3A_662 {
        %add3A_663 = arith.constant 2 : i32
        %add3A_664 = arith.addi %add3A_489, %add3A_663 : i32
        %mul3A_665 = arith.constant 4 : i32
        %mul3A_666 = arith.muli %add3A_664, %mul3A_665 : i32
        %add3A_667 = arith.addi %mul3A_2, %mul3A_666 : i32
        %dma_start3A_668 = arith.constant 0 : i32
        %dma_start3A_669 = arith.constant 1 : i32
        %dma_start3A_670 = arith.constant 0 : i32
        %dma_start3A_671 = arith.constant 0 : i32
        %dma_start3A_672 = arith.constant 0 : i32
        %dma_start3A_673 = tpu.memref_slice %arg5[%dma_start3A_669, %dma_start3A_670, %dma_start3A_671, %dma_start3A_672] : memref<2x4x4x1024xf32, #tpu.memory_space<vmem>> -> memref<1x1x4x1024xf32, #tpu.memory_space<vmem>>
        %dma_start3A_674 = tpu.memref_squeeze %dma_start3A_673 : memref<1x1x4x1024xf32, #tpu.memory_space<vmem>> -> memref<4x1024xf32, #tpu.memory_space<vmem>>
        %dma_start3A_675 = arith.constant 0 : i32
        %dma_start3A_676 = tpu.memref_slice %arg2[%dma_start3A_668, %add3A_667, %dma_start3A_675] : memref<4x8192x1024xf32, #tpu.memory_space<hbm>> -> memref<1x4x1024xf32, #tpu.memory_space<hbm>>
        %dma_start3A_677 = tpu.memref_squeeze %dma_start3A_676 : memref<1x4x1024xf32, #tpu.memory_space<hbm>> -> memref<4x1024xf32, #tpu.memory_space<hbm>>
        %dma_start3A_678 = arith.constant 0 : i32
        %dma_start3A_679 = arith.constant 0 : i32
        %dma_start3A_680 = tpu.memref_slice %arg5[%dma_start3A_669, %dma_start3A_670, %dma_start3A_678, %dma_start3A_679] : memref<2x4x4x1024xf32, #tpu.memory_space<vmem>> -> memref<1x1x4x1024xf32, #tpu.memory_space<vmem>>
        %dma_start3A_681 = tpu.memref_squeeze %dma_start3A_680 : memref<1x1x4x1024xf32, #tpu.memory_space<vmem>> -> memref<4x1024xf32, #tpu.memory_space<vmem>>
        %dma_start3A_682 = arith.constant 0 : i32
        %dma_start3A_683 = tpu.memref_slice %arg2[%dma_start3A_668, %add3A_667, %dma_start3A_682] : memref<4x8192x1024xf32, #tpu.memory_space<hbm>> -> memref<1x4x1024xf32, #tpu.memory_space<hbm>>
        %dma_start3A_684 = tpu.memref_squeeze %dma_start3A_683 : memref<1x4x1024xf32, #tpu.memory_space<hbm>> -> memref<4x1024xf32, #tpu.memory_space<hbm>>
        tpu.enqueue_dma source(%dma_start3A_684 : memref<4x1024xf32, #tpu.memory_space<hbm>>) target(%dma_start3A_681 : memref<4x1024xf32, #tpu.memory_space<vmem>>) target_semaphore(%arg9 : memref<!tpu.dma_semaphore, #tpu.memory_space<semaphore_mem>>)
        %dma_start3A_685 = arith.constant 1 : i32
        %dma_start3A_686 = arith.constant 1 : i32
        %dma_start3A_687 = arith.constant 1 : i32
        %dma_start3A_688 = arith.constant 0 : i32
        %dma_start3A_689 = arith.constant 0 : i32
        %dma_start3A_690 = tpu.memref_slice %arg5[%dma_start3A_686, %dma_start3A_687, %dma_start3A_688, %dma_start3A_689] : memref<2x4x4x1024xf32, #tpu.memory_space<vmem>> -> memref<1x1x4x1024xf32, #tpu.memory_space<vmem>>
        %dma_start3A_691 = tpu.memref_squeeze %dma_start3A_690 : memref<1x1x4x1024xf32, #tpu.memory_space<vmem>> -> memref<4x1024xf32, #tpu.memory_space<vmem>>
        %dma_start3A_692 = arith.constant 0 : i32
        %dma_start3A_693 = tpu.memref_slice %arg2[%dma_start3A_685, %add3A_667, %dma_start3A_692] : memref<4x8192x1024xf32, #tpu.memory_space<hbm>> -> memref<1x4x1024xf32, #tpu.memory_space<hbm>>
        %dma_start3A_694 = tpu.memref_squeeze %dma_start3A_693 : memref<1x4x1024xf32, #tpu.memory_space<hbm>> -> memref<4x1024xf32, #tpu.memory_space<hbm>>
        %dma_start3A_695 = arith.constant 0 : i32
        %dma_start3A_696 = arith.constant 0 : i32
        %dma_start3A_697 = tpu.memref_slice %arg5[%dma_start3A_686, %dma_start3A_687, %dma_start3A_695, %dma_start3A_696] : memref<2x4x4x1024xf32, #tpu.memory_space<vmem>> -> memref<1x1x4x1024xf32, #tpu.memory_space<vmem>>
        %dma_start3A_698 = tpu.memref_squeeze %dma_start3A_697 : memref<1x1x4x1024xf32, #tpu.memory_space<vmem>> -> memref<4x1024xf32, #tpu.memory_space<vmem>>
        %dma_start3A_699 = arith.constant 0 : i32
        %dma_start3A_700 = tpu.memref_slice %arg2[%dma_start3A_685, %add3A_667, %dma_start3A_699] : memref<4x8192x1024xf32, #tpu.memory_space<hbm>> -> memref<1x4x1024xf32, #tpu.memory_space<hbm>>
        %dma_start3A_701 = tpu.memref_squeeze %dma_start3A_700 : memref<1x4x1024xf32, #tpu.memory_space<hbm>> -> memref<4x1024xf32, #tpu.memory_space<hbm>>
        tpu.enqueue_dma source(%dma_start3A_701 : memref<4x1024xf32, #tpu.memory_space<hbm>>) target(%dma_start3A_698 : memref<4x1024xf32, #tpu.memory_space<vmem>>) target_semaphore(%arg9 : memref<!tpu.dma_semaphore, #tpu.memory_space<semaphore_mem>>)
        %dma_start3A_702 = arith.constant 2 : i32
        %dma_start3A_703 = arith.constant 1 : i32
        %dma_start3A_704 = arith.constant 2 : i32
        %dma_start3A_705 = arith.constant 0 : i32
        %dma_start3A_706 = arith.constant 0 : i32
        %dma_start3A_707 = tpu.memref_slice %arg5[%dma_start3A_703, %dma_start3A_704, %dma_start3A_705, %dma_start3A_706] : memref<2x4x4x1024xf32, #tpu.memory_space<vmem>> -> memref<1x1x4x1024xf32, #tpu.memory_space<vmem>>
        %dma_start3A_708 = tpu.memref_squeeze %dma_start3A_707 : memref<1x1x4x1024xf32, #tpu.memory_space<vmem>> -> memref<4x1024xf32, #tpu.memory_space<vmem>>
        %dma_start3A_709 = arith.constant 0 : i32
        %dma_start3A_710 = tpu.memref_slice %arg2[%dma_start3A_702, %add3A_667, %dma_start3A_709] : memref<4x8192x1024xf32, #tpu.memory_space<hbm>> -> memref<1x4x1024xf32, #tpu.memory_space<hbm>>
        %dma_start3A_711 = tpu.memref_squeeze %dma_start3A_710 : memref<1x4x1024xf32, #tpu.memory_space<hbm>> -> memref<4x1024xf32, #tpu.memory_space<hbm>>
        %dma_start3A_712 = arith.constant 0 : i32
        %dma_start3A_713 = arith.constant 0 : i32
        %dma_start3A_714 = tpu.memref_slice %arg5[%dma_start3A_703, %dma_start3A_704, %dma_start3A_712, %dma_start3A_713] : memref<2x4x4x1024xf32, #tpu.memory_space<vmem>> -> memref<1x1x4x1024xf32, #tpu.memory_space<vmem>>
        %dma_start3A_715 = tpu.memref_squeeze %dma_start3A_714 : memref<1x1x4x1024xf32, #tpu.memory_space<vmem>> -> memref<4x1024xf32, #tpu.memory_space<vmem>>
        %dma_start3A_716 = arith.constant 0 : i32
        %dma_start3A_717 = tpu.memref_slice %arg2[%dma_start3A_702, %add3A_667, %dma_start3A_716] : memref<4x8192x1024xf32, #tpu.memory_space<hbm>> -> memref<1x4x1024xf32, #tpu.memory_space<hbm>>
        %dma_start3A_718 = tpu.memref_squeeze %dma_start3A_717 : memref<1x4x1024xf32, #tpu.memory_space<hbm>> -> memref<4x1024xf32, #tpu.memory_space<hbm>>
        tpu.enqueue_dma source(%dma_start3A_718 : memref<4x1024xf32, #tpu.memory_space<hbm>>) target(%dma_start3A_715 : memref<4x1024xf32, #tpu.memory_space<vmem>>) target_semaphore(%arg9 : memref<!tpu.dma_semaphore, #tpu.memory_space<semaphore_mem>>)
        %dma_start3A_719 = arith.constant 3 : i32
        %dma_start3A_720 = arith.constant 1 : i32
        %dma_start3A_721 = arith.constant 3 : i32
        %dma_start3A_722 = arith.constant 0 : i32
        %dma_start3A_723 = arith.constant 0 : i32
        %dma_start3A_724 = tpu.memref_slice %arg5[%dma_start3A_720, %dma_start3A_721, %dma_start3A_722, %dma_start3A_723] : memref<2x4x4x1024xf32, #tpu.memory_space<vmem>> -> memref<1x1x4x1024xf32, #tpu.memory_space<vmem>>
        %dma_start3A_725 = tpu.memref_squeeze %dma_start3A_724 : memref<1x1x4x1024xf32, #tpu.memory_space<vmem>> -> memref<4x1024xf32, #tpu.memory_space<vmem>>
        %dma_start3A_726 = arith.constant 0 : i32
        %dma_start3A_727 = tpu.memref_slice %arg2[%dma_start3A_719, %add3A_667, %dma_start3A_726] : memref<4x8192x1024xf32, #tpu.memory_space<hbm>> -> memref<1x4x1024xf32, #tpu.memory_space<hbm>>
        %dma_start3A_728 = tpu.memref_squeeze %dma_start3A_727 : memref<1x4x1024xf32, #tpu.memory_space<hbm>> -> memref<4x1024xf32, #tpu.memory_space<hbm>>
        %dma_start3A_729 = arith.constant 0 : i32
        %dma_start3A_730 = arith.constant 0 : i32
        %dma_start3A_731 = tpu.memref_slice %arg5[%dma_start3A_720, %dma_start3A_721, %dma_start3A_729, %dma_start3A_730] : memref<2x4x4x1024xf32, #tpu.memory_space<vmem>> -> memref<1x1x4x1024xf32, #tpu.memory_space<vmem>>
        %dma_start3A_732 = tpu.memref_squeeze %dma_start3A_731 : memref<1x1x4x1024xf32, #tpu.memory_space<vmem>> -> memref<4x1024xf32, #tpu.memory_space<vmem>>
        %dma_start3A_733 = arith.constant 0 : i32
        %dma_start3A_734 = tpu.memref_slice %arg2[%dma_start3A_719, %add3A_667, %dma_start3A_733] : memref<4x8192x1024xf32, #tpu.memory_space<hbm>> -> memref<1x4x1024xf32, #tpu.memory_space<hbm>>
        %dma_start3A_735 = tpu.memref_squeeze %dma_start3A_734 : memref<1x4x1024xf32, #tpu.memory_space<hbm>> -> memref<4x1024xf32, #tpu.memory_space<hbm>>
        tpu.enqueue_dma source(%dma_start3A_735 : memref<4x1024xf32, #tpu.memory_space<hbm>>) target(%dma_start3A_732 : memref<4x1024xf32, #tpu.memory_space<vmem>>) target_semaphore(%arg9 : memref<!tpu.dma_semaphore, #tpu.memory_space<semaphore_mem>>)
        %dma_start3A_736 = arith.constant 1 : i32
        %dma_start3A_737 = arith.constant 0 : i32
        %dma_start3A_738 = arith.constant 0 : i32
        %dma_start3A_739 = tpu.memref_slice %arg7[%dma_start3A_736, %dma_start3A_737, %dma_start3A_738] : memref<2x4x1024xf32, #tpu.memory_space<vmem>> -> memref<1x4x1024xf32, #tpu.memory_space<vmem>>
        %dma_start3A_740 = tpu.memref_squeeze %dma_start3A_739 : memref<1x4x1024xf32, #tpu.memory_space<vmem>> -> memref<4x1024xf32, #tpu.memory_space<vmem>>
        %dma_start3A_741 = arith.constant 0 : i32
        %dma_start3A_742 = tpu.memref_slice %arg3[%add3A_667, %dma_start3A_741] : memref<8192x1024xf32, #tpu.memory_space<hbm>> -> memref<4x1024xf32, #tpu.memory_space<hbm>>
        %dma_start3A_743 = arith.constant 0 : i32
        %dma_start3A_744 = arith.constant 0 : i32
        %dma_start3A_745 = tpu.memref_slice %arg7[%dma_start3A_736, %dma_start3A_743, %dma_start3A_744] : memref<2x4x1024xf32, #tpu.memory_space<vmem>> -> memref<1x4x1024xf32, #tpu.memory_space<vmem>>
        %dma_start3A_746 = tpu.memref_squeeze %dma_start3A_745 : memref<1x4x1024xf32, #tpu.memory_space<vmem>> -> memref<4x1024xf32, #tpu.memory_space<vmem>>
        %dma_start3A_747 = arith.constant 0 : i32
        %dma_start3A_748 = tpu.memref_slice %arg3[%add3A_667, %dma_start3A_747] : memref<8192x1024xf32, #tpu.memory_space<hbm>> -> memref<4x1024xf32, #tpu.memory_space<hbm>>
        tpu.enqueue_dma source(%dma_start3A_748 : memref<4x1024xf32, #tpu.memory_space<hbm>>) target(%dma_start3A_746 : memref<4x1024xf32, #tpu.memory_space<vmem>>) target_semaphore(%arg9 : memref<!tpu.dma_semaphore, #tpu.memory_space<semaphore_mem>>)
      } else {
      }
    }
    %scan3A_172 = arith.constant 32 : i32
    %add3A_173 = arith.constant 248 : i32
    %add3A_174 = arith.addi %mul3A_2, %add3A_173 : i32
    %dma_wait3A = arith.constant 0 : i32
    %dma_wait3A_175 = arith.constant 0 : i32
    %dma_wait3A_176 = arith.constant 0 : i32
    %dma_wait3A_177 = arith.constant 0 : i32
    %dma_wait3A_178 = arith.constant 0 : i32
    %dma_wait3A_179 = tpu.memref_slice %arg6[%dma_wait3A, %dma_wait3A_175, %dma_wait3A_177, %dma_wait3A_178] : memref<2x4x4x1024xf32, #tpu.memory_space<vmem>> -> memref<1x1x4x1024xf32, #tpu.memory_space<vmem>>
    %dma_wait3A_180 = tpu.memref_squeeze %dma_wait3A_179 : memref<1x1x4x1024xf32, #tpu.memory_space<vmem>> -> memref<4x1024xf32, #tpu.memory_space<vmem>>
    %dma_wait3A_181 = arith.constant 0 : i32
    %dma_wait3A_182 = tpu.memref_slice %arg4[%dma_wait3A_176, %add3A_174, %dma_wait3A_181] : memref<4x8192x1024xf32, #tpu.memory_space<hbm>> -> memref<1x4x1024xf32, #tpu.memory_space<hbm>>
    %dma_wait3A_183 = tpu.memref_squeeze %dma_wait3A_182 : memref<1x4x1024xf32, #tpu.memory_space<hbm>> -> memref<4x1024xf32, #tpu.memory_space<hbm>>
    %dma_wait3A_184 = arith.constant 0 : i32
    %dma_wait3A_185 = tpu.memref_slice %arg4[%dma_wait3A_176, %add3A_174, %dma_wait3A_184] : memref<4x8192x1024xf32, #tpu.memory_space<hbm>> -> memref<1x4x1024xf32, #tpu.memory_space<hbm>>
    %dma_wait3A_186 = tpu.memref_squeeze %dma_wait3A_185 : memref<1x4x1024xf32, #tpu.memory_space<hbm>> -> memref<4x1024xf32, #tpu.memory_space<hbm>>
    %dma_wait3A_187 = arith.constant 0 : i32
    %dma_wait3A_188 = arith.constant 0 : i32
    %dma_wait3A_189 = tpu.memref_slice %arg6[%dma_wait3A, %dma_wait3A_175, %dma_wait3A_187, %dma_wait3A_188] : memref<2x4x4x1024xf32, #tpu.memory_space<vmem>> -> memref<1x1x4x1024xf32, #tpu.memory_space<vmem>>
    %dma_wait3A_190 = tpu.memref_squeeze %dma_wait3A_189 : memref<1x1x4x1024xf32, #tpu.memory_space<vmem>> -> memref<4x1024xf32, #tpu.memory_space<vmem>>
    tpu.wait_dma2 semaphore(%arg10 : memref<!tpu.dma_semaphore, #tpu.memory_space<semaphore_mem>>) src(%dma_wait3A_190 : memref<4x1024xf32, #tpu.memory_space<vmem>>) dst(%dma_wait3A_186 : memref<4x1024xf32, #tpu.memory_space<hbm>>)
    %dma_wait3A_191 = arith.constant 0 : i32
    %dma_wait3A_192 = arith.constant 1 : i32
    %dma_wait3A_193 = arith.constant 1 : i32
    %dma_wait3A_194 = arith.constant 0 : i32
    %dma_wait3A_195 = arith.constant 0 : i32
    %dma_wait3A_196 = tpu.memref_slice %arg6[%dma_wait3A_191, %dma_wait3A_192, %dma_wait3A_194, %dma_wait3A_195] : memref<2x4x4x1024xf32, #tpu.memory_space<vmem>> -> memref<1x1x4x1024xf32, #tpu.memory_space<vmem>>
    %dma_wait3A_197 = tpu.memref_squeeze %dma_wait3A_196 : memref<1x1x4x1024xf32, #tpu.memory_space<vmem>> -> memref<4x1024xf32, #tpu.memory_space<vmem>>
    %dma_wait3A_198 = arith.constant 0 : i32
    %dma_wait3A_199 = tpu.memref_slice %arg4[%dma_wait3A_193, %add3A_174, %dma_wait3A_198] : memref<4x8192x1024xf32, #tpu.memory_space<hbm>> -> memref<1x4x1024xf32, #tpu.memory_space<hbm>>
    %dma_wait3A_200 = tpu.memref_squeeze %dma_wait3A_199 : memref<1x4x1024xf32, #tpu.memory_space<hbm>> -> memref<4x1024xf32, #tpu.memory_space<hbm>>
    %dma_wait3A_201 = arith.constant 0 : i32
    %dma_wait3A_202 = tpu.memref_slice %arg4[%dma_wait3A_193, %add3A_174, %dma_wait3A_201] : memref<4x8192x1024xf32, #tpu.memory_space<hbm>> -> memref<1x4x1024xf32, #tpu.memory_space<hbm>>
    %dma_wait3A_203 = tpu.memref_squeeze %dma_wait3A_202 : memref<1x4x1024xf32, #tpu.memory_space<hbm>> -> memref<4x1024xf32, #tpu.memory_space<hbm>>
    %dma_wait3A_204 = arith.constant 0 : i32
    %dma_wait3A_205 = arith.constant 0 : i32
    %dma_wait3A_206 = tpu.memref_slice %arg6[%dma_wait3A_191, %dma_wait3A_192, %dma_wait3A_204, %dma_wait3A_205] : memref<2x4x4x1024xf32, #tpu.memory_space<vmem>> -> memref<1x1x4x1024xf32, #tpu.memory_space<vmem>>
    %dma_wait3A_207 = tpu.memref_squeeze %dma_wait3A_206 : memref<1x1x4x1024xf32, #tpu.memory_space<vmem>> -> memref<4x1024xf32, #tpu.memory_space<vmem>>
    tpu.wait_dma2 semaphore(%arg10 : memref<!tpu.dma_semaphore, #tpu.memory_space<semaphore_mem>>) src(%dma_wait3A_207 : memref<4x1024xf32, #tpu.memory_space<vmem>>) dst(%dma_wait3A_203 : memref<4x1024xf32, #tpu.memory_space<hbm>>)
    %dma_wait3A_208 = arith.constant 0 : i32
    %dma_wait3A_209 = arith.constant 2 : i32
    %dma_wait3A_210 = arith.constant 2 : i32
    %dma_wait3A_211 = arith.constant 0 : i32
    %dma_wait3A_212 = arith.constant 0 : i32
    %dma_wait3A_213 = tpu.memref_slice %arg6[%dma_wait3A_208, %dma_wait3A_209, %dma_wait3A_211, %dma_wait3A_212] : memref<2x4x4x1024xf32, #tpu.memory_space<vmem>> -> memref<1x1x4x1024xf32, #tpu.memory_space<vmem>>
    %dma_wait3A_214 = tpu.memref_squeeze %dma_wait3A_213 : memref<1x1x4x1024xf32, #tpu.memory_space<vmem>> -> memref<4x1024xf32, #tpu.memory_space<vmem>>
    %dma_wait3A_215 = arith.constant 0 : i32
    %dma_wait3A_216 = tpu.memref_slice %arg4[%dma_wait3A_210, %add3A_174, %dma_wait3A_215] : memref<4x8192x1024xf32, #tpu.memory_space<hbm>> -> memref<1x4x1024xf32, #tpu.memory_space<hbm>>
    %dma_wait3A_217 = tpu.memref_squeeze %dma_wait3A_216 : memref<1x4x1024xf32, #tpu.memory_space<hbm>> -> memref<4x1024xf32, #tpu.memory_space<hbm>>
    %dma_wait3A_218 = arith.constant 0 : i32
    %dma_wait3A_219 = tpu.memref_slice %arg4[%dma_wait3A_210, %add3A_174, %dma_wait3A_218] : memref<4x8192x1024xf32, #tpu.memory_space<hbm>> -> memref<1x4x1024xf32, #tpu.memory_space<hbm>>
    %dma_wait3A_220 = tpu.memref_squeeze %dma_wait3A_219 : memref<1x4x1024xf32, #tpu.memory_space<hbm>> -> memref<4x1024xf32, #tpu.memory_space<hbm>>
    %dma_wait3A_221 = arith.constant 0 : i32
    %dma_wait3A_222 = arith.constant 0 : i32
    %dma_wait3A_223 = tpu.memref_slice %arg6[%dma_wait3A_208, %dma_wait3A_209, %dma_wait3A_221, %dma_wait3A_222] : memref<2x4x4x1024xf32, #tpu.memory_space<vmem>> -> memref<1x1x4x1024xf32, #tpu.memory_space<vmem>>
    %dma_wait3A_224 = tpu.memref_squeeze %dma_wait3A_223 : memref<1x1x4x1024xf32, #tpu.memory_space<vmem>> -> memref<4x1024xf32, #tpu.memory_space<vmem>>
    tpu.wait_dma2 semaphore(%arg10 : memref<!tpu.dma_semaphore, #tpu.memory_space<semaphore_mem>>) src(%dma_wait3A_224 : memref<4x1024xf32, #tpu.memory_space<vmem>>) dst(%dma_wait3A_220 : memref<4x1024xf32, #tpu.memory_space<hbm>>)
    %dma_wait3A_225 = arith.constant 0 : i32
    %dma_wait3A_226 = arith.constant 3 : i32
    %dma_wait3A_227 = arith.constant 3 : i32
    %dma_wait3A_228 = arith.constant 0 : i32
    %dma_wait3A_229 = arith.constant 0 : i32
    %dma_wait3A_230 = tpu.memref_slice %arg6[%dma_wait3A_225, %dma_wait3A_226, %dma_wait3A_228, %dma_wait3A_229] : memref<2x4x4x1024xf32, #tpu.memory_space<vmem>> -> memref<1x1x4x1024xf32, #tpu.memory_space<vmem>>
    %dma_wait3A_231 = tpu.memref_squeeze %dma_wait3A_230 : memref<1x1x4x1024xf32, #tpu.memory_space<vmem>> -> memref<4x1024xf32, #tpu.memory_space<vmem>>
    %dma_wait3A_232 = arith.constant 0 : i32
    %dma_wait3A_233 = tpu.memref_slice %arg4[%dma_wait3A_227, %add3A_174, %dma_wait3A_232] : memref<4x8192x1024xf32, #tpu.memory_space<hbm>> -> memref<1x4x1024xf32, #tpu.memory_space<hbm>>
    %dma_wait3A_234 = tpu.memref_squeeze %dma_wait3A_233 : memref<1x4x1024xf32, #tpu.memory_space<hbm>> -> memref<4x1024xf32, #tpu.memory_space<hbm>>
    %dma_wait3A_235 = arith.constant 0 : i32
    %dma_wait3A_236 = tpu.memref_slice %arg4[%dma_wait3A_227, %add3A_174, %dma_wait3A_235] : memref<4x8192x1024xf32, #tpu.memory_space<hbm>> -> memref<1x4x1024xf32, #tpu.memory_space<hbm>>
    %dma_wait3A_237 = tpu.memref_squeeze %dma_wait3A_236 : memref<1x4x1024xf32, #tpu.memory_space<hbm>> -> memref<4x1024xf32, #tpu.memory_space<hbm>>
    %dma_wait3A_238 = arith.constant 0 : i32
    %dma_wait3A_239 = arith.constant 0 : i32
    %dma_wait3A_240 = tpu.memref_slice %arg6[%dma_wait3A_225, %dma_wait3A_226, %dma_wait3A_238, %dma_wait3A_239] : memref<2x4x4x1024xf32, #tpu.memory_space<vmem>> -> memref<1x1x4x1024xf32, #tpu.memory_space<vmem>>
    %dma_wait3A_241 = tpu.memref_squeeze %dma_wait3A_240 : memref<1x1x4x1024xf32, #tpu.memory_space<vmem>> -> memref<4x1024xf32, #tpu.memory_space<vmem>>
    tpu.wait_dma2 semaphore(%arg10 : memref<!tpu.dma_semaphore, #tpu.memory_space<semaphore_mem>>) src(%dma_wait3A_241 : memref<4x1024xf32, #tpu.memory_space<vmem>>) dst(%dma_wait3A_237 : memref<4x1024xf32, #tpu.memory_space<hbm>>)
    %add3A_242 = arith.constant 252 : i32
    %add3A_243 = arith.addi %mul3A_2, %add3A_242 : i32
    %dma_wait3A_244 = arith.constant 1 : i32
    %dma_wait3A_245 = arith.constant 0 : i32
    %dma_wait3A_246 = arith.constant 0 : i32
    %dma_wait3A_247 = arith.constant 0 : i32
    %dma_wait3A_248 = arith.constant 0 : i32
    %dma_wait3A_249 = tpu.memref_slice %arg6[%dma_wait3A_244, %dma_wait3A_245, %dma_wait3A_247, %dma_wait3A_248] : memref<2x4x4x1024xf32, #tpu.memory_space<vmem>> -> memref<1x1x4x1024xf32, #tpu.memory_space<vmem>>
    %dma_wait3A_250 = tpu.memref_squeeze %dma_wait3A_249 : memref<1x1x4x1024xf32, #tpu.memory_space<vmem>> -> memref<4x1024xf32, #tpu.memory_space<vmem>>
    %dma_wait3A_251 = arith.constant 0 : i32
    %dma_wait3A_252 = tpu.memref_slice %arg4[%dma_wait3A_246, %add3A_243, %dma_wait3A_251] : memref<4x8192x1024xf32, #tpu.memory_space<hbm>> -> memref<1x4x1024xf32, #tpu.memory_space<hbm>>
    %dma_wait3A_253 = tpu.memref_squeeze %dma_wait3A_252 : memref<1x4x1024xf32, #tpu.memory_space<hbm>> -> memref<4x1024xf32, #tpu.memory_space<hbm>>
    %dma_wait3A_254 = arith.constant 0 : i32
    %dma_wait3A_255 = tpu.memref_slice %arg4[%dma_wait3A_246, %add3A_243, %dma_wait3A_254] : memref<4x8192x1024xf32, #tpu.memory_space<hbm>> -> memref<1x4x1024xf32, #tpu.memory_space<hbm>>
    %dma_wait3A_256 = tpu.memref_squeeze %dma_wait3A_255 : memref<1x4x1024xf32, #tpu.memory_space<hbm>> -> memref<4x1024xf32, #tpu.memory_space<hbm>>
    %dma_wait3A_257 = arith.constant 0 : i32
    %dma_wait3A_258 = arith.constant 0 : i32
    %dma_wait3A_259 = tpu.memref_slice %arg6[%dma_wait3A_244, %dma_wait3A_245, %dma_wait3A_257, %dma_wait3A_258] : memref<2x4x4x1024xf32, #tpu.memory_space<vmem>> -> memref<1x1x4x1024xf32, #tpu.memory_space<vmem>>
    %dma_wait3A_260 = tpu.memref_squeeze %dma_wait3A_259 : memref<1x1x4x1024xf32, #tpu.memory_space<vmem>> -> memref<4x1024xf32, #tpu.memory_space<vmem>>
    tpu.wait_dma2 semaphore(%arg11 : memref<!tpu.dma_semaphore, #tpu.memory_space<semaphore_mem>>) src(%dma_wait3A_260 : memref<4x1024xf32, #tpu.memory_space<vmem>>) dst(%dma_wait3A_256 : memref<4x1024xf32, #tpu.memory_space<hbm>>)
    %dma_wait3A_261 = arith.constant 1 : i32
    %dma_wait3A_262 = arith.constant 1 : i32
    %dma_wait3A_263 = arith.constant 1 : i32
    %dma_wait3A_264 = arith.constant 0 : i32
    %dma_wait3A_265 = arith.constant 0 : i32
    %dma_wait3A_266 = tpu.memref_slice %arg6[%dma_wait3A_261, %dma_wait3A_262, %dma_wait3A_264, %dma_wait3A_265] : memref<2x4x4x1024xf32, #tpu.memory_space<vmem>> -> memref<1x1x4x1024xf32, #tpu.memory_space<vmem>>
    %dma_wait3A_267 = tpu.memref_squeeze %dma_wait3A_266 : memref<1x1x4x1024xf32, #tpu.memory_space<vmem>> -> memref<4x1024xf32, #tpu.memory_space<vmem>>
    %dma_wait3A_268 = arith.constant 0 : i32
    %dma_wait3A_269 = tpu.memref_slice %arg4[%dma_wait3A_263, %add3A_243, %dma_wait3A_268] : memref<4x8192x1024xf32, #tpu.memory_space<hbm>> -> memref<1x4x1024xf32, #tpu.memory_space<hbm>>
    %dma_wait3A_270 = tpu.memref_squeeze %dma_wait3A_269 : memref<1x4x1024xf32, #tpu.memory_space<hbm>> -> memref<4x1024xf32, #tpu.memory_space<hbm>>
    %dma_wait3A_271 = arith.constant 0 : i32
    %dma_wait3A_272 = tpu.memref_slice %arg4[%dma_wait3A_263, %add3A_243, %dma_wait3A_271] : memref<4x8192x1024xf32, #tpu.memory_space<hbm>> -> memref<1x4x1024xf32, #tpu.memory_space<hbm>>
    %dma_wait3A_273 = tpu.memref_squeeze %dma_wait3A_272 : memref<1x4x1024xf32, #tpu.memory_space<hbm>> -> memref<4x1024xf32, #tpu.memory_space<hbm>>
    %dma_wait3A_274 = arith.constant 0 : i32
    %dma_wait3A_275 = arith.constant 0 : i32
    %dma_wait3A_276 = tpu.memref_slice %arg6[%dma_wait3A_261, %dma_wait3A_262, %dma_wait3A_274, %dma_wait3A_275] : memref<2x4x4x1024xf32, #tpu.memory_space<vmem>> -> memref<1x1x4x1024xf32, #tpu.memory_space<vmem>>
    %dma_wait3A_277 = tpu.memref_squeeze %dma_wait3A_276 : memref<1x1x4x1024xf32, #tpu.memory_space<vmem>> -> memref<4x1024xf32, #tpu.memory_space<vmem>>
    tpu.wait_dma2 semaphore(%arg11 : memref<!tpu.dma_semaphore, #tpu.memory_space<semaphore_mem>>) src(%dma_wait3A_277 : memref<4x1024xf32, #tpu.memory_space<vmem>>) dst(%dma_wait3A_273 : memref<4x1024xf32, #tpu.memory_space<hbm>>)
    %dma_wait3A_278 = arith.constant 1 : i32
    %dma_wait3A_279 = arith.constant 2 : i32
    %dma_wait3A_280 = arith.constant 2 : i32
    %dma_wait3A_281 = arith.constant 0 : i32
    %dma_wait3A_282 = arith.constant 0 : i32
    %dma_wait3A_283 = tpu.memref_slice %arg6[%dma_wait3A_278, %dma_wait3A_279, %dma_wait3A_281, %dma_wait3A_282] : memref<2x4x4x1024xf32, #tpu.memory_space<vmem>> -> memref<1x1x4x1024xf32, #tpu.memory_space<vmem>>
    %dma_wait3A_284 = tpu.memref_squeeze %dma_wait3A_283 : memref<1x1x4x1024xf32, #tpu.memory_space<vmem>> -> memref<4x1024xf32, #tpu.memory_space<vmem>>
    %dma_wait3A_285 = arith.constant 0 : i32
    %dma_wait3A_286 = tpu.memref_slice %arg4[%dma_wait3A_280, %add3A_243, %dma_wait3A_285] : memref<4x8192x1024xf32, #tpu.memory_space<hbm>> -> memref<1x4x1024xf32, #tpu.memory_space<hbm>>
    %dma_wait3A_287 = tpu.memref_squeeze %dma_wait3A_286 : memref<1x4x1024xf32, #tpu.memory_space<hbm>> -> memref<4x1024xf32, #tpu.memory_space<hbm>>
    %dma_wait3A_288 = arith.constant 0 : i32
    %dma_wait3A_289 = tpu.memref_slice %arg4[%dma_wait3A_280, %add3A_243, %dma_wait3A_288] : memref<4x8192x1024xf32, #tpu.memory_space<hbm>> -> memref<1x4x1024xf32, #tpu.memory_space<hbm>>
    %dma_wait3A_290 = tpu.memref_squeeze %dma_wait3A_289 : memref<1x4x1024xf32, #tpu.memory_space<hbm>> -> memref<4x1024xf32, #tpu.memory_space<hbm>>
    %dma_wait3A_291 = arith.constant 0 : i32
    %dma_wait3A_292 = arith.constant 0 : i32
    %dma_wait3A_293 = tpu.memref_slice %arg6[%dma_wait3A_278, %dma_wait3A_279, %dma_wait3A_291, %dma_wait3A_292] : memref<2x4x4x1024xf32, #tpu.memory_space<vmem>> -> memref<1x1x4x1024xf32, #tpu.memory_space<vmem>>
    %dma_wait3A_294 = tpu.memref_squeeze %dma_wait3A_293 : memref<1x1x4x1024xf32, #tpu.memory_space<vmem>> -> memref<4x1024xf32, #tpu.memory_space<vmem>>
    tpu.wait_dma2 semaphore(%arg11 : memref<!tpu.dma_semaphore, #tpu.memory_space<semaphore_mem>>) src(%dma_wait3A_294 : memref<4x1024xf32, #tpu.memory_space<vmem>>) dst(%dma_wait3A_290 : memref<4x1024xf32, #tpu.memory_space<hbm>>)
    %dma_wait3A_295 = arith.constant 1 : i32
    %dma_wait3A_296 = arith.constant 3 : i32
    %dma_wait3A_297 = arith.constant 3 : i32
    %dma_wait3A_298 = arith.constant 0 : i32
    %dma_wait3A_299 = arith.constant 0 : i32
    %dma_wait3A_300 = tpu.memref_slice %arg6[%dma_wait3A_295, %dma_wait3A_296, %dma_wait3A_298, %dma_wait3A_299] : memref<2x4x4x1024xf32, #tpu.memory_space<vmem>> -> memref<1x1x4x1024xf32, #tpu.memory_space<vmem>>
    %dma_wait3A_301 = tpu.memref_squeeze %dma_wait3A_300 : memref<1x1x4x1024xf32, #tpu.memory_space<vmem>> -> memref<4x1024xf32, #tpu.memory_space<vmem>>
    %dma_wait3A_302 = arith.constant 0 : i32
    %dma_wait3A_303 = tpu.memref_slice %arg4[%dma_wait3A_297, %add3A_243, %dma_wait3A_302] : memref<4x8192x1024xf32, #tpu.memory_space<hbm>> -> memref<1x4x1024xf32, #tpu.memory_space<hbm>>
    %dma_wait3A_304 = tpu.memref_squeeze %dma_wait3A_303 : memref<1x4x1024xf32, #tpu.memory_space<hbm>> -> memref<4x1024xf32, #tpu.memory_space<hbm>>
    %dma_wait3A_305 = arith.constant 0 : i32
    %dma_wait3A_306 = tpu.memref_slice %arg4[%dma_wait3A_297, %add3A_243, %dma_wait3A_305] : memref<4x8192x1024xf32, #tpu.memory_space<hbm>> -> memref<1x4x1024xf32, #tpu.memory_space<hbm>>
    %dma_wait3A_307 = tpu.memref_squeeze %dma_wait3A_306 : memref<1x4x1024xf32, #tpu.memory_space<hbm>> -> memref<4x1024xf32, #tpu.memory_space<hbm>>
    %dma_wait3A_308 = arith.constant 0 : i32
    %dma_wait3A_309 = arith.constant 0 : i32
    %dma_wait3A_310 = tpu.memref_slice %arg6[%dma_wait3A_295, %dma_wait3A_296, %dma_wait3A_308, %dma_wait3A_309] : memref<2x4x4x1024xf32, #tpu.memory_space<vmem>> -> memref<1x1x4x1024xf32, #tpu.memory_space<vmem>>
    %dma_wait3A_311 = tpu.memref_squeeze %dma_wait3A_310 : memref<1x1x4x1024xf32, #tpu.memory_space<vmem>> -> memref<4x1024xf32, #tpu.memory_space<vmem>>
    tpu.wait_dma2 semaphore(%arg11 : memref<!tpu.dma_semaphore, #tpu.memory_space<semaphore_mem>>) src(%dma_wait3A_311 : memref<4x1024xf32, #tpu.memory_space<vmem>>) dst(%dma_wait3A_307 : memref<4x1024xf32, #tpu.memory_space<hbm>>)
    return
  }
}

</mosaic_0001>

<sc_bundles>
// kernel: kernel.3.cloned.1.call-start
scs
__scs_entry_jumppad:
0x0: {  	(pc) =	sbr.rel $0x88, $3  }
0x1: {  	(tag) =	ssettag $0x0;
	lr =	simm.s32 $0x1  }
0x2: {  	[smem:$0x3F9F] =	sst lr;
	_ =	strace $0xD0000000  }
0x3: {  	_ = 	snop  }
0x4: {  	_ = 	snop  }
0x5: {  	_ = 	snop  }
0x6: {  	_ = 	snop  }
0x7: {  	_ = 	snop  }
__scs_overlays_trampoline_lowered:
0x8: {  	[smem:$0x3FAE] =	sst s0  }
0x9: {  	[smem:$0x3FAF] =	sst s1  }
0xa: {  	[smem:$0x3FB0] =	sst s2  }
0xb: {  	[smem:$0x3FB1] =	sst s3  }
0xc: {  	[smem:$0x3FB2] =	sst s4  }
0xd: {  	[smem:$0x3FB3] =	sst s5  }
0xe: {  	[smem:$0x3FB4] =	sst s6  }
0xf: {  	[smem:$0x3FB5] =	sst s7  }
0x10: {  	[smem:$0x3FB6] =	sst s8  }
0x11: {  	[smem:$0x3FB7] =	sst s9;
	s0 =	simm.s32 @!p0 $0x0  }
0x12: {  	s1 =	sld [smem:$0x3F9D];
	s0 =	simm.s32 @p0 $0x1  }
0x13: {  	[smem:$0x3FB8] =	sst s0;
	s0 =	simm.s32 @!p1 $0x0  }
0x14: {  	s2 =	sld [smem:$0x3F9C];
	s0 =	simm.s32 @p1 $0x1  }
0x15: {  	[smem:$0x3FB9] =	sst s0;
	s0 =	simm.s32 @!p2 $0x0  }
0x16: {  	s3 =	sld [smem:$0x3FDB];
	s0 =	simm.s32 @p2 $0x1  }
0x17: {  	s4 =	simm.s32 $0x1BF5;
	[smem:$0x3FBB] =	sst s0  }
0x18: {  	s0 =	sld [smem:$0x3F9E];
	_ =	swait.ge [sflag:s4], $0x0  }
0x19: {  	s7 =	sld [smem:$0x3F9F]  }
0x1a: {  	s8 =	sadd.s32 $0xFFFFE003, lr  }
0x1b: {  	s9 =	sadd.s32 $0xFFFFFEF7, lr;
	s5 =	simm.s32 $0xFFFFFFFF;
	p2 =	slt.u32 s8, $0xFFFFF086  }
0x1c: {  	p1 =	slt.u32 s9, $0xF7A;
	s5 =	simm.s32 @!p2 $0x0  }
0x1d: {  	s5 =	simm.s32 @p1 $0x1;
	p0 =	seq.s32 s7, s2  }
0x1e: {  	s7 =	smul.u32 @!p0 $0xF7A, s2;
	p2 =	seq.s32 @!p0 s5, $0x0  }
0x1f: {  	s9 =	smul.u32 $0xF7A, s1;
	s8 =	simm.s32 @!p0 $0x1BF5;
	p2 =	por !p2, p0  }
0x20: {  	[sflag:s8] =	ssyncset.s32 @!p0 $0xFFFFF086;
	s6 =	sadd.s32 @!p0 s3, s7;
	s7 =	simm.s32 @!p0 $0x108  }
0x21: {  	s3 =	sadd.s32 s3, s9;
	s6 =	sadd.s32 @!p0 $0x88, s6;
	s7 =	simm.s32 @p2 $0x1082  }
0x22: {  	[simem:s7], [sflag:s8] =	dma.local @!p0 [hbm:s6], $0xF7A  }
0x23: {  	s9 =	sor.u32 $0xD0000000, s2;
	s6 =	simm.s32 $0x108;
	_ =	swait.ge @!p0 [sflag:s8], $0x0  }
0x24: {  	s3 =	sadd.s32 $0x88, s3;
	s6 =	simm.s32 @!p1 $0x1082;
	[sflag:s4] =	ssyncset.s32 $0xFFFFF086  }
0x25: {  	[simem:s6], [sflag:s4] =	dma.local [hbm:s3], $0xF7A  }
0x26: {  	[smem:$0x3F9F] =	sst s1;
	(tag) =	ssettag s2;
	_ =	strace s9  }
0x27: {  	s1 =	sld [smem:$0x3FAF]  }
0x28: {  	s2 =	sld [smem:$0x3FB0]  }
0x29: {  	s4 =	sld [smem:$0x3FB2]  }
0x2a: {  	p0 =	seq.s32 s5, $0x0;
	s5 =	sld [smem:$0x3FB3]  }
0x2b: {  	s6 =	sld [smem:$0x3FB4]  }
0x2c: {  	s7 =	sld [smem:$0x3FB5]  }
0x2d: {  	s3 =	simm.s32 $0x108;
	s8 =	sld [smem:$0x3FB6]  }
0x2e: {  	s3 =	simm.s32 @!p0 $0x1082;
	s9 =	sld [smem:$0x3FB7]  }
0x2f: {  	lr =	sadd.s32 s0, s3;
	s0 =	sld [smem:$0x3FAE]  }
0x30: {  	s3 =	sld [smem:$0x3FB1]  }
0x31: {  	[smem:$0x3FBA] =	sst s10  }
0x32: {  	s10 =	sld [smem:$0x3FB8];
	_ =	sdelay $0x3  }
0x33: {  	p0 =	seq.s32 s10, $0x1;
	s10 =	sld [smem:$0x3FBA];
	_ =	sdelay $0x3  }
0x34: {  	[smem:$0x3FBA] =	sst s10  }
0x35: {  	s10 =	sld [smem:$0x3FB9];
	_ =	sdelay $0x3  }
0x36: {  	p1 =	seq.s32 s10, $0x1;
	s10 =	sld [smem:$0x3FBA];
	_ =	sdelay $0x3  }
0x37: {  	[smem:$0x3FBA] =	sst s10  }
0x38: {  	s10 =	sld [smem:$0x3FBB]  }
0x39: {  	_ = 	snop;
	(pc) =	sbr.ind lr, $3  }
0x3a: {  	_ = 	snop  }
0x3b: {  	_ = 	snop  }
0x3c: {  	p2 =	seq.s32 s10, $0x1;
	s10 =	sld [smem:$0x3FBA]  }
0x3d: {  	_ =	shalt  }
0x3e: {  	_ =	shalt  }
0x3f: {  	_ =	shalt  }
0x40: {  	_ =	shalt  }
0x41: {  	_ =	shalt  }
0x42: {  	_ =	shalt  }
0x43: {  	_ =	shalt  }
0x44: {  	_ =	shalt  }
0x45: {  	_ =	shalt  }
0x46: {  	_ =	shalt  }
0x47: {  	_ =	shalt  }
0x48: {  	_ =	shalt  }
0x49: {  	_ =	shalt  }
0x4a: {  	_ =	shalt  }
0x4b: {  	_ =	shalt  }
0x4c: {  	_ =	shalt  }
0x4d: {  	_ =	shalt  }
0x4e: {  	_ =	shalt  }
0x4f: {  	_ =	shalt  }
0x50: {  	_ =	shalt  }
0x51: {  	_ =	shalt  }
0x52: {  	_ =	shalt  }
0x53: {  	_ =	shalt  }
0x54: {  	_ =	shalt  }
0x55: {  	_ =	shalt  }
0x56: {  	_ =	shalt  }
0x57: {  	_ =	shalt  }
0x58: {  	_ =	shalt  }
0x59: {  	_ =	shalt  }
0x5a: {  	_ =	shalt  }
0x5b: {  	_ =	shalt  }
0x5c: {  	_ =	shalt  }
0x5d: {  	_ =	shalt  }
0x5e: {  	_ =	shalt  }
0x5f: {  	_ =	shalt  }
0x60: {  	_ =	shalt  }
0x61: {  	_ =	shalt  }
0x62: {  	_ =	shalt  }
0x63: {  	_ =	shalt  }
0x64: {  	_ =	shalt  }
0x65: {  	_ =	shalt  }
0x66: {  	_ =	shalt  }
0x67: {  	_ =	shalt  }
0x68: {  	_ =	shalt  }
0x69: {  	_ =	shalt  }
0x6a: {  	_ =	shalt  }
0x6b: {  	_ =	shalt  }
0x6c: {  	_ =	shalt  }
0x6d: {  	_ =	shalt  }
0x6e: {  	_ =	shalt  }
0x6f: {  	_ =	shalt  }
0x70: {  	_ =	shalt  }
0x71: {  	_ =	shalt  }
0x72: {  	_ =	shalt  }
0x73: {  	_ =	shalt  }
0x74: {  	_ =	shalt  }
0x75: {  	_ =	shalt  }
0x76: {  	_ =	shalt  }
0x77: {  	_ =	shalt  }
0x78: {  	_ =	shalt  }
0x79: {  	_ =	shalt  }
0x7a: {  	_ =	shalt  }
0x7b: {  	_ =	shalt  }
0x7c: {  	_ =	shalt  }
0x7d: {  	_ =	shalt  }
0x7e: {  	_ =	shalt  }
0x7f: {  	_ =	shalt  }
0x80: {  	_ =	shalt  }
0x81: {  	_ =	shalt  }
0x82: {  	_ =	shalt  }
0x83: {  	_ =	shalt  }
0x84: {  	_ =	shalt  }
0x85: {  	_ =	shalt  }
0x86: {  	_ =	shalt  }
0x87: {  	_ =	shalt  }
.Lfunc_end0:
.L_simem_size_0:
called_computation_lowered:
.L_overlay_start_0:
0x88: {  	s2 =	sld [smem:$0x3FD9]  }
0x89: {  	s3 =	sld [smem:$0x3FFE];
	_ =	sdelay $0x1  }
0x8a: {  	s1 =	srdreg.scid  }
0x8b: {  	s0 =	sand.u32 $0x1, s1  }
0x8c: {  	s18 =	sshll.u32 s0, $0xA;
	s2 =	sadd.s32 s3, s2  }
0x8d: {  	s2 =	sadd.s32 s2, s18  }
0x8e: {  	[smem:$0x3FC6] =	sst s2  }
0x8f: {  	_ = 	snop  }
0x90: {  	s2 =	sld [smem:$0x3FC9]  }
0x91: {  	s19 =	sld [smem:$0x3FC8]  }
0x92: {  	s4 =	sld [smem:$0x3FD0];
	(tm) =	ssettm $0x1  }
0x93: {  	s5 =	sld [smem:$0x3FFB];
	_ =	sdelay $0x3  }
0x94: {  	_ =	strace s5  }
0x95: {  	s5 =	sld [smem:$0x3FFC];
	_ =	sdelay $0x3  }
0x96: {  	_ =	strace s5  }
0x97: {  	s5 =	sld [smem:$0x3FFD];
	_ =	sdelay $0x3  }
0x98: {  	_ =	strace s5  }
0x99: {  	_ =	strace $0x8FFFFFFF  }
0x9a: {  	s20 =	sld [smem:$0x3FDB];
	_ =	sdelay $0x1  }
0x9b: {  	s6 =	simm.s32 $_scs_section_size  }
0x9c: {  	s7 =	simm.s32 $_size__tile_overlayer_lowered;
	s8 =	simm.s32 $_tile_overlayer_lowered  }
0x9d: {  	s23 =	simm.s32 $0x1BFF;
	s22 =	sshll.u32 s8, $0x1;
	s5 =	sadd.s32 s6, s20  }
0x9e: {  	s9 =	simm.s32 $0x0;
	s21 =	sshll.u32 s7, $0x1;
	s7 =	sadd.s32 s22, s5  }
0x9f: {  	[timem:s9], [sflag:s23] =	dma.local [hbm:s7], s21  }
0xa0: {  	_ =	swait.ge [sflag:s23], s21  }
0xa1: {  	s6 =	ssub.s32 $0x0, s21;
	[sflag:s23] =	ssyncset.done $0x0  }
0xa2: {  	[sflag:s23] =	ssyncadd.s32 s6;
	_ =	sdelay $0x1  }
0xa3: {  	s24 =	simm.s32 $0x1B8B  }
0xa4: {  	_ =	swait.ge [sflag:s24], $0x1  }
0xa5: {  	[sflag:s24] =	ssyncset.done $0x0  }
0xa6: {  	s25 =	simm.s32 $0x1B8E;
	[sflag:s24] =	ssyncadd.s32 $0xFFFFFFFF  }
0xa7: {  	s26 =	simm.s32 $execute0_lowered;
	[smem:$0x3FD2] =	sst s25  }
0xa8: {  	s6 =	sshll.u32 s26, $0x1;
	_ =	strace $0x80000046;
	[dreg:$0x1] =	wrdreg $0xFFFFFFFF  }
0xa9: {  	s28 =	simm.s32 $_size_execute0_lowered;
	s5 =	sadd.s32 s5, s6;
	[dreg:$0x0] =	wrdreg $0x0  }
0xaa: {  	s6 =	sshll.u32 s28, $0x1;
	[dreg:$0x2] =	wrdreg s5  }
0xab: {  	[dreg:$0x3] =	wrdreg s6  }
0xac: {  	[dreg:$0x4] =	wrdreg $0xC0  }
0xad: {  	_ =	task [dreg:s9], $0x5FFFF  }
0xae: {  	[dreg:$0x1] =	wrdreg $0xFFFFFFFF  }
0xaf: {  	[dreg:$0x0] =	wrdreg $0x60  }
0xb0: {  	[dreg:$0x2] =	wrdreg s2  }
0xb1: {  	[dreg:$0x3] =	wrdreg s19  }
0xb2: {  	[dreg:$0x4] =	wrdreg s4  }
0xb3: {  	[dreg:$0x5] =	wrdreg $0x9  }
0xb4: {  	_ =	task.clear_ibuf [dreg:s9], $0x6FFFF;
	_ =	strace $0x90000046  }
0xb5: {  	s29 =	simm.s32 $0x9;
	_ =	strace $0x80000048  }
0xb6: {  	_ =	swait.ge [sflag:s29], $0x1  }
0xb7: {  	[sflag:s29] =	ssyncadd.s32 $0xFFFFFFFF  }
0xb8: {  	_ =	strace $0x90000048  }
0xb9: {  	_ =	sfence  }
0xba: {  	s30 =	sld [smem:$0x0];
	_ =	sdelay $0x2  }
0xbb: {  	s31 =	sshll.u32 s1, $0xD;
	s1 =	sshrl.u32 s1, $0x2  }
0xbc: {  	s3 =	sand.u32 $0x4000, s31;
	s1 =	sadd.s32 s1, s30  }
0xbd: {  	s0 =	sor.u32 s3, s0;
	s1 =	sshll.u32 s1, $0x11  }
0xbe: {  	s0 =	sor.u32 s1, s0  }
0xbf: {  	s0 =	sadd.s32 $0x8F2B, s0  }
0xc0: {  	[sflag:s0] =	ssyncadd.remote.s32 $0x1  }
0xc1: {  	_ =	sfence.sel $0xFFFF  }
0xc2: {  	[dreg:$0x0] =	wrdreg $0xFFFFFFFF;
	(pc) =	sbr.abs _section_cstart, $3  }
0xc3: {  	[dreg:$0x1] =	wrdreg $0xFFFFFFFF  }
0xc4: {  	_ =	task.clear_ibuf [dreg:s9], $0x2FFFF;
	_ =	strace $0x9FFFFFFF  }
0xc5: {  	(tm) =	ssettm $0x7FFFFFFF  }
tec
execute0_lowered:
.L_overlay_start_1:
0x0: {  	(tag) =	ssettag $0x1  }
0x1: {  	s1 =	rddreg [dreg:$0x0]  }
0x2: {  	s3 =	rddreg [dreg:$0x1]  }
0x3: {  	s4 =	rddreg [dreg:$0x2];
	s0 =	srdreg.scid  }
0x4: {  	s2 =	stileid.u32;
	s6 =	simm.s32 $0x0;
	s31 =	simm.s32 $0x6000  }
0x5: {  	s28 =	simm.s32 $0xB000;
	s9 =	simm.s32 $0xC000;
	s10 =	simm.s32 $0xD000  }
0x6: {  	s11 =	simm.s32 $0xE000;
	s12 =	simm.s32 $0xF000;
	s0 =	sand.u32 $0x1, s0  }
0x7: {  	s14 =	simm.s32 $0x0;
	s2 =	sshll.u32 s2, $0x9;
	s5 =	sshll.u32 s0, $0x8  }
0x8: {  	[smem:$0x7FF] =	sst s6;
	s0 =	ssub.s32 $0x2, s0;
	s2 =	sor.u32 s5, s2  }
0x9: {  	s18 =	sadd.s32 $0x300000, s4;
	s19 =	sshrl.u32 s0, $0x1;
	s7 =	sshll.u32 s2, $0x7  }
0xa: {  	_ =	strace $0x80000047;
	s0 =	ssub.s32 s0, s19;
	s23 =	sadd.s32 s3, s7  }
0xb: {  	s6 =	sshll.u32 s2, $0xA;
	s8 =	sadd.s32 s1, s7;
	[dreg:$0x8] =	wrdreg s23  }
0xc: {  	s17 =	sshrl.u32 s2, $0x3;
	s0 =	smax.u32 s0, $0x1;
	[dreg:$0x4] =	wrdreg s8  }
0xd: {  	s2 =	simm.s32 $0x11000;
	s20 =	sadd.s32 $0x100000, s8;
	[dreg:$0xe] =	wrdreg s0  }
0xe: {  	s24 =	sor.u32 $0x40, s7;
	s21 =	sadd.s32 $0x200000, s8;
	[dreg:$0x5] =	wrdreg s20  }
0xf: {  	s19 =	sor.u32 $0x2000, s6;
	s22 =	sadd.s32 $0x300000, s8;
	[dreg:$0x6] =	wrdreg s21  }
0x10: {  	s25 =	sadd.s32 $0x100040, s8;
	s26 =	sadd.s32 s1, s24;
	[dreg:$0x7] =	wrdreg s22  }
0x11: {  	s29 =	sadd.s32 $0x200040, s8;
	s30 =	sadd.s32 $0x300040, s8;
	[dreg:$0x9] =	wrdreg s25  }
.Ltmp0:
0x12: {  	s5 =	sadd.s32 s3, s24;
	[dreg:$0xa] =	wrdreg s26;
	(pc) =	sbr.rel .LBB2_1-.Ltmp0, $4  }
0x13: {  	s23 =	simm.s32 $0x400;
	s0 =	simm.s32 $0x7000;
	[dreg:$0xb] =	wrdreg s29  }
0x14: {  	s24 =	simm.s32 $0x8000;
	s8 =	simm.s32 $0x2;
	[dreg:$0xc] =	wrdreg s30  }
0x15: {  	[dreg:$0xd] =	wrdreg s5;
	s20 =	sadd.s32 $0x40, s4;
	s22 =	simm.s32 $0x200  }
0x16: {  	s5 =	simm.s32 $0x1;
	s25 =	simm.s32 $0x9000;
	s26 =	simm.s32 $0xA000  }
.LBB2_8:
0x17: {  	s7 =	simm.s32 $0x3  }
0x18: {  	_ =	swait.ge [sflag:s7], $0x1000  }
0x19: {  	[sflag:s7] =	ssyncset.done $0x0  }
0x1a: {  	[sflag:s7] =	ssyncadd.s32 $0xFFFFF000  }
0x1b: {  	_ =	swait.ge [sflag:s7], $0x1000  }
0x1c: {  	[sflag:s7] =	ssyncset.done $0x0  }
0x1d: {  	[sflag:s7] =	ssyncadd.s32 $0xFFFFF000  }
0x1e: {  	_ =	swait.ge [sflag:s7], $0x1000  }
0x1f: {  	[sflag:s7] =	ssyncset.done $0x0  }
0x20: {  	[sflag:s7] =	ssyncadd.s32 $0xFFFFF000  }
0x21: {  	_ =	swait.ge [sflag:s7], $0x1000  }
0x22: {  	[sflag:s7] =	ssyncset.done $0x0  }
0x23: {  	s13 =	simm.s32 $0x4;
	[sflag:s7] =	ssyncadd.s32 $0xFFFFF000  }
0x24: {  	_ =	swait.ge [sflag:s13], $0x1000  }
0x25: {  	[sflag:s13] =	ssyncset.done $0x0  }
0x26: {  	[sflag:s13] =	ssyncadd.s32 $0xFFFFF000  }
0x27: {  	_ =	swait.ge [sflag:s13], $0x1000  }
0x28: {  	[sflag:s13] =	ssyncset.done $0x0  }
0x29: {  	[sflag:s13] =	ssyncadd.s32 $0xFFFFF000  }
0x2a: {  	_ =	swait.ge [sflag:s13], $0x1000  }
0x2b: {  	[sflag:s13] =	ssyncset.done $0x0  }
0x2c: {  	[sflag:s13] =	ssyncadd.s32 $0xFFFFF000  }
0x2d: {  	_ =	swait.ge [sflag:s13], $0x1000  }
0x2e: {  	s14 =	rddreg [dreg:$0xf]  }
0x2f: {  	s30 =	rddreg [dreg:$0xe];
	s14 =	sadd.s32 $0x1, s14  }
0x30: {  	p0 =	sne.s32 s14, s30  }
.Ltmp1:
0x31: {  	_ = 	snop;
	(pc) =	sbr.rel @!p0 .LBB2_9-.Ltmp1, $3  }
0x32: {  	_ =	sdelay $0x1  }
0x33: {  	[sflag:s13] =	ssyncset.done $0x0  }
0x34: {  	[sflag:s13] =	ssyncadd.s32 $0xFFFFF000  }
.LBB2_1:
0x35: {  	[dreg:$0xf] =	wrdreg s14  }
0x36: {  	s7 =	simm.s32 $0x0;
	s13 =	rddreg [dreg:$0x4]  }
0x37: {  	[tilespmem:s7], [sflag:$0x1] =	stream.strided.gather [hbm4b:s13+s22], $0x1000, s23, s22, $0x38;
	[tilespmem:$0x12000] =	vst v63  }
0x38: {  	s29 =	rddreg [dreg:$0x5];
	s30 =	simm.s32 $0x1000  }
0x39: {  	[tilespmem:s30], [sflag:$0x1] =	stream.strided.gather [hbm4b:s29+s22], $0x1000, s23, s22, $0x38;
	[tilespmem:$0x12000] =	vst v63  }
0x3a: {  	s14 =	rddreg [dreg:$0x6];
	s15 =	simm.s32 $0x2000  }
0x3b: {  	[tilespmem:s15], [sflag:$0x1] =	stream.strided.gather [hbm4b:s14+s22], $0x1000, s23, s22, $0x38;
	[tilespmem:$0x12000] =	vst v63  }
0x3c: {  	s16 =	rddreg [dreg:$0x7];
	s21 =	simm.s32 $0x3000  }
0x3d: {  	[tilespmem:s21], [sflag:$0x1] =	stream.strided.gather [hbm4b:s16+s22], $0x1000, s23, s22, $0x38;
	[tilespmem:$0x12000] =	vst v63  }
0x3e: {  	s29 =	rddreg [dreg:$0x8];
	s30 =	simm.s32 $0x10000  }
0x3f: {  	[tilespmem:s30], [sflag:$0x1] =	stream.strided.gather [hbm4b:s29+s22], $0x1000, s23, s22, $0x38;
	[tilespmem:$0x12000] =	vst v63  }
0x40: {  	s13 =	rddreg [dreg:$0xa];
	s14 =	simm.s32 $0x4000  }
0x41: {  	[tilespmem:s14], [sflag:$0x2] =	stream.strided.gather [hbm4b:s13+s22], $0x1000, s23, s22, $0x38;
	[tilespmem:$0x12000] =	vst v63  }
0x42: {  	s15 =	rddreg [dreg:$0x9];
	s16 =	simm.s32 $0x5000  }
0x43: {  	[tilespmem:s16], [sflag:$0x2] =	stream.strided.gather [hbm4b:s15+s22], $0x1000, s23, s22, $0x38;
	[tilespmem:$0x12000] =	vst v63  }
0x44: {  	s21 =	rddreg [dreg:$0xb]  }
0x45: {  	[tilespmem:s31], [sflag:$0x2] =	stream.strided.gather [hbm4b:s21+s22], $0x1000, s23, s22, $0x38;
	[tilespmem:$0x12000] =	vst v63  }
0x46: {  	s29 =	rddreg [dreg:$0xc]  }
0x47: {  	[tilespmem:s0], [sflag:$0x2] =	stream.strided.gather [hbm4b:s29+s22], $0x1000, s23, s22, $0x38;
	[tilespmem:$0x12000] =	vst v63  }
0x48: {  	s30 =	rddreg [dreg:$0xd];
	s16 =	simm.s32 $0x0  }
0x49: {  	[tilespmem:s2], [sflag:$0x2] =	stream.strided.gather [hbm4b:s30+s22], $0x1000, s23, s22, $0x38;
	[tilespmem:$0x12000] =	vst v63  }
.LBB2_2:
0x4a: {  	_ =	swait.ge [sflag:s5], $0x1000  }
0x4b: {  	[sflag:s5] =	ssyncset.done $0x0  }
0x4c: {  	[sflag:s5] =	ssyncadd.s32 $0xFFFFF000  }
0x4d: {  	_ =	swait.ge [sflag:s5], $0x1000  }
0x4e: {  	[sflag:s5] =	ssyncset.done $0x0  }
0x4f: {  	[sflag:s5] =	ssyncadd.s32 $0xFFFFF000  }
0x50: {  	_ =	swait.ge [sflag:s5], $0x1000  }
0x51: {  	[sflag:s5] =	ssyncset.done $0x0  }
0x52: {  	[sflag:s5] =	ssyncadd.s32 $0xFFFFF000  }
0x53: {  	_ =	swait.ge [sflag:s5], $0x1000  }
0x54: {  	[sflag:s5] =	ssyncset.done $0x0  }
0x55: {  	[sflag:s5] =	ssyncadd.s32 $0xFFFFF000  }
0x56: {  	_ =	swait.ge [sflag:s5], $0x1000  }
0x57: {  	p0 =	seq.s32 s16, $0x0;
	[sflag:s5] =	ssyncset.done $0x0  }
0x58: {  	s7 =	simm.s32 @!p0 $0x3;
	[sflag:s5] =	ssyncadd.s32 $0xFFFFF000  }
0x59: {  	_ =	swait.ge @!p0 [sflag:s7], $0x1000  }
0x5a: {  	[sflag:s7] =	ssyncset.done @!p0 $0x0  }
0x5b: {  	[sflag:s7] =	ssyncadd.s32 @!p0 $0xFFFFF000  }
0x5c: {  	_ =	swait.ge @!p0 [sflag:s7], $0x1000  }
0x5d: {  	[sflag:s7] =	ssyncset.done @!p0 $0x0  }
0x5e: {  	[sflag:s7] =	ssyncadd.s32 @!p0 $0xFFFFF000  }
0x5f: {  	_ =	swait.ge @!p0 [sflag:s7], $0x1000  }
0x60: {  	[sflag:s7] =	ssyncset.done @!p0 $0x0  }
0x61: {  	[sflag:s7] =	ssyncadd.s32 @!p0 $0xFFFFF000  }
0x62: {  	s13 =	simm.s32 $0x0;
	_ =	swait.ge @!p0 [sflag:s7], $0x1000  }
0x63: {  	s14 =	sand.u32 $0x70, s13;
	s13 =	sand.u32 $0xE00, s13;
	[sflag:s7] =	ssyncset.done @!p0 $0x0  }
0x64: {  	s13 =	sor.u32 s14, s13;
	[sflag:s7] =	ssyncadd.s32 @!p0 $0xFFFFF000  }
0x65: {  	v0 =	vld [tilespmem:s13+$0x10180]  }
0x66: {  	v1 =	vld [tilespmem:s13+$0x3180]  }
0x67: {  	v2 =	vld [tilespmem:s13+$0x10000]  }
0x68: {  	v3 =	vld [tilespmem:s13+$0x0]  }
0x69: {  	v4 =	vld [tilespmem:s13+$0x1000]  }
0x6a: {  	v5 =	vld [tilespmem:s13+$0x2000]  }
0x6b: {  	v6 =	vld [tilespmem:s13+$0x3000]  }
0x6c: {  	v7 =	vld [tilespmem:s13+$0x10080]  }
0x6d: {  	v8 =	vld [tilespmem:s13+$0x80];
	v1 =	vadd.f32 v1, v0  }
0x6e: {  	v9 =	vld [tilespmem:s13+$0x1080];
	v3 =	vadd.f32 v3, v2  }
0x6f: {  	[tilespmem:s13+$0xB180] =	vst v1;
	v1 =	vadd.f32 v4, v2;
	v4 =	vld [tilespmem:s13+$0x2080]  }
0x70: {  	[tilespmem:s13+$0x8000] =	vst v3;
	v3 =	vadd.f32 v5, v2;
	v5 =	vld [tilespmem:s13+$0x3080];
	v2 =	vadd.f32 v6, v2  }
0x71: {  	v6 =	vld [tilespmem:s13+$0x100];
	[tilespmem:s13+$0x9000] =	vst v1  }
0x72: {  	v1 =	vld [tilespmem:s13+$0x10100];
	[tilespmem:s13+$0xB000] =	vst v2;
	v2 =	vadd.f32 v8, v7  }
0x73: {  	[tilespmem:s13+$0xA000] =	vst v3;
	v8 =	vld [tilespmem:s13+$0x1100]  }
0x74: {  	v3 =	vld [tilespmem:s13+$0x2100];
	[tilespmem:s13+$0x8080] =	vst v2;
	v2 =	vadd.f32 v4, v7  }
0x75: {  	v4 =	vld [tilespmem:s13+$0x3100];
	v5 =	vadd.f32 v5, v7  }
0x76: {  	s21 =	sshll.u32 s16, $0xD;
	s30 =	simm.s32 $0x10;
	s15 =	simm.s32 $0x40;
	v9 =	vadd.f32 v9, v7;
	[tilespmem:s13+$0xA080] =	vst v2;
	v2 =	vld [tilespmem:s13+$0x180]  }
0x77: {  	s29 =	sand.u32 $0x70, s30;
	s30 =	sand.u32 $0xE00, s15;
	s14 =	sor.u32 s17, s16;
	[tilespmem:s13+$0xB080] =	vst v5;
	v5 =	vld [tilespmem:s13+$0x1180];
	v7 =	vadd.f32 v6, v1  }
0x78: {  	s7 =	sshll.u32 s14, $0xA;
	s14 =	sor.u32 s29, s30;
	s29 =	simm.s32 $0x20;
	[tilespmem:s13+$0x9080] =	vst v9;
	v8 =	vadd.f32 v8, v1;
	v6 =	vld [tilespmem:s13+$0x2180]  }
.LBB2_3:
0x79: {  	p1 =	sne.s32 s29, $0x3F0;
	v9 =	vld [tilespmem:s14+$0x10180];
	[tilespmem:s13+$0x8100] =	vst v7;
	v3 =	vadd.f32 v3, v1  }
0x7a: {  	v7 =	vld [tilespmem:s14+$0x3180];
	[tilespmem:s13+$0x9100] =	vst v8;
	v1 =	vadd.f32 v4, v1  }
0x7b: {  	v4 =	vld [tilespmem:s14+$0x10000];
	[tilespmem:s13+$0xA100] =	vst v3;
	v2 =	vadd.f32 v2, v0  }
0x7c: {  	v3 =	vld [tilespmem:s14+$0x0];
	[tilespmem:s13+$0xB100] =	vst v1;
	v1 =	vadd.f32 v5, v0  }
0x7d: {  	v5 =	vld [tilespmem:s14+$0x1000];
	[tilespmem:s13+$0x8180] =	vst v2;
	v2 =	vadd.f32 v6, v0  }
0x7e: {  	v6 =	vld [tilespmem:s14+$0x2000];
	[tilespmem:s13+$0x9180] =	vst v1;
	v0 =	vmov v9  }
0x7f: {  	v1 =	vld [tilespmem:s14+$0x3000];
	v7 =	vadd.f32 v7, v0;
	[tilespmem:s13+$0xA180] =	vst v2;
	s13 =	smov.u32 s14  }
0x80: {  	v2 =	vld [tilespmem:s13+$0x10080]  }
0x81: {  	v3 =	vadd.f32 v3, v4;
	v8 =	vld [tilespmem:s13+$0x80];
	[tilespmem:s13+$0xB180] =	vst v7  }
0x82: {  	v5 =	vadd.f32 v5, v4;
	v7 =	vld [tilespmem:s13+$0x1080]  }
0x83: {  	[tilespmem:s13+$0x8000] =	vst v3;
	v3 =	vadd.f32 v6, v4;
	v6 =	vld [tilespmem:s13+$0x2080]  }
0x84: {  	[tilespmem:s13+$0x9000] =	vst v5;
	v4 =	vadd.f32 v1, v4;
	v5 =	vld [tilespmem:s13+$0x3080]  }
0x85: {  	[tilespmem:s13+$0xA000] =	vst v3;
	v1 =	vld [tilespmem:s13+$0x10100]  }
0x86: {  	[tilespmem:s13+$0xB000] =	vst v4;
	v3 =	vadd.f32 v8, v2;
	v8 =	vld [tilespmem:s13+$0x100]  }
0x87: {  	v4 =	vadd.f32 v7, v2;
	v9 =	vld [tilespmem:s13+$0x1100]  }
.Ltmp2:
0x88: {  	[tilespmem:s13+$0x8080] =	vst v3;
	v6 =	vadd.f32 v6, v2;
	v3 =	vld [tilespmem:s13+$0x2100];
	(pc) =	sbr.rel @p1 .LBB2_3-.Ltmp2, $4  }
0x89: {  	[tilespmem:s13+$0x9080] =	vst v4;
	v5 =	vadd.f32 v5, v2;
	v4 =	vld [tilespmem:s13+$0x3100]  }
0x8a: {  	s15 =	sadd.s32 $0x40, s15;
	[tilespmem:s13+$0xA080] =	vst v6;
	v2 =	vld [tilespmem:s13+$0x180]  }
0x8b: {  	s30 =	sand.u32 $0xE00, s15;
	s14 =	sand.u32 $0x70, s29;
	[tilespmem:s13+$0xB080] =	vst v5;
	v7 =	vadd.f32 v8, v1;
	v5 =	vld [tilespmem:s13+$0x1180]  }
0x8c: {  	s29 =	sadd.s32 $0x10, s29;
	s14 =	sor.u32 s14, s30;
	v8 =	vadd.f32 v9, v1;
	v6 =	vld [tilespmem:s13+$0x2180]  }
0x8d: {  	v9 =	vld [tilespmem:s14+$0x10180];
	[tilespmem:s13+$0x8100] =	vst v7;
	v3 =	vadd.f32 v3, v1  }
0x8e: {  	v7 =	vld [tilespmem:s14+$0x3180];
	[tilespmem:s13+$0x9100] =	vst v8;
	v1 =	vadd.f32 v4, v1  }
0x8f: {  	v8 =	vld [tilespmem:s14+$0x10000];
	[tilespmem:s13+$0xA100] =	vst v3;
	v2 =	vadd.f32 v2, v0  }
0x90: {  	v3 =	vld [tilespmem:s14+$0x0];
	[tilespmem:s13+$0xB100] =	vst v1;
	v4 =	vadd.f32 v5, v0  }
0x91: {  	v1 =	vld [tilespmem:s14+$0x1000];
	[tilespmem:s13+$0x8180] =	vst v2;
	v0 =	vadd.f32 v6, v0  }
0x92: {  	v2 =	vld [tilespmem:s14+$0x2000];
	[tilespmem:s13+$0x9180] =	vst v4  }
0x93: {  	v4 =	vld [tilespmem:s14+$0x3000];
	[tilespmem:s13+$0xA180] =	vst v0  }
0x94: {  	v0 =	vadd.f32 v7, v9;
	v5 =	vld [tilespmem:s14+$0x10080]  }
0x95: {  	v6 =	vld [tilespmem:s14+$0x80];
	v3 =	vadd.f32 v3, v8  }
0x96: {  	[tilespmem:s14+$0xB180] =	vst v0;
	v0 =	vld [tilespmem:s14+$0x1080];
	v1 =	vadd.f32 v1, v8  }
0x97: {  	[tilespmem:s14+$0x8000] =	vst v3;
	v3 =	vld [tilespmem:s14+$0x2080];
	v2 =	vadd.f32 v2, v8  }
0x98: {  	[tilespmem:s14+$0x9000] =	vst v1;
	v1 =	vld [tilespmem:s14+$0x3080];
	v4 =	vadd.f32 v4, v8  }
0x99: {  	[tilespmem:s14+$0xA000] =	vst v2;
	v2 =	vld [tilespmem:s14+$0x10100]  }
0x9a: {  	[tilespmem:s14+$0xB000] =	vst v4;
	v4 =	vadd.f32 v6, v5;
	v6 =	vld [tilespmem:s14+$0x100]  }
0x9b: {  	v7 =	vld [tilespmem:s14+$0x1100];
	v0 =	vadd.f32 v0, v5  }
0x9c: {  	[tilespmem:s14+$0x8080] =	vst v4;
	v4 =	vld [tilespmem:s14+$0x2100];
	v3 =	vadd.f32 v3, v5  }
0x9d: {  	[tilespmem:s14+$0x9080] =	vst v0;
	v0 =	vld [tilespmem:s14+$0x3100];
	v1 =	vadd.f32 v1, v5  }
0x9e: {  	[tilespmem:s14+$0xA080] =	vst v3;
	v3 =	vld [tilespmem:s14+$0x180]  }
0x9f: {  	v5 =	vld [tilespmem:s14+$0x1180];
	[tilespmem:s14+$0xB080] =	vst v1;
	v1 =	vadd.f32 v6, v2  }
0xa0: {  	v6 =	vadd.f32 v7, v2;
	v7 =	vld [tilespmem:s14+$0x2180]  }
0xa1: {  	[tilespmem:s14+$0x8100] =	vst v1;
	v1 =	vadd.f32 v4, v2  }
0xa2: {  	[tilespmem:s14+$0x9100] =	vst v6;
	v0 =	vadd.f32 v0, v2  }
0xa3: {  	[tilespmem:s14+$0xA100] =	vst v1;
	v1 =	vadd.f32 v3, v9  }
0xa4: {  	[tilespmem:s14+$0xB100] =	vst v0;
	v0 =	vadd.f32 v5, v9  }
0xa5: {  	[tilespmem:s14+$0x8180] =	vst v1;
	v1 =	vadd.f32 v7, v9  }
0xa6: {  	[tilespmem:s14+$0x9180] =	vst v0  }
0xa7: {  	s15 =	sor.u32 $0x100000, s7;
	[tilespmem:s14+$0xA180] =	vst v1;
	s14 =	sadd.s32 s4, s7  }
0xa8: {  	[hbm4b:s14+s22] =	stream.strided.scatter [tilespmem:s24], [sflag:$0x3], $0x1000, s23, s22, $0x38;
	[tilespmem:$0x12000] =	vst v63  }
0xa9: {  	s30 =	sor.u32 $0x200000, s7;
	p1 =	seq.s32 s16, $0x1F;
	s13 =	sadd.s32 s4, s15  }
0xaa: {  	[hbm4b:s13+s22] =	stream.strided.scatter [tilespmem:s25], [sflag:$0x3], $0x1000, s23, s22, $0x38;
	[tilespmem:$0x12000] =	vst v63  }
0xab: {  	s14 =	sadd.s32 s7, s18;
	s7 =	sadd.s32 @!p1 s21, s19;
	s13 =	sadd.s32 s4, s30  }
0xac: {  	[hbm4b:s13+s22] =	stream.strided.scatter [tilespmem:s26], [sflag:$0x3], $0x1000, s23, s22, $0x38;
	[tilespmem:$0x12000] =	vst v63  }
0xad: {  	s29 =	simm.s32 @!p1 $0x0;
	s7 =	sshrl.u32 @!p1 s7, $0x3  }
0xae: {  	[hbm4b:s14+s22] =	stream.strided.scatter [tilespmem:s28], [sflag:$0x3], $0x1000, s23, s22, $0x38;
	[tilespmem:$0x12000] =	vst v63  }
0xaf: {  	s15 =	simm.s32 @!p1 $0x400;
	s13 =	sadd.s32 @!p1 s1, s7;
	s14 =	simm.s32 @!p1 $0x200  }
0xb0: {  	[tilespmem:s29], [sflag:$0x1] =	stream.strided.gather @!p1 [hbm4b:s13+s14], $0x1000, s15, s14, $0x38;
	[tilespmem:$0x12000] =	vst v63  }
0xb1: {  	s30 =	simm.s32 @!p1 $0x1000;
	s29 =	sadd.s32 @!p1 $0x100000, s13  }
0xb2: {  	[tilespmem:s30], [sflag:$0x1] =	stream.strided.gather @!p1 [hbm4b:s29+s14], $0x1000, s15, s14, $0x38;
	[tilespmem:$0x12000] =	vst v63  }
0xb3: {  	s29 =	sor.u32 @!p1 $0x200000, s7  }
0xb4: {  	s30 =	simm.s32 @!p1 $0x2000;
	s29 =	sadd.s32 @!p1 s1, s29  }
0xb5: {  	[tilespmem:s30], [sflag:$0x1] =	stream.strided.gather @!p1 [hbm4b:s29+s14], $0x1000, s15, s14, $0x38;
	[tilespmem:$0x12000] =	vst v63  }
0xb6: {  	s13 =	sadd.s32 @!p1 $0x300000, s13;
	s29 =	simm.s32 @!p1 $0x3000  }
0xb7: {  	[tilespmem:s29], [sflag:$0x1] =	stream.strided.gather @!p1 [hbm4b:s13+s14], $0x1000, s15, s14, $0x38;
	[tilespmem:$0x12000] =	vst v63  }
0xb8: {  	s7 =	sadd.s32 @!p1 s3, s7;
	s13 =	simm.s32 @!p1 $0x10000  }
0xb9: {  	[tilespmem:s13], [sflag:$0x1] =	stream.strided.gather @!p1 [hbm4b:s7+s14], $0x1000, s15, s14, $0x38;
	[tilespmem:$0x12000] =	vst v63  }
0xba: {  	_ =	swait.ge [sflag:s8], $0x1000  }
0xbb: {  	[sflag:s8] =	ssyncset.done $0x0  }
0xbc: {  	[sflag:s8] =	ssyncadd.s32 $0xFFFFF000  }
0xbd: {  	_ =	swait.ge [sflag:s8], $0x1000  }
0xbe: {  	[sflag:s8] =	ssyncset.done $0x0  }
0xbf: {  	[sflag:s8] =	ssyncadd.s32 $0xFFFFF000  }
0xc0: {  	_ =	swait.ge [sflag:s8], $0x1000  }
0xc1: {  	[sflag:s8] =	ssyncset.done $0x0  }
0xc2: {  	[sflag:s8] =	ssyncadd.s32 $0xFFFFF000  }
0xc3: {  	_ =	swait.ge [sflag:s8], $0x1000  }
0xc4: {  	[sflag:s8] =	ssyncset.done $0x0  }
0xc5: {  	[sflag:s8] =	ssyncadd.s32 $0xFFFFF000  }
0xc6: {  	_ =	swait.ge [sflag:s8], $0x1000  }
0xc7: {  	[sflag:s8] =	ssyncset.done $0x0  }
0xc8: {  	s7 =	simm.s32 @!p0 $0x4;
	[sflag:s8] =	ssyncadd.s32 $0xFFFFF000  }
0xc9: {  	_ =	swait.ge @!p0 [sflag:s7], $0x1000  }
0xca: {  	[sflag:s7] =	ssyncset.done @!p0 $0x0  }
0xcb: {  	[sflag:s7] =	ssyncadd.s32 @!p0 $0xFFFFF000  }
0xcc: {  	_ =	swait.ge @!p0 [sflag:s7], $0x1000  }
0xcd: {  	[sflag:s7] =	ssyncset.done @!p0 $0x0  }
0xce: {  	[sflag:s7] =	ssyncadd.s32 @!p0 $0xFFFFF000  }
0xcf: {  	_ =	swait.ge @!p0 [sflag:s7], $0x1000  }
0xd0: {  	[sflag:s7] =	ssyncset.done @!p0 $0x0  }
0xd1: {  	[sflag:s7] =	ssyncadd.s32 @!p0 $0xFFFFF000  }
0xd2: {  	s15 =	simm.s32 $0x0;
	_ =	swait.ge @!p0 [sflag:s7], $0x1000  }
0xd3: {  	s30 =	sand.u32 $0x70, s15;
	s13 =	sand.u32 $0xE00, s15;
	[sflag:s7] =	ssyncset.done @!p0 $0x0  }
0xd4: {  	s13 =	sor.u32 s30, s13;
	[sflag:s7] =	ssyncadd.s32 @!p0 $0xFFFFF000  }
0xd5: {  	v0 =	vld [tilespmem:s13+$0x11180]  }
0xd6: {  	v1 =	vld [tilespmem:s13+$0x7180]  }
0xd7: {  	v2 =	vld [tilespmem:s13+$0x11000]  }
0xd8: {  	v3 =	vld [tilespmem:s13+$0x4000]  }
0xd9: {  	v4 =	vld [tilespmem:s13+$0x5000]  }
0xda: {  	v5 =	vld [tilespmem:s13+$0x6000]  }
0xdb: {  	v6 =	vld [tilespmem:s13+$0x7000]  }
0xdc: {  	v7 =	vld [tilespmem:s13+$0x11080]  }
0xdd: {  	v8 =	vld [tilespmem:s13+$0x4080];
	v1 =	vadd.f32 v1, v0  }
0xde: {  	v9 =	vld [tilespmem:s13+$0x5080];
	v3 =	vadd.f32 v3, v2  }
0xdf: {  	[tilespmem:s13+$0xF180] =	vst v1;
	v1 =	vadd.f32 v4, v2;
	v4 =	vld [tilespmem:s13+$0x6080]  }
0xe0: {  	[tilespmem:s13+$0xC000] =	vst v3;
	v3 =	vadd.f32 v5, v2;
	v5 =	vld [tilespmem:s13+$0x7080];
	v2 =	vadd.f32 v6, v2  }
0xe1: {  	v6 =	vld [tilespmem:s13+$0x4100];
	[tilespmem:s13+$0xD000] =	vst v1  }
0xe2: {  	v1 =	vld [tilespmem:s13+$0x11100];
	[tilespmem:s13+$0xF000] =	vst v2;
	v2 =	vadd.f32 v8, v7  }
0xe3: {  	[tilespmem:s13+$0xE000] =	vst v3;
	v8 =	vld [tilespmem:s13+$0x5100]  }
0xe4: {  	v3 =	vld [tilespmem:s13+$0x6100];
	[tilespmem:s13+$0xC080] =	vst v2;
	v2 =	vadd.f32 v4, v7  }
0xe5: {  	v4 =	vld [tilespmem:s13+$0x7100];
	v5 =	vadd.f32 v5, v7  }
0xe6: {  	s14 =	simm.s32 $0x10;
	s15 =	simm.s32 $0x40;
	v9 =	vadd.f32 v9, v7;
	[tilespmem:s13+$0xE080] =	vst v2;
	v2 =	vld [tilespmem:s13+$0x4180]  }
0xe7: {  	s30 =	sand.u32 $0x70, s14;
	s29 =	sand.u32 $0xE00, s15;
	[tilespmem:s13+$0xF080] =	vst v5;
	v5 =	vld [tilespmem:s13+$0x5180];
	v7 =	vadd.f32 v6, v1  }
0xe8: {  	s14 =	sor.u32 s30, s29;
	s29 =	simm.s32 $0x20;
	s7 =	sor.u32 s6, s21;
	[tilespmem:s13+$0xD080] =	vst v9;
	v8 =	vadd.f32 v8, v1;
	v6 =	vld [tilespmem:s13+$0x6180]  }
.LBB2_5:
0xe9: {  	p0 =	sne.s32 s29, $0x3F0;
	v9 =	vld [tilespmem:s14+$0x11180];
	[tilespmem:s13+$0xC100] =	vst v7;
	v3 =	vadd.f32 v3, v1  }
0xea: {  	v7 =	vld [tilespmem:s14+$0x7180];
	[tilespmem:s13+$0xD100] =	vst v8;
	v1 =	vadd.f32 v4, v1  }
0xeb: {  	v4 =	vld [tilespmem:s14+$0x11000];
	[tilespmem:s13+$0xE100] =	vst v3;
	v2 =	vadd.f32 v2, v0  }
0xec: {  	v3 =	vld [tilespmem:s14+$0x4000];
	[tilespmem:s13+$0xF100] =	vst v1;
	v1 =	vadd.f32 v5, v0  }
0xed: {  	v5 =	vld [tilespmem:s14+$0x5000];
	[tilespmem:s13+$0xC180] =	vst v2;
	v2 =	vadd.f32 v6, v0  }
0xee: {  	v6 =	vld [tilespmem:s14+$0x6000];
	[tilespmem:s13+$0xD180] =	vst v1;
	v0 =	vmov v9  }
0xef: {  	v1 =	vld [tilespmem:s14+$0x7000];
	v7 =	vadd.f32 v7, v0;
	[tilespmem:s13+$0xE180] =	vst v2;
	s13 =	smov.u32 s14  }
0xf0: {  	v2 =	vld [tilespmem:s13+$0x11080]  }
0xf1: {  	v3 =	vadd.f32 v3, v4;
	v8 =	vld [tilespmem:s13+$0x4080];
	[tilespmem:s13+$0xF180] =	vst v7  }
0xf2: {  	v5 =	vadd.f32 v5, v4;
	v7 =	vld [tilespmem:s13+$0x5080]  }
0xf3: {  	[tilespmem:s13+$0xC000] =	vst v3;
	v3 =	vadd.f32 v6, v4;
	v6 =	vld [tilespmem:s13+$0x6080]  }
0xf4: {  	[tilespmem:s13+$0xD000] =	vst v5;
	v4 =	vadd.f32 v1, v4;
	v5 =	vld [tilespmem:s13+$0x7080]  }
0xf5: {  	[tilespmem:s13+$0xE000] =	vst v3;
	v1 =	vld [tilespmem:s13+$0x11100]  }
0xf6: {  	[tilespmem:s13+$0xF000] =	vst v4;
	v3 =	vadd.f32 v8, v2;
	v8 =	vld [tilespmem:s13+$0x4100]  }
0xf7: {  	v4 =	vadd.f32 v7, v2;
	v9 =	vld [tilespmem:s13+$0x5100]  }
.Ltmp3:
0xf8: {  	[tilespmem:s13+$0xC080] =	vst v3;
	v6 =	vadd.f32 v6, v2;
	v3 =	vld [tilespmem:s13+$0x6100];
	(pc) =	sbr.rel @p0 .LBB2_5-.Ltmp3, $4  }
0xf9: {  	[tilespmem:s13+$0xD080] =	vst v4;
	v5 =	vadd.f32 v5, v2;
	v4 =	vld [tilespmem:s13+$0x7100]  }
0xfa: {  	s15 =	sadd.s32 $0x40, s15;
	[tilespmem:s13+$0xE080] =	vst v6;
	v2 =	vld [tilespmem:s13+$0x4180]  }
0xfb: {  	s30 =	sand.u32 $0xE00, s15;
	s14 =	sand.u32 $0x70, s29;
	[tilespmem:s13+$0xF080] =	vst v5;
	v7 =	vadd.f32 v8, v1;
	v5 =	vld [tilespmem:s13+$0x5180]  }
0xfc: {  	s29 =	sadd.s32 $0x10, s29;
	s14 =	sor.u32 s14, s30;
	v8 =	vadd.f32 v9, v1;
	v6 =	vld [tilespmem:s13+$0x6180]  }
0xfd: {  	v9 =	vld [tilespmem:s14+$0x11180];
	[tilespmem:s13+$0xC100] =	vst v7;
	v3 =	vadd.f32 v3, v1  }
0xfe: {  	v7 =	vld [tilespmem:s14+$0x7180];
	[tilespmem:s13+$0xD100] =	vst v8;
	v40 =	vadd.f32 v4, v1  }
0xff: {  	v8 =	vld [tilespmem:s14+$0x11000];
	[tilespmem:s13+$0xE100] =	vst v3;
	v2 =	vadd.f32 v2, v0  }
0x100: {  	v3 =	vld [tilespmem:s14+$0x4000];
	[tilespmem:s13+$0xF100] =	vst v40;
	v41 =	vadd.f32 v5, v0  }
0x101: {  	v1 =	vld [tilespmem:s14+$0x5000];
	[tilespmem:s13+$0xC180] =	vst v2;
	v42 =	vadd.f32 v6, v0  }
0x102: {  	v2 =	vld [tilespmem:s14+$0x6000];
	[tilespmem:s13+$0xD180] =	vst v41  }
0x103: {  	v4 =	vld [tilespmem:s14+$0x7000];
	[tilespmem:s13+$0xE180] =	vst v42  }
0x104: {  	v44 =	vld [tilespmem:s14+$0x11080]  }
0x105: {  	v45 =	vld [tilespmem:s14+$0x4080]  }
0x106: {  	v43 =	vadd.f32 v7, v9;
	v46 =	vld [tilespmem:s14+$0x5080]  }
0x107: {  	v47 =	vld [tilespmem:s14+$0x6080];
	v3 =	vadd.f32 v3, v8  }
0x108: {  	v48 =	vld [tilespmem:s14+$0x7080];
	[tilespmem:s14+$0xF180] =	vst v43;
	v1 =	vadd.f32 v1, v8  }
0x109: {  	v49 =	vld [tilespmem:s14+$0x11100];
	[tilespmem:s14+$0xC000] =	vst v3;
	v2 =	vadd.f32 v2, v8  }
0x10a: {  	v51 =	vld [tilespmem:s14+$0x4100];
	[tilespmem:s14+$0xD000] =	vst v1;
	v4 =	vadd.f32 v4, v8  }
0x10b: {  	v52 =	vld [tilespmem:s14+$0x5100];
	[tilespmem:s14+$0xE000] =	vst v2;
	v50 =	vadd.f32 v45, v44  }
0x10c: {  	v53 =	vld [tilespmem:s14+$0x6100];
	v0 =	vadd.f32 v46, v44;
	[tilespmem:s14+$0xF000] =	vst v4  }
0x10d: {  	v55 =	vld [tilespmem:s14+$0x4180];
	v3 =	vadd.f32 v47, v44;
	[tilespmem:s14+$0xC080] =	vst v50  }
0x10e: {  	v57 =	vld [tilespmem:s14+$0x5180];
	v1 =	vadd.f32 v48, v44;
	[tilespmem:s14+$0xD080] =	vst v0  }
0x10f: {  	v59 =	vld [tilespmem:s14+$0x6180];
	v56 =	vadd.f32 v51, v49;
	[tilespmem:s14+$0xE080] =	vst v3  }
0x110: {  	v54 =	vld [tilespmem:s14+$0x7100];
	v58 =	vadd.f32 v52, v49;
	[tilespmem:s14+$0xF080] =	vst v1  }
0x111: {  	v60 =	vadd.f32 v53, v49;
	[tilespmem:s14+$0xC100] =	vst v56  }
0x112: {  	v61 =	vadd.f32 v55, v9;
	[tilespmem:s14+$0xD100] =	vst v58  }
0x113: {  	v62 =	vadd.f32 v57, v9;
	[tilespmem:s14+$0xE100] =	vst v60  }
0x114: {  	v63 =	vadd.f32 v59, v9;
	[tilespmem:s14+$0xC180] =	vst v61  }
0x115: {  	v0 =	vadd.f32 v54, v49;
	[tilespmem:s14+$0xD180] =	vst v62  }
0x116: {  	s7 =	sshrl.u32 s7, $0x3;
	[tilespmem:s14+$0xE180] =	vst v63  }
0x117: {  	s15 =	sadd.s32 s7, s20;
	s29 =	sor.u32 $0x100040, s7;
	[tilespmem:s14+$0xF100] =	vst v0  }
0x118: {  	[hbm4b:s15+s22] =	stream.strided.scatter [tilespmem:s9], [sflag:$0x4], $0x1000, s23, s22, $0x38;
	[tilespmem:$0x12000] =	vst v63  }
0x119: {  	s13 =	sadd.s32 s4, s29  }
0x11a: {  	[hbm4b:s13+s22] =	stream.strided.scatter [tilespmem:s10], [sflag:$0x4], $0x1000, s23, s22, $0x38;
	[tilespmem:$0x12000] =	vst v63  }
.Ltmp4:
0x11b: {  	s30 =	sor.u32 $0x200040, s7;
	(pc) =	sbr.rel @p1 .LBB2_8-.Ltmp4, $4  }
0x11c: {  	s7 =	sor.u32 $0x300040, s7;
	s13 =	sadd.s32 s4, s30  }
0x11d: {  	[hbm4b:s13+s22] =	stream.strided.scatter [tilespmem:s11], [sflag:$0x4], $0x1000, s23, s22, $0x38;
	[tilespmem:$0x12000] =	vst v63  }
0x11e: {  	s7 =	sadd.s32 s4, s7  }
0x11f: {  	[hbm4b:s7+s22] =	stream.strided.scatter [tilespmem:s12], [sflag:$0x4], $0x1000, s23, s22, $0x38;
	[tilespmem:$0x12000] =	vst v63  }
0x120: {  	s7 =	sadd.s32 s21, s19  }
0x121: {  	s7 =	sshrl.u32 s7, $0x3  }
0x122: {  	s13 =	sor.u32 $0x40, s7  }
0x123: {  	s15 =	simm.s32 $0x4000;
	s14 =	sadd.s32 s1, s13  }
0x124: {  	[tilespmem:s15], [sflag:$0x2] =	stream.strided.gather [hbm4b:s14+s22], $0x1000, s23, s22, $0x38;
	[tilespmem:$0x12000] =	vst v63  }
0x125: {  	s30 =	simm.s32 $0x5000;
	s14 =	sadd.s32 s1, s7  }
0x126: {  	s7 =	sor.u32 $0x200040, s7;
	s29 =	sadd.s32 $0x100040, s14  }
0x127: {  	[tilespmem:s30], [sflag:$0x2] =	stream.strided.gather [hbm4b:s29+s22], $0x1000, s23, s22, $0x38;
	[tilespmem:$0x12000] =	vst v63  }
0x128: {  	s7 =	sadd.s32 s1, s7  }
0x129: {  	[tilespmem:s31], [sflag:$0x2] =	stream.strided.gather [hbm4b:s7+s22], $0x1000, s23, s22, $0x38;
	[tilespmem:$0x12000] =	vst v63  }
.Ltmp5:
0x12a: {  	_ = 	snop;
	(pc) =	sbr.rel .LBB2_2-.Ltmp5, $4  }
0x12b: {  	s29 =	sadd.s32 $0x300040, s14  }
0x12c: {  	[tilespmem:s0], [sflag:$0x2] =	stream.strided.gather [hbm4b:s29+s22], $0x1000, s23, s22, $0x38;
	[tilespmem:$0x12000] =	vst v63  }
0x12d: {  	s16 =	sadd.s32 $0x1, s16;
	s30 =	sadd.s32 s3, s13  }
0x12e: {  	[tilespmem:s2], [sflag:$0x2] =	stream.strided.gather [hbm4b:s30+s22], $0x1000, s23, s22, $0x38;
	[tilespmem:$0x12000] =	vst v63  }
.LBB2_9:
0x12f: {  	_ =	sfence.sel $0x180000  }
0x130: {  	[bflag:$0x0] =	sbarrier.arrive $0xFFFF  }
0x131: {  	_ =	strace $0x90000047  }
0x132: {  	s0 =	stileid.u32;
	[bflag:$0x2] =	sbarrier.arrive $0xFFFF  }
0x133: {  	p0 =	sne.s32 s0, $0x0;
	s0 =	rddreg [dreg:$0x3]  }
0x134: {  	s0 =	sadd.s32 @!p0 $0x100000, s0  }
0x135: {  	[sflag:s0] =	ssyncadd.tile.s32 @!p0 $0x1;
	_ =	shalt  }
.Lfunc_end2:
_tile_overlayer_lowered:
.L_overlay_start_2:
0x136: {  	(tag) =	ssettag $0x2  }
0x137: {  	s0 =	rddreg [dreg:$0x0];
	s2 =	stileid.u32  }
0x138: {  	s1 =	rddreg [dreg:$0x1];
	p0 =	sne.s32 s2, $0x0  }
0x139: {  	s3 =	rddreg [dreg:$0x2];
	[bflag:$0x3] =	sbarrier.arrive $0xFFFF;
	s2 =	simm.s32 @!p0 $0x1C05  }
0x13a: {  	[timem:s3], [sflag:s2] =	dma.local @!p0 [hbm:s0], s1  }
0x13b: {  	s0 =	simm.s32 @!p0 $0x5  }
0x13c: {  	_ =	swait.ge @!p0 [sflag:s0], s1  }
0x13d: {  	s1 =	ssub.s32 @!p0 $0x0, s1;
	[sflag:s0] =	ssyncset.done @!p0 $0x0  }
0x13e: {  	[sflag:s0] =	ssyncadd.s32 @!p0 s1  }
0x13f: {  	[bflag:$0x3] =	sbarrier.arrive $0xFFFF  }
0x140: {  	_ =	shalt  }

</sc_bundles>
